<compile_context>
chip_gen: v7x
topology: tpu7x:2x2x1
jax: 0.10.2.dev20260603
libtpu: 0.0.44.dev20260713+nightly
codegen_flags: <defaults>
</compile_context>

<pallas_src>
import functools

import jax
import jax.numpy as jnp
from jax import lax
from jax.experimental import pallas as pl
from jax.experimental.pallas import tpu as pltpu
from jax.experimental.pallas import tpu_sc as plsc

N = 10000
NP = 10240
D_IN = 128
H1 = 512
H2 = 256
E = 320000
B = 96
NB1 = 105
EP = 32 * NB1 * B
EPT1 = EP // 32
NB2 = 2 * NB1
EPT2 = EP // 16
RPT = NP // 16

_mesh = plsc.VectorSubcoreMesh(core_axis_name="c", subcore_axis_name="s")
_f32 = jnp.float32
_sc_params = pltpu.CompilerParams(needs_layout_passes=False)


def _zero_vmem_block(zb, rows):
    z16 = jnp.zeros((16,), _f32)

    def body(i, carry):
        r = i // 8
        k = i % 8
        zb[r, pl.ds(k * 16, 16)] = z16
        return carry

    lax.fori_loop(0, rows * 8, body, 0)


def _zero_spmem_rows(agg, zb, row0):

    def zcp(t, carry):
        pltpu.sync_copy(zb, agg.at[pl.ds(row0 + t * 64, 64)])
        return carry

    lax.fori_loop(0, RPT // 64, zcp, 0)


def _edge_pipeline(table, agg, idx_src, idx_bufs, idx_sems, rows3,
                   gsems, ssems, nb):

    src3d, dst3d, ibase = idx_src
    ia, ja = idx_bufs
    ias, jas = idx_sems

    def start_ia(k, g):
        pltpu.async_copy(src3d.at[pl.ds(ibase + g, 1)], ia[k], ias[k])

    def wait_ia(k):
        pltpu.make_async_copy(src3d.at[pl.ds(ibase, 1)], ia[k], ias[k]).wait()

    def start_ja(k, g):
        pltpu.async_copy(dst3d.at[pl.ds(ibase + g, 1)], ja[k], jas[k])

    def wait_ja(k):
        pltpu.make_async_copy(dst3d.at[pl.ds(ibase, 1)], ja[k], jas[k]).wait()

    def start_g(k):
        pltpu.async_copy(table.at[ia[k].at[0, 0]], rows3[k], gsems[k])

    def wait_g(k):
        pltpu.make_async_copy(table.at[ia[0].at[0, 0]], rows3[k],
                              gsems[k]).wait()

    def start_s(k):
        pltpu.async_copy(rows3[k], agg.at[ja[k].at[0, 0]], ssems[k], add=True)

    def wait_s(k):
        pltpu.make_async_copy(rows3[k], agg.at[ja[0].at[0, 0]],
                              ssems[k]).wait()

    def step(g, k, m, first):
        wait_g(k)
        wait_ja(k)
        start_s(k)
        start_ia(k, jnp.minimum(g + 3, nb - 1))
        if not first:
            wait_s(m)
        start_ja(m, g + 1)
        wait_ia(m)
        start_g(m)

    start_ia(0, 0)
    start_ja(0, 0)
    start_ia(1, 1)
    start_ia(2, 2)
    wait_ia(0)
    start_g(0)
    step(0, 0, 1, True)
    step(1, 1, 2, True)

    def body(t, carry):
        g2 = 2 + 3 * t
        step(g2, 2, 0, False)
        step(g2 + 1, 0, 1, False)
        step(g2 + 2, 1, 2, False)
        return carry

    lax.fori_loop(0, (nb - 3) // 3, body, 0)
    wait_g(2)
    wait_ja(2)
    start_s(2)
    wait_s(0)
    wait_s(1)
    wait_s(2)
    wait_ia(0)
    wait_ia(1)


@functools.partial(
    pl.kernel,
    mesh=_mesh,
    out_type=jax.ShapeDtypeStruct((64 * NP,), _f32),
    scratch_types=[
        pltpu.VMEM((NP,), _f32),
        pltpu.VMEM((NP,), _f32),
        pltpu.VMEM((EPT1,), jnp.int32),
        pltpu.VMEM((EPT1,), jnp.int32),
    ],
    compiler_params=_sc_params,
)
def _deg_kernel(srcp, dstp, out, hs, hd, ib, jb):
    c = lax.axis_index("c")
    s = lax.axis_index("s")
    wid = s * 2 + c
    z16 = jnp.zeros((16,), _f32)

    def zero(i, carry):
        hs[pl.ds(i * 16, 16)] = z16
        hd[pl.ds(i * 16, 16)] = z16
        return carry

    lax.fori_loop(0, NP // 16, zero, 0)

    pltpu.sync_copy(srcp.at[pl.ds(wid * EPT1, EPT1)], ib)
    pltpu.sync_copy(dstp.at[pl.ds(wid * EPT1, EPT1)], jb)
    ones = jnp.ones((16,), _f32)

    def batch(q, carry):
        plsc.addupdate_scatter(hs, [ib[pl.ds(q * 16, 16)]], ones)
        plsc.addupdate_scatter(hd, [jb[pl.ds(q * 16, 16)]], ones)
        return carry

    lax.fori_loop(0, EPT1 // 16, batch, 0)
    pltpu.sync_copy(hs, out.at[pl.ds(wid * NP, NP)])
    pltpu.sync_copy(hd, out.at[pl.ds((32 + wid) * NP, NP)])


_mp_scratch = [
    pltpu.VMEM_SHARED((NP, D_IN), _f32),
    pltpu.VMEM((1, 1, B), jnp.int32),
    pltpu.VMEM((1, 1, B), jnp.int32),
    pltpu.VMEM((1, 1, B), jnp.int32),
    pltpu.VMEM((1, 1, B), jnp.int32),
    pltpu.VMEM((1, 1, B), jnp.int32),
    pltpu.VMEM((1, 1, B), jnp.int32),
    pltpu.VMEM((B, D_IN), _f32),
    pltpu.VMEM((B, D_IN), _f32),
    pltpu.VMEM((B, D_IN), _f32),
    pltpu.VMEM((64, D_IN), _f32),
] + [pltpu.SemaphoreType.DMA] * 12


@functools.partial(
    pl.kernel,
    mesh=_mesh,
    out_type=[
        jax.ShapeDtypeStruct((NP, D_IN), _f32),
        jax.ShapeDtypeStruct((NP, D_IN), _f32),
    ],
    scratch_types=_mp_scratch,
    compiler_params=_sc_params,
)
def _mp1_kernel(xs, src3d, dst3d, out0, out1, agg, ia0, ia1, ia2,
                ja0, ja1, ja2, r0, r1, r2, zb,
                g0, g1, g2, s0, s1, s2, x0, x1, x2, y0, y1, y2):
    c = lax.axis_index("c")
    s = lax.axis_index("s")
    wid = s * 2 + c
    row0 = s * RPT

    _zero_vmem_block(zb, 64)
    _zero_spmem_rows(agg, zb, row0)
    plsc.subcore_barrier()

    _edge_pipeline(xs, agg, (src3d, dst3d, wid * NB1),
                   ((ia0, ia1, ia2), (ja0, ja1, ja2)),
                   ((x0, x1, x2), (y0, y1, y2)),
                   (r0, r1, r2), (g0, g1, g2), (s0, s1, s2), NB1)
    plsc.subcore_barrier()

    @pl.when(c == 0)
    def _():
        pltpu.sync_copy(agg.at[pl.ds(row0, RPT)], out0.at[pl.ds(row0, RPT)])

    @pl.when(c == 1)
    def _():
        pltpu.sync_copy(agg.at[pl.ds(row0, RPT)], out1.at[pl.ds(row0, RPT)])


@functools.partial(
    pl.kernel,
    mesh=_mesh,
    out_type=[
        jax.ShapeDtypeStruct((NP, D_IN), _f32),
        jax.ShapeDtypeStruct((NP, D_IN), _f32),
    ],
    scratch_types=_mp_scratch,
    compiler_params=_sc_params,
)
def _mp2_kernel(z0, z1, src3d, dst3d, out0, out1, agg, ia0, ia1, ia2,
                ja0, ja1, ja2, r0, r1, r2, zb,
                g0, g1, g2, s0, s1, s2, x0, x1, x2, y0, y1, y2):
    c = lax.axis_index("c")
    s = lax.axis_index("s")
    row0 = s * RPT

    _zero_vmem_block(zb, 64)
    _zero_spmem_rows(agg, zb, row0)
    plsc.subcore_barrier()

    def run(table, out):
        _edge_pipeline(table, agg, (src3d, dst3d, s * NB2),
                       ((ia0, ia1, ia2), (ja0, ja1, ja2)),
                       ((x0, x1, x2), (y0, y1, y2)),
                       (r0, r1, r2), (g0, g1, g2), (s0, s1, s2), NB2)
        plsc.subcore_barrier()
        pltpu.sync_copy(agg.at[pl.ds(row0, RPT)], out.at[pl.ds(row0, RPT)])

    @pl.when(c == 0)
    def _():
        run(z0, out0)

    @pl.when(c == 1)
    def _():
        run(z1, out1)


_RB = 2048


def _prep_body(deg_ref, x_ref, xs_ref, on_ref, in_ref):
    dg = deg_ref[...]
    od = jnp.sum(dg[:32], axis=0)
    idg = jnp.sum(dg[32:], axis=0)
    on = lax.rsqrt(jnp.maximum(od, 1.0))[:, None]
    inn = lax.rsqrt(jnp.maximum(idg, 1.0))[:, None]
    on_ref[...] = on
    in_ref[...] = inn
    xs_ref[...] = x_ref[...] * on


def _prep(deg64, x_pad):
    return pl.pallas_call(
        _prep_body,
        grid=(NP // _RB,),
        in_specs=[
            pl.BlockSpec((64, _RB), lambda i: (0, i)),
            pl.BlockSpec((_RB, D_IN), lambda i: (i, 0)),
        ],
        out_specs=[
            pl.BlockSpec((_RB, D_IN), lambda i: (i, 0)),
            pl.BlockSpec((_RB, 1), lambda i: (i, 0)),
            pl.BlockSpec((_RB, 1), lambda i: (i, 0)),
        ],
        out_shape=[
            jax.ShapeDtypeStruct((NP, D_IN), _f32),
            jax.ShapeDtypeStruct((NP, 1), _f32),
            jax.ShapeDtypeStruct((NP, 1), _f32),
        ],
    )(deg64, x_pad)


_RD = 2048


def _mlp_body(p0, p1, on, inn, w1, b1, w2, z0, z1):
    a = (p0[...] + p1[...]) * inn[...]
    h = lax.dot_general(a, w1[...], (((1,), (0,)), ((), ())),
                        preferred_element_type=_f32)
    h = jnp.maximum(h + b1[...], 0.0)
    t = h * on[...]
    z = lax.dot_general(t, w2[...], (((1,), (0,)), ((), ())),
                        preferred_element_type=_f32)
    z0[...] = z[:, :D_IN]
    z1[...] = z[:, D_IN:]


def _mlp(p0, p1, on, inn, w1, b1r, w2):
    return pl.pallas_call(
        _mlp_body,
        grid=(NP // _RD,),
        in_specs=[
            pl.BlockSpec((_RD, D_IN), lambda i: (i, 0)),
            pl.BlockSpec((_RD, D_IN), lambda i: (i, 0)),
            pl.BlockSpec((_RD, 1), lambda i: (i, 0)),
            pl.BlockSpec((_RD, 1), lambda i: (i, 0)),
            pl.BlockSpec((D_IN, H1), lambda i: (0, 0)),
            pl.BlockSpec((1, H1), lambda i: (0, 0)),
            pl.BlockSpec((H1, H2), lambda i: (0, 0)),
        ],
        out_specs=[
            pl.BlockSpec((_RD, D_IN), lambda i: (i, 0)),
            pl.BlockSpec((_RD, D_IN), lambda i: (i, 0)),
        ],
        out_shape=[
            jax.ShapeDtypeStruct((NP, D_IN), _f32),
            jax.ShapeDtypeStruct((NP, D_IN), _f32),
        ],
    )(p0, p1, on, inn, w1, b1r, w2)


_RF = 2000


def _fin_body(a0, a1, inn, b2, out):
    z = jnp.concatenate([a0[...], a1[...]], axis=1)
    out[...] = z * inn[...] + b2[...]


def _fin(a0, a1, inn, b2r):
    return pl.pallas_call(
        _fin_body,
        grid=(N // _RF,),
        in_specs=[
            pl.BlockSpec((_RF, D_IN), lambda i: (i, 0)),
            pl.BlockSpec((_RF, D_IN), lambda i: (i, 0)),
            pl.BlockSpec((_RF, 1), lambda i: (i, 0)),
            pl.BlockSpec((1, H2), lambda i: (0, 0)),
        ],
        out_specs=pl.BlockSpec((_RF, H2), lambda i: (i, 0)),
        out_shape=jax.ShapeDtypeStruct((N, H2), _f32),
    )(a0, a1, inn, b2r)


def kernel(in_feat, edge_index, W1, b1, W2, b2):
    src = edge_index[0].astype(jnp.int32)
    dst = edge_index[1].astype(jnp.int32)
    pad = N + jnp.arange(EP - E, dtype=jnp.int32) % (NP - N)
    srcp = jnp.concatenate([src, pad])
    dstp = jnp.concatenate([dst, pad])
    src3d = srcp.reshape(EP // B, 1, B)
    dst3d = dstp.reshape(EP // B, 1, B)
    x_pad = jnp.pad(in_feat, ((0, NP - N), (0, 0)))
    b1r = b1.reshape(1, H1)
    b2r = b2.reshape(1, H2)

    deg_flat = _deg_kernel(srcp, dstp)
    deg64 = deg_flat.reshape(64, NP)
    xs, on, inn = _prep(deg64, x_pad)
    p0, p1 = _mp1_kernel(xs, src3d, dst3d)
    z0, z1 = _mlp(p0, p1, on, inn, W1, b1r, W2)
    a0, a1 = _mp2_kernel(z0, z1, src3d, dst3d)
    return _fin(a0, a1, inn, b2r)

# --- scband reference (transcript-rebuilt; emitter-appended) ---
"""Pipeline reference for scband-my-gcn-1116691497490 (READ-ONLY COPY).

The authoritative reference and input builder live on the scoring server;
editing this copy changes nothing except your own understanding.
"""

import jax, jax.numpy as jnp
import numpy as np

N = 10000
E = 320000
D_IN = 128
H1 = 512
H2 = 256


def setup_inputs(seed: int = 0) -> dict:
    key = jax.random.key(seed)
    k1, k2, k3, k4 = jax.random.split(key, 4)
    in_feat = jax.random.normal(k1, (N, D_IN), dtype=jnp.float32)
    edge_index = jax.random.randint(k2, (2, E), 0, N)
    W1 = jax.random.normal(k3, (D_IN, H1), dtype=jnp.float32) * (1.0 / np.sqrt(D_IN))
    b1 = jnp.zeros((H1,), dtype=jnp.float32)
    W2 = jax.random.normal(k4, (H1, H2), dtype=jnp.float32) * (1.0 / np.sqrt(H1))
    b2 = jnp.zeros((H2,), dtype=jnp.float32)
    return {"in_feat": in_feat, "edge_index": edge_index, "W1": W1, "b1": b1, "W2": W2, "b2": b2}


def _graph_conv(x, src, dst, W, b, out_norm, in_norm):
    # DGL GraphConv with norm='both':  h = D_dst^{-1/2} A D_src^{-1/2} x W + b
    x = x * out_norm[:, None]
    m = jnp.take(x, src, axis=0)                       # gather over edges
    agg = jnp.zeros((N, x.shape[1]), dtype=x.dtype).at[dst].add(m)  # scatter-add
    agg = agg * in_norm[:, None]
    return agg @ W + b


def reference(in_feat, edge_index, W1, b1, W2, b2):
    src = edge_index[0]
    dst = edge_index[1]
    ones = jnp.ones((E,), dtype=jnp.float32)
    out_deg = jnp.zeros((N,), dtype=jnp.float32).at[src].add(ones)
    in_deg = jnp.zeros((N,), dtype=jnp.float32).at[dst].add(ones)
    out_norm = jax.lax.rsqrt(jnp.clip(out_deg, 1.0, None))
    in_norm = jax.lax.rsqrt(jnp.clip(in_deg, 1.0, None))
    h = _graph_conv(in_feat, src, dst, W1, b1, out_norm, in_norm)
    h = jax.nn.relu(h)
    h = _graph_conv(h, src, dst, W2, b2, out_norm, in_norm)
    return h

if __name__ == "__main__":
    import jax
    _d = setup_inputs()
    print(jax.jit(kernel)(*tuple(_d.values())))

</pallas_src>

<mosaic_0001>
#map = affine_map<(d0, d1) -> (0, 0)>
#map1 = affine_map<(d0, d1) -> (0, 0, 0)>
module attributes {stable_mosaic.version = 14 : i64} {
  func.func @_mp1_kernel(%arg0: i32, %arg1: i32, %arg2: memref<10240x128xf32, #tpu.memory_space<hbm>>, %arg3: memref<3360x1x96xi32, #tpu.memory_space<hbm>>, %arg4: memref<3360x1x96xi32, #tpu.memory_space<hbm>>, %arg5: memref<10240x128xf32, #tpu.memory_space<hbm>>, %arg6: memref<10240x128xf32, #tpu.memory_space<hbm>>, %arg7: memref<10240x128xf32, #tpu.memory_space<vmem_shared>>, %arg8: memref<1x1x96xi32, #tpu.memory_space<vmem>>, %arg9: memref<1x1x96xi32, #tpu.memory_space<vmem>>, %arg10: memref<1x1x96xi32, #tpu.memory_space<vmem>>, %arg11: memref<1x1x96xi32, #tpu.memory_space<vmem>>, %arg12: memref<1x1x96xi32, #tpu.memory_space<vmem>>, %arg13: memref<1x1x96xi32, #tpu.memory_space<vmem>>, %arg14: memref<96x128xf32, #tpu.memory_space<vmem>>, %arg15: memref<96x128xf32, #tpu.memory_space<vmem>>, %arg16: memref<96x128xf32, #tpu.memory_space<vmem>>, %arg17: memref<64x128xf32, #tpu.memory_space<vmem>>, %arg18: memref<!tpu.dma_semaphore, #tpu.memory_space<semaphore_mem>>, %arg19: memref<!tpu.dma_semaphore, #tpu.memory_space<semaphore_mem>>, %arg20: memref<!tpu.dma_semaphore, #tpu.memory_space<semaphore_mem>>, %arg21: memref<!tpu.dma_semaphore, #tpu.memory_space<semaphore_mem>>, %arg22: memref<!tpu.dma_semaphore, #tpu.memory_space<semaphore_mem>>, %arg23: memref<!tpu.dma_semaphore, #tpu.memory_space<semaphore_mem>>, %arg24: memref<!tpu.dma_semaphore, #tpu.memory_space<semaphore_mem>>, %arg25: memref<!tpu.dma_semaphore, #tpu.memory_space<semaphore_mem>>, %arg26: memref<!tpu.dma_semaphore, #tpu.memory_space<semaphore_mem>>, %arg27: memref<!tpu.dma_semaphore, #tpu.memory_space<semaphore_mem>>, %arg28: memref<!tpu.dma_semaphore, #tpu.memory_space<semaphore_mem>>, %arg29: memref<!tpu.dma_semaphore, #tpu.memory_space<semaphore_mem>>) attributes {dimension_semantics = [#tpu.dimension_semantics<core_parallel>, #tpu.dimension_semantics<subcore_parallel>], iteration_bounds = array<i64: 2, 16>, scalar_prefetch = 0 : i64, scratch_operands = 23 : i64, tpu.core_type = #tpu.core_type<sc_vector_subcore>, window_params = [{transform_indices = #map}, {transform_indices = #map1}, {transform_indices = #map1}, {transform_indices = #map}, {transform_indices = #map}]} {
    %mul3A = arith.constant 2 : i32
    %mul3A_0 = arith.muli %arg1, %mul3A : i32
    %add3A = arith.addi %mul3A_0, %arg0 : i32
    %mul3A_1 = arith.constant 640 : i32
    %mul3A_2 = arith.muli %arg1, %mul3A_1 : i32
    %broadcast_in_dim3A = arith.constant 0.000000e+00 : f32
    %broadcast_in_dim3A_3 = vector.broadcast %broadcast_in_dim3A : f32 to vector<16xf32>
    %scan3A = arith.constant 0 : i32
    %scan3A_4 = arith.constant 0 : i32
    %scan3A_5 = arith.constant 512 : i32
    %scan3A_6 = arith.addi %scan3A_4, %scan3A_5 : i32
    %scan3A_7 = arith.constant 1 : i32
    scf.for %scan3A_240 = %scan3A_4 to %scan3A_6 step %scan3A_7  : i32 {
      %jit3A = arith.constant 8 : i32
      %div3A = arith.divsi %scan3A_240, %jit3A : i32
      %sign3A = arith.constant 0 : i32
      %sign3A_241 = arith.cmpi sgt, %scan3A_240, %sign3A : i32
      %sign3A_242 = arith.extui %sign3A_241 : i1 to i32
      %sign3A_243 = arith.constant 0 : i32
      %sign3A_244 = arith.cmpi slt, %scan3A_240, %sign3A_243 : i32
      %sign3A_245 = arith.extui %sign3A_244 : i1 to i32
      %sign3A_246 = arith.subi %sign3A_242, %sign3A_245 : i32
      %sign3A_247 = arith.constant 0 : i32
      %sign3A_248 = arith.cmpi sgt, %jit3A, %sign3A_247 : i32
      %sign3A_249 = arith.extui %sign3A_248 : i1 to i32
      %sign3A_250 = arith.constant 0 : i32
      %sign3A_251 = arith.cmpi slt, %jit3A, %sign3A_250 : i32
      %sign3A_252 = arith.extui %sign3A_251 : i1 to i32
      %sign3A_253 = arith.subi %sign3A_249, %sign3A_252 : i32
      %ne3A = arith.cmpi ne, %sign3A_246, %sign3A_253 : i32
      %rem3A = arith.remsi %scan3A_240, %jit3A : i32
      %ne3A_254 = arith.constant 0 : i32
      %ne3A_255 = arith.cmpi ne, %rem3A, %ne3A_254 : i32
      %and3A = arith.andi %ne3A, %ne3A_255 : i1
      %sub3A = arith.constant 1 : i32
      %sub3A_256 = arith.subi %div3A, %sub3A : i32
      %select_n3A = arith.select %and3A, %sub3A_256, %div3A : i32
      %jit3A_257 = arith.constant 8 : i32
      %eq3A_258 = arith.constant 0 : i32
      %eq3A_259 = arith.cmpi eq, %jit3A_257, %eq3A_258 : i32
      %jit3A_260 = arith.constant 1 : i32
      %select_n3A_261 = arith.select %eq3A_259, %jit3A_260, %jit3A_257 : i32
      %rem3A_262 = arith.remsi %scan3A_240, %select_n3A_261 : i32
      %ne3A_263 = arith.constant 0 : i32
      %ne3A_264 = arith.cmpi ne, %rem3A_262, %ne3A_263 : i32
      %lt3A = arith.constant 0 : i32
      %lt3A_265 = arith.cmpi slt, %rem3A_262, %lt3A : i32
      %lt3A_266 = arith.constant 0 : i32
      %lt3A_267 = arith.cmpi slt, %select_n3A_261, %lt3A_266 : i32
      %ne3A_268 = arith.xori %lt3A_265, %lt3A_267 : i1
      %and3A_269 = arith.andi %ne3A_268, %ne3A_264 : i1
      %add3A_270 = arith.addi %rem3A_262, %select_n3A_261 : i32
      %select_n3A_271 = arith.select %and3A_269, %add3A_270, %rem3A_262 : i32
      %mul3A_272 = arith.constant 16 : i32
      %mul3A_273 = arith.muli %select_n3A_271, %mul3A_272 : i32
      %swap3A = arith.index_cast %select_n3A : i32 to index
      %swap3A_274 = arith.index_cast %mul3A_273 : i32 to index
      %swap3A_275 = tpu.vector_load %arg17[%swap3A, %swap3A_274] {strides = array<i32>} : memref<64x128xf32, #tpu.memory_space<vmem>>, vector<16xf32>,
      tpu.vector_store %arg17[%swap3A, %swap3A_274], %broadcast_in_dim3A_3 {strides = array<i32>} : memref<64x128xf32, #tpu.memory_space<vmem>>, vector<16xf32>,
    }
    %scan3A_8 = arith.constant 512 : i32
    %scan3A_9 = arith.constant 0 : i32
    %scan3A_10 = arith.constant 0 : i32
    %scan3A_11 = arith.constant 10 : i32
    %scan3A_12 = arith.addi %scan3A_10, %scan3A_11 : i32
    %scan3A_13 = arith.constant 1 : i32
    scf.for %scan3A_240 = %scan3A_10 to %scan3A_12 step %scan3A_13  : i32 {
      %mul3A_241 = arith.constant 64 : i32
      %mul3A_242 = arith.muli %scan3A_240, %mul3A_241 : i32
      %add3A_243 = arith.addi %mul3A_2, %mul3A_242 : i32
      "tpu.region"() ({
        %run_scoped3A = tpu.sem_alloc : memref<!tpu.dma_semaphore, #tpu.memory_space<semaphore_mem>>
        %dma_start3A_244 = arith.constant 0 : i32
        %dma_start3A_245 = tpu.memref_slice %arg7[%add3A_243, %dma_start3A_244] : memref<10240x128xf32, #tpu.memory_space<vmem_shared>> -> memref<64x128xf32, #tpu.memory_space<vmem_shared>>
        %dma_start3A_246 = arith.constant 0 : i32
        %dma_start3A_247 = tpu.memref_slice %arg7[%add3A_243, %dma_start3A_246] : memref<10240x128xf32, #tpu.memory_space<vmem_shared>> -> memref<64x128xf32, #tpu.memory_space<vmem_shared>>
        tpu.enqueue_dma source(%arg17 : memref<64x128xf32, #tpu.memory_space<vmem>>) target(%dma_start3A_247 : memref<64x128xf32, #tpu.memory_space<vmem_shared>>) target_semaphore(%run_scoped3A : memref<!tpu.dma_semaphore, #tpu.memory_space<semaphore_mem>>)
        %dma_wait3A_248 = arith.constant 0 : i32
        %dma_wait3A_249 = tpu.memref_slice %arg7[%add3A_243, %dma_wait3A_248] : memref<10240x128xf32, #tpu.memory_space<vmem_shared>> -> memref<64x128xf32, #tpu.memory_space<vmem_shared>>
        %dma_wait3A_250 = arith.constant 0 : i32
        %dma_wait3A_251 = tpu.memref_slice %arg7[%add3A_243, %dma_wait3A_250] : memref<10240x128xf32, #tpu.memory_space<vmem_shared>> -> memref<64x128xf32, #tpu.memory_space<vmem_shared>>
        tpu.wait_dma2 semaphore(%run_scoped3A : memref<!tpu.dma_semaphore, #tpu.memory_space<semaphore_mem>>) src(%arg17 : memref<64x128xf32, #tpu.memory_space<vmem>>) dst(%dma_wait3A_251 : memref<64x128xf32, #tpu.memory_space<vmem_shared>>)
        tpu.yield
      }) : () -> ()
    }
    %scan3A_14 = arith.constant 10 : i32
    %barrier3A = arith.constant 0 : index
    tpu.barrier barrier_id(%barrier3A)
    %mul3A_15 = arith.constant 105 : i32
    %mul3A_16 = arith.muli %add3A, %mul3A_15 : i32
    %add3A_17 = arith.constant 0 : i32
    %add3A_18 = arith.addi %mul3A_16, %add3A_17 : i32
    %dma_start3A = arith.constant 0 : i32
    %dma_start3A_19 = arith.constant 0 : i32
    %dma_start3A_20 = tpu.memref_slice %arg3[%add3A_18, %dma_start3A, %dma_start3A_19] : memref<3360x1x96xi32, #tpu.memory_space<hbm>> -> memref<1x1x96xi32, #tpu.memory_space<hbm>>
    %dma_start3A_21 = arith.constant 0 : i32
    %dma_start3A_22 = arith.constant 0 : i32
    %dma_start3A_23 = tpu.memref_slice %arg3[%add3A_18, %dma_start3A_21, %dma_start3A_22] : memref<3360x1x96xi32, #tpu.memory_space<hbm>> -> memref<1x1x96xi32, #tpu.memory_space<hbm>>
    tpu.enqueue_dma source(%dma_start3A_23 : memref<1x1x96xi32, #tpu.memory_space<hbm>>) target(%arg8 : memref<1x1x96xi32, #tpu.memory_space<vmem>>) target_semaphore(%arg24 : memref<!tpu.dma_semaphore, #tpu.memory_space<semaphore_mem>>)
    %add3A_24 = arith.constant 0 : i32
    %add3A_25 = arith.addi %mul3A_16, %add3A_24 : i32
    %dma_start3A_26 = arith.constant 0 : i32
    %dma_start3A_27 = arith.constant 0 : i32
    %dma_start3A_28 = tpu.memref_slice %arg4[%add3A_25, %dma_start3A_26, %dma_start3A_27] : memref<3360x1x96xi32, #tpu.memory_space<hbm>> -> memref<1x1x96xi32, #tpu.memory_space<hbm>>
    %dma_start3A_29 = arith.constant 0 : i32
    %dma_start3A_30 = arith.constant 0 : i32
    %dma_start3A_31 = tpu.memref_slice %arg4[%add3A_25, %dma_start3A_29, %dma_start3A_30] : memref<3360x1x96xi32, #tpu.memory_space<hbm>> -> memref<1x1x96xi32, #tpu.memory_space<hbm>>
    tpu.enqueue_dma source(%dma_start3A_31 : memref<1x1x96xi32, #tpu.memory_space<hbm>>) target(%arg11 : memref<1x1x96xi32, #tpu.memory_space<vmem>>) target_semaphore(%arg27 : memref<!tpu.dma_semaphore, #tpu.memory_space<semaphore_mem>>)
    %add3A_32 = arith.constant 1 : i32
    %add3A_33 = arith.addi %mul3A_16, %add3A_32 : i32
    %dma_start3A_34 = arith.constant 0 : i32
    %dma_start3A_35 = arith.constant 0 : i32
    %dma_start3A_36 = tpu.memref_slice %arg3[%add3A_33, %dma_start3A_34, %dma_start3A_35] : memref<3360x1x96xi32, #tpu.memory_space<hbm>> -> memref<1x1x96xi32, #tpu.memory_space<hbm>>
    %dma_start3A_37 = arith.constant 0 : i32
    %dma_start3A_38 = arith.constant 0 : i32
    %dma_start3A_39 = tpu.memref_slice %arg3[%add3A_33, %dma_start3A_37, %dma_start3A_38] : memref<3360x1x96xi32, #tpu.memory_space<hbm>> -> memref<1x1x96xi32, #tpu.memory_space<hbm>>
    tpu.enqueue_dma source(%dma_start3A_39 : memref<1x1x96xi32, #tpu.memory_space<hbm>>) target(%arg9 : memref<1x1x96xi32, #tpu.memory_space<vmem>>) target_semaphore(%arg25 : memref<!tpu.dma_semaphore, #tpu.memory_space<semaphore_mem>>)
    %add3A_40 = arith.constant 2 : i32
    %add3A_41 = arith.addi %mul3A_16, %add3A_40 : i32
    %dma_start3A_42 = arith.constant 0 : i32
    %dma_start3A_43 = arith.constant 0 : i32
    %dma_start3A_44 = tpu.memref_slice %arg3[%add3A_41, %dma_start3A_42, %dma_start3A_43] : memref<3360x1x96xi32, #tpu.memory_space<hbm>> -> memref<1x1x96xi32, #tpu.memory_space<hbm>>
    %dma_start3A_45 = arith.constant 0 : i32
    %dma_start3A_46 = arith.constant 0 : i32
    %dma_start3A_47 = tpu.memref_slice %arg3[%add3A_41, %dma_start3A_45, %dma_start3A_46] : memref<3360x1x96xi32, #tpu.memory_space<hbm>> -> memref<1x1x96xi32, #tpu.memory_space<hbm>>
    tpu.enqueue_dma source(%dma_start3A_47 : memref<1x1x96xi32, #tpu.memory_space<hbm>>) target(%arg10 : memref<1x1x96xi32, #tpu.memory_space<vmem>>) target_semaphore(%arg26 : memref<!tpu.dma_semaphore, #tpu.memory_space<semaphore_mem>>)
    %dma_wait3A = arith.constant 0 : i32
    %dma_wait3A_48 = arith.constant 0 : i32
    %dma_wait3A_49 = tpu.memref_slice %arg3[%mul3A_16, %dma_wait3A, %dma_wait3A_48] : memref<3360x1x96xi32, #tpu.memory_space<hbm>> -> memref<1x1x96xi32, #tpu.memory_space<hbm>>
    %dma_wait3A_50 = arith.constant 0 : i32
    %dma_wait3A_51 = arith.constant 0 : i32
    %dma_wait3A_52 = tpu.memref_slice %arg3[%mul3A_16, %dma_wait3A_50, %dma_wait3A_51] : memref<3360x1x96xi32, #tpu.memory_space<hbm>> -> memref<1x1x96xi32, #tpu.memory_space<hbm>>
    tpu.wait_dma2 semaphore(%arg24 : memref<!tpu.dma_semaphore, #tpu.memory_space<semaphore_mem>>) src(%dma_wait3A_52 : memref<1x1x96xi32, #tpu.memory_space<hbm>>) dst(%arg8 : memref<1x1x96xi32, #tpu.memory_space<vmem>>)
    %dma_start3A_53 = arith.constant 0 : i32
    %dma_start3A_54 = arith.constant 0 : i32
    %dma_start3A_55 = arith.constant 0 : i32
    %dma_start3A_56 = tpu.memref_slice %arg8[%dma_start3A_53, %dma_start3A_54, %dma_start3A_55] : memref<1x1x96xi32, #tpu.memory_space<vmem>> -> memref<1x1x96xi32, #tpu.memory_space<vmem>>
    %dma_start3A_57 = tpu.memref_squeeze %dma_start3A_56 : memref<1x1x96xi32, #tpu.memory_space<vmem>> -> memref<96xi32, #tpu.memory_space<vmem>>
    %dma_start3A_58 = arith.constant 0 : i32
    %dma_start3A_59 = arith.constant 0 : i32
    %dma_start3A_60 = tpu.memref_slice %arg2[%dma_start3A_58, %dma_start3A_59] : memref<10240x128xf32, #tpu.memory_space<hbm>> -> memref<10240x128xf32, #tpu.memory_space<hbm>>
    tpu.enqueue_indirect_dma source(%dma_start3A_60 : memref<10240x128xf32, #tpu.memory_space<hbm>>) target(%arg14 : memref<96x128xf32, #tpu.memory_space<vmem>>) offsets(%dma_start3A_57 : memref<96xi32, #tpu.memory_space<vmem>>) semaphore(%arg18 : memref<!tpu.dma_semaphore, #tpu.memory_space<semaphore_mem>>)
    %dma_wait3A_61 = arith.constant 0 : i32
    %dma_wait3A_62 = arith.constant 0 : i32
    %dma_wait3A_63 = arith.constant 0 : i32
    %dma_wait3A_64 = tpu.memref_slice %arg8[%dma_wait3A_61, %dma_wait3A_62, %dma_wait3A_63] : memref<1x1x96xi32, #tpu.memory_space<vmem>> -> memref<1x1x96xi32, #tpu.memory_space<vmem>>
    %dma_wait3A_65 = tpu.memref_squeeze %dma_wait3A_64 : memref<1x1x96xi32, #tpu.memory_space<vmem>> -> memref<96xi32, #tpu.memory_space<vmem>>
    %dma_wait3A_66 = arith.constant 0 : i32
    %dma_wait3A_67 = arith.constant 0 : i32
    %dma_wait3A_68 = tpu.memref_slice %arg2[%dma_wait3A_66, %dma_wait3A_67] : memref<10240x128xf32, #tpu.memory_space<hbm>> -> memref<10240x128xf32, #tpu.memory_space<hbm>>
    tpu.wait_indirect_dma semaphore(%arg18 : memref<!tpu.dma_semaphore, #tpu.memory_space<semaphore_mem>>) src(%dma_wait3A_68 : memref<10240x128xf32, #tpu.memory_space<hbm>>) dst(%arg14 : memref<96x128xf32, #tpu.memory_space<vmem>>)
    %dma_wait3A_69 = arith.constant 0 : i32
    %dma_wait3A_70 = arith.constant 0 : i32
    %dma_wait3A_71 = tpu.memref_slice %arg4[%mul3A_16, %dma_wait3A_69, %dma_wait3A_70] : memref<3360x1x96xi32, #tpu.memory_space<hbm>> -> memref<1x1x96xi32, #tpu.memory_space<hbm>>
    %dma_wait3A_72 = arith.constant 0 : i32
    %dma_wait3A_73 = arith.constant 0 : i32
    %dma_wait3A_74 = tpu.memref_slice %arg4[%mul3A_16, %dma_wait3A_72, %dma_wait3A_73] : memref<3360x1x96xi32, #tpu.memory_space<hbm>> -> memref<1x1x96xi32, #tpu.memory_space<hbm>>
    tpu.wait_dma2 semaphore(%arg27 : memref<!tpu.dma_semaphore, #tpu.memory_space<semaphore_mem>>) src(%dma_wait3A_74 : memref<1x1x96xi32, #tpu.memory_space<hbm>>) dst(%arg11 : memref<1x1x96xi32, #tpu.memory_space<vmem>>)
    %dma_start3A_75 = arith.constant 0 : i32
    %dma_start3A_76 = arith.constant 0 : i32
    %dma_start3A_77 = arith.constant 0 : i32
    %dma_start3A_78 = tpu.memref_slice %arg11[%dma_start3A_75, %dma_start3A_76, %dma_start3A_77] : memref<1x1x96xi32, #tpu.memory_space<vmem>> -> memref<1x1x96xi32, #tpu.memory_space<vmem>>
    %dma_start3A_79 = tpu.memref_squeeze %dma_start3A_78 : memref<1x1x96xi32, #tpu.memory_space<vmem>> -> memref<96xi32, #tpu.memory_space<vmem>>
    %dma_start3A_80 = arith.constant 0 : i32
    %dma_start3A_81 = arith.constant 0 : i32
    %dma_start3A_82 = tpu.memref_slice %arg7[%dma_start3A_80, %dma_start3A_81] : memref<10240x128xf32, #tpu.memory_space<vmem_shared>> -> memref<10240x128xf32, #tpu.memory_space<vmem_shared>>
    tpu.enqueue_indirect_dma source(%arg14 : memref<96x128xf32, #tpu.memory_space<vmem>>) target(%dma_start3A_82 : memref<10240x128xf32, #tpu.memory_space<vmem_shared>>) offsets(%dma_start3A_79 : memref<96xi32, #tpu.memory_space<vmem>>) semaphore(%arg21 : memref<!tpu.dma_semaphore, #tpu.memory_space<semaphore_mem>>) {add = true}
    %min3A = arith.constant 3 : i32
    %min3A_83 = arith.constant 104 : i32
    %min3A_84 = arith.minsi %min3A, %min3A_83 : i32
    %add3A_85 = arith.addi %mul3A_16, %min3A_84 : i32
    %dma_start3A_86 = arith.constant 0 : i32
    %dma_start3A_87 = arith.constant 0 : i32
    %dma_start3A_88 = tpu.memref_slice %arg3[%add3A_85, %dma_start3A_86, %dma_start3A_87] : memref<3360x1x96xi32, #tpu.memory_space<hbm>> -> memref<1x1x96xi32, #tpu.memory_space<hbm>>
    %dma_start3A_89 = arith.constant 0 : i32
    %dma_start3A_90 = arith.constant 0 : i32
    %dma_start3A_91 = tpu.memref_slice %arg3[%add3A_85, %dma_start3A_89, %dma_start3A_90] : memref<3360x1x96xi32, #tpu.memory_space<hbm>> -> memref<1x1x96xi32, #tpu.memory_space<hbm>>
    tpu.enqueue_dma source(%dma_start3A_91 : memref<1x1x96xi32, #tpu.memory_space<hbm>>) target(%arg8 : memref<1x1x96xi32, #tpu.memory_space<vmem>>) target_semaphore(%arg24 : memref<!tpu.dma_semaphore, #tpu.memory_space<semaphore_mem>>)
    %add3A_92 = arith.constant 1 : i32
    %add3A_93 = arith.addi %mul3A_16, %add3A_92 : i32
    %dma_start3A_94 = arith.constant 0 : i32
    %dma_start3A_95 = arith.constant 0 : i32
    %dma_start3A_96 = tpu.memref_slice %arg4[%add3A_93, %dma_start3A_94, %dma_start3A_95] : memref<3360x1x96xi32, #tpu.memory_space<hbm>> -> memref<1x1x96xi32, #tpu.memory_space<hbm>>
    %dma_start3A_97 = arith.constant 0 : i32
    %dma_start3A_98 = arith.constant 0 : i32
    %dma_start3A_99 = tpu.memref_slice %arg4[%add3A_93, %dma_start3A_97, %dma_start3A_98] : memref<3360x1x96xi32, #tpu.memory_space<hbm>> -> memref<1x1x96xi32, #tpu.memory_space<hbm>>
    tpu.enqueue_dma source(%dma_start3A_99 : memref<1x1x96xi32, #tpu.memory_space<hbm>>) target(%arg12 : memref<1x1x96xi32, #tpu.memory_space<vmem>>) target_semaphore(%arg28 : memref<!tpu.dma_semaphore, #tpu.memory_space<semaphore_mem>>)
    %dma_wait3A_100 = arith.constant 0 : i32
    %dma_wait3A_101 = arith.constant 0 : i32
    %dma_wait3A_102 = tpu.memref_slice %arg3[%mul3A_16, %dma_wait3A_100, %dma_wait3A_101] : memref<3360x1x96xi32, #tpu.memory_space<hbm>> -> memref<1x1x96xi32, #tpu.memory_space<hbm>>
    %dma_wait3A_103 = arith.constant 0 : i32
    %dma_wait3A_104 = arith.constant 0 : i32
    %dma_wait3A_105 = tpu.memref_slice %arg3[%mul3A_16, %dma_wait3A_103, %dma_wait3A_104] : memref<3360x1x96xi32, #tpu.memory_space<hbm>> -> memref<1x1x96xi32, #tpu.memory_space<hbm>>
    tpu.wait_dma2 semaphore(%arg25 : memref<!tpu.dma_semaphore, #tpu.memory_space<semaphore_mem>>) src(%dma_wait3A_105 : memref<1x1x96xi32, #tpu.memory_space<hbm>>) dst(%arg9 : memref<1x1x96xi32, #tpu.memory_space<vmem>>)
    %dma_start3A_106 = arith.constant 0 : i32
    %dma_start3A_107 = arith.constant 0 : i32
    %dma_start3A_108 = arith.constant 0 : i32
    %dma_start3A_109 = tpu.memref_slice %arg9[%dma_start3A_106, %dma_start3A_107, %dma_start3A_108] : memref<1x1x96xi32, #tpu.memory_space<vmem>> -> memref<1x1x96xi32, #tpu.memory_space<vmem>>
    %dma_start3A_110 = tpu.memref_squeeze %dma_start3A_109 : memref<1x1x96xi32, #tpu.memory_space<vmem>> -> memref<96xi32, #tpu.memory_space<vmem>>
    %dma_start3A_111 = arith.constant 0 : i32
    %dma_start3A_112 = arith.constant 0 : i32
    %dma_start3A_113 = tpu.memref_slice %arg2[%dma_start3A_111, %dma_start3A_112] : memref<10240x128xf32, #tpu.memory_space<hbm>> -> memref<10240x128xf32, #tpu.memory_space<hbm>>
    tpu.enqueue_indirect_dma source(%dma_start3A_113 : memref<10240x128xf32, #tpu.memory_space<hbm>>) target(%arg15 : memref<96x128xf32, #tpu.memory_space<vmem>>) offsets(%dma_start3A_110 : memref<96xi32, #tpu.memory_space<vmem>>) semaphore(%arg19 : memref<!tpu.dma_semaphore, #tpu.memory_space<semaphore_mem>>)
    %dma_wait3A_114 = arith.constant 0 : i32
    %dma_wait3A_115 = arith.constant 0 : i32
    %dma_wait3A_116 = arith.constant 0 : i32
    %dma_wait3A_117 = tpu.memref_slice %arg8[%dma_wait3A_114, %dma_wait3A_115, %dma_wait3A_116] : memref<1x1x96xi32, #tpu.memory_space<vmem>> -> memref<1x1x96xi32, #tpu.memory_space<vmem>>
    %dma_wait3A_118 = tpu.memref_squeeze %dma_wait3A_117 : memref<1x1x96xi32, #tpu.memory_space<vmem>> -> memref<96xi32, #tpu.memory_space<vmem>>
    %dma_wait3A_119 = arith.constant 0 : i32
    %dma_wait3A_120 = arith.constant 0 : i32
    %dma_wait3A_121 = tpu.memref_slice %arg2[%dma_wait3A_119, %dma_wait3A_120] : memref<10240x128xf32, #tpu.memory_space<hbm>> -> memref<10240x128xf32, #tpu.memory_space<hbm>>
    tpu.wait_indirect_dma semaphore(%arg19 : memref<!tpu.dma_semaphore, #tpu.memory_space<semaphore_mem>>) src(%dma_wait3A_121 : memref<10240x128xf32, #tpu.memory_space<hbm>>) dst(%arg15 : memref<96x128xf32, #tpu.memory_space<vmem>>)
    %dma_wait3A_122 = arith.constant 0 : i32
    %dma_wait3A_123 = arith.constant 0 : i32
    %dma_wait3A_124 = tpu.memref_slice %arg4[%mul3A_16, %dma_wait3A_122, %dma_wait3A_123] : memref<3360x1x96xi32, #tpu.memory_space<hbm>> -> memref<1x1x96xi32, #tpu.memory_space<hbm>>
    %dma_wait3A_125 = arith.constant 0 : i32
    %dma_wait3A_126 = arith.constant 0 : i32
    %dma_wait3A_127 = tpu.memref_slice %arg4[%mul3A_16, %dma_wait3A_125, %dma_wait3A_126] : memref<3360x1x96xi32, #tpu.memory_space<hbm>> -> memref<1x1x96xi32, #tpu.memory_space<hbm>>
    tpu.wait_dma2 semaphore(%arg28 : memref<!tpu.dma_semaphore, #tpu.memory_space<semaphore_mem>>) src(%dma_wait3A_127 : memref<1x1x96xi32, #tpu.memory_space<hbm>>) dst(%arg12 : memref<1x1x96xi32, #tpu.memory_space<vmem>>)
    %dma_start3A_128 = arith.constant 0 : i32
    %dma_start3A_129 = arith.constant 0 : i32
    %dma_start3A_130 = arith.constant 0 : i32
    %dma_start3A_131 = tpu.memref_slice %arg12[%dma_start3A_128, %dma_start3A_129, %dma_start3A_130] : memref<1x1x96xi32, #tpu.memory_space<vmem>> -> memref<1x1x96xi32, #tpu.memory_space<vmem>>
    %dma_start3A_132 = tpu.memref_squeeze %dma_start3A_131 : memref<1x1x96xi32, #tpu.memory_space<vmem>> -> memref<96xi32, #tpu.memory_space<vmem>>
    %dma_start3A_133 = arith.constant 0 : i32
    %dma_start3A_134 = arith.constant 0 : i32
    %dma_start3A_135 = tpu.memref_slice %arg7[%dma_start3A_133, %dma_start3A_134] : memref<10240x128xf32, #tpu.memory_space<vmem_shared>> -> memref<10240x128xf32, #tpu.memory_space<vmem_shared>>
    tpu.enqueue_indirect_dma source(%arg15 : memref<96x128xf32, #tpu.memory_space<vmem>>) target(%dma_start3A_135 : memref<10240x128xf32, #tpu.memory_space<vmem_shared>>) offsets(%dma_start3A_132 : memref<96xi32, #tpu.memory_space<vmem>>) semaphore(%arg22 : memref<!tpu.dma_semaphore, #tpu.memory_space<semaphore_mem>>) {add = true}
    %min3A_136 = arith.constant 4 : i32
    %min3A_137 = arith.constant 104 : i32
    %min3A_138 = arith.minsi %min3A_136, %min3A_137 : i32
    %add3A_139 = arith.addi %mul3A_16, %min3A_138 : i32
    %dma_start3A_140 = arith.constant 0 : i32
    %dma_start3A_141 = arith.constant 0 : i32
    %dma_start3A_142 = tpu.memref_slice %arg3[%add3A_139, %dma_start3A_140, %dma_start3A_141] : memref<3360x1x96xi32, #tpu.memory_space<hbm>> -> memref<1x1x96xi32, #tpu.memory_space<hbm>>
    %dma_start3A_143 = arith.constant 0 : i32
    %dma_start3A_144 = arith.constant 0 : i32
    %dma_start3A_145 = tpu.memref_slice %arg3[%add3A_139, %dma_start3A_143, %dma_start3A_144] : memref<3360x1x96xi32, #tpu.memory_space<hbm>> -> memref<1x1x96xi32, #tpu.memory_space<hbm>>
    tpu.enqueue_dma source(%dma_start3A_145 : memref<1x1x96xi32, #tpu.memory_space<hbm>>) target(%arg9 : memref<1x1x96xi32, #tpu.memory_space<vmem>>) target_semaphore(%arg25 : memref<!tpu.dma_semaphore, #tpu.memory_space<semaphore_mem>>)
    %add3A_146 = arith.constant 2 : i32
    %add3A_147 = arith.addi %mul3A_16, %add3A_146 : i32
    %dma_start3A_148 = arith.constant 0 : i32
    %dma_start3A_149 = arith.constant 0 : i32
    %dma_start3A_150 = tpu.memref_slice %arg4[%add3A_147, %dma_start3A_148, %dma_start3A_149] : memref<3360x1x96xi32, #tpu.memory_space<hbm>> -> memref<1x1x96xi32, #tpu.memory_space<hbm>>
    %dma_start3A_151 = arith.constant 0 : i32
    %dma_start3A_152 = arith.constant 0 : i32
    %dma_start3A_153 = tpu.memref_slice %arg4[%add3A_147, %dma_start3A_151, %dma_start3A_152] : memref<3360x1x96xi32, #tpu.memory_space<hbm>> -> memref<1x1x96xi32, #tpu.memory_space<hbm>>
    tpu.enqueue_dma source(%dma_start3A_153 : memref<1x1x96xi32, #tpu.memory_space<hbm>>) target(%arg13 : memref<1x1x96xi32, #tpu.memory_space<vmem>>) target_semaphore(%arg29 : memref<!tpu.dma_semaphore, #tpu.memory_space<semaphore_mem>>)
    %dma_wait3A_154 = arith.constant 0 : i32
    %dma_wait3A_155 = arith.constant 0 : i32
    %dma_wait3A_156 = tpu.memref_slice %arg3[%mul3A_16, %dma_wait3A_154, %dma_wait3A_155] : memref<3360x1x96xi32, #tpu.memory_space<hbm>> -> memref<1x1x96xi32, #tpu.memory_space<hbm>>
    %dma_wait3A_157 = arith.constant 0 : i32
    %dma_wait3A_158 = arith.constant 0 : i32
    %dma_wait3A_159 = tpu.memref_slice %arg3[%mul3A_16, %dma_wait3A_157, %dma_wait3A_158] : memref<3360x1x96xi32, #tpu.memory_space<hbm>> -> memref<1x1x96xi32, #tpu.memory_space<hbm>>
    tpu.wait_dma2 semaphore(%arg26 : memref<!tpu.dma_semaphore, #tpu.memory_space<semaphore_mem>>) src(%dma_wait3A_159 : memref<1x1x96xi32, #tpu.memory_space<hbm>>) dst(%arg10 : memref<1x1x96xi32, #tpu.memory_space<vmem>>)
    %dma_start3A_160 = arith.constant 0 : i32
    %dma_start3A_161 = arith.constant 0 : i32
    %dma_start3A_162 = arith.constant 0 : i32
    %dma_start3A_163 = tpu.memref_slice %arg10[%dma_start3A_160, %dma_start3A_161, %dma_start3A_162] : memref<1x1x96xi32, #tpu.memory_space<vmem>> -> memref<1x1x96xi32, #tpu.memory_space<vmem>>
    %dma_start3A_164 = tpu.memref_squeeze %dma_start3A_163 : memref<1x1x96xi32, #tpu.memory_space<vmem>> -> memref<96xi32, #tpu.memory_space<vmem>>
    %dma_start3A_165 = arith.constant 0 : i32
    %dma_start3A_166 = arith.constant 0 : i32
    %dma_start3A_167 = tpu.memref_slice %arg2[%dma_start3A_165, %dma_start3A_166] : memref<10240x128xf32, #tpu.memory_space<hbm>> -> memref<10240x128xf32, #tpu.memory_space<hbm>>
    tpu.enqueue_indirect_dma source(%dma_start3A_167 : memref<10240x128xf32, #tpu.memory_space<hbm>>) target(%arg16 : memref<96x128xf32, #tpu.memory_space<vmem>>) offsets(%dma_start3A_164 : memref<96xi32, #tpu.memory_space<vmem>>) semaphore(%arg20 : memref<!tpu.dma_semaphore, #tpu.memory_space<semaphore_mem>>)
    %scan3A_168 = arith.constant 0 : i32
    %scan3A_169 = arith.constant 0 : i32
    %scan3A_170 = arith.constant 34 : i32
    %scan3A_171 = arith.addi %scan3A_169, %scan3A_170 : i32
    %scan3A_172 = arith.constant 1 : i32
    scf.for %scan3A_240 = %scan3A_169 to %scan3A_171 step %scan3A_172  : i32 {
      %mul3A_241 = arith.constant 3 : i32
      %mul3A_242 = arith.muli %mul3A_241, %scan3A_240 : i32
      %add3A_243 = arith.constant 2 : i32
      %add3A_244 = arith.addi %add3A_243, %mul3A_242 : i32
      %dma_wait3A_245 = arith.constant 0 : i32
      %dma_wait3A_246 = arith.constant 0 : i32
      %dma_wait3A_247 = arith.constant 0 : i32
      %dma_wait3A_248 = tpu.memref_slice %arg8[%dma_wait3A_245, %dma_wait3A_246, %dma_wait3A_247] : memref<1x1x96xi32, #tpu.memory_space<vmem>> -> memref<1x1x96xi32, #tpu.memory_space<vmem>>
      %dma_wait3A_249 = tpu.memref_squeeze %dma_wait3A_248 : memref<1x1x96xi32, #tpu.memory_space<vmem>> -> memref<96xi32, #tpu.memory_space<vmem>>
      %dma_wait3A_250 = arith.constant 0 : i32
      %dma_wait3A_251 = arith.constant 0 : i32
      %dma_wait3A_252 = tpu.memref_slice %arg2[%dma_wait3A_250, %dma_wait3A_251] : memref<10240x128xf32, #tpu.memory_space<hbm>> -> memref<10240x128xf32, #tpu.memory_space<hbm>>
      tpu.wait_indirect_dma semaphore(%arg20 : memref<!tpu.dma_semaphore, #tpu.memory_space<semaphore_mem>>) src(%dma_wait3A_252 : memref<10240x128xf32, #tpu.memory_space<hbm>>) dst(%arg16 : memref<96x128xf32, #tpu.memory_space<vmem>>)
      %dma_wait3A_253 = arith.constant 0 : i32
      %dma_wait3A_254 = arith.constant 0 : i32
      %dma_wait3A_255 = tpu.memref_slice %arg4[%mul3A_16, %dma_wait3A_253, %dma_wait3A_254] : memref<3360x1x96xi32, #tpu.memory_space<hbm>> -> memref<1x1x96xi32, #tpu.memory_space<hbm>>
      %dma_wait3A_256 = arith.constant 0 : i32
      %dma_wait3A_257 = arith.constant 0 : i32
      %dma_wait3A_258 = tpu.memref_slice %arg4[%mul3A_16, %dma_wait3A_256, %dma_wait3A_257] : memref<3360x1x96xi32, #tpu.memory_space<hbm>> -> memref<1x1x96xi32, #tpu.memory_space<hbm>>
      tpu.wait_dma2 semaphore(%arg29 : memref<!tpu.dma_semaphore, #tpu.memory_space<semaphore_mem>>) src(%dma_wait3A_258 : memref<1x1x96xi32, #tpu.memory_space<hbm>>) dst(%arg13 : memref<1x1x96xi32, #tpu.memory_space<vmem>>)
      %dma_start3A_259 = arith.constant 0 : i32
      %dma_start3A_260 = arith.constant 0 : i32
      %dma_start3A_261 = arith.constant 0 : i32
      %dma_start3A_262 = tpu.memref_slice %arg13[%dma_start3A_259, %dma_start3A_260, %dma_start3A_261] : memref<1x1x96xi32, #tpu.memory_space<vmem>> -> memref<1x1x96xi32, #tpu.memory_space<vmem>>
      %dma_start3A_263 = tpu.memref_squeeze %dma_start3A_262 : memref<1x1x96xi32, #tpu.memory_space<vmem>> -> memref<96xi32, #tpu.memory_space<vmem>>
      %dma_start3A_264 = arith.constant 0 : i32
      %dma_start3A_265 = arith.constant 0 : i32
      %dma_start3A_266 = tpu.memref_slice %arg7[%dma_start3A_264, %dma_start3A_265] : memref<10240x128xf32, #tpu.memory_space<vmem_shared>> -> memref<10240x128xf32, #tpu.memory_space<vmem_shared>>
      tpu.enqueue_indirect_dma source(%arg16 : memref<96x128xf32, #tpu.memory_space<vmem>>) target(%dma_start3A_266 : memref<10240x128xf32, #tpu.memory_space<vmem_shared>>) offsets(%dma_start3A_263 : memref<96xi32, #tpu.memory_space<vmem>>) semaphore(%arg23 : memref<!tpu.dma_semaphore, #tpu.memory_space<semaphore_mem>>) {add = true}
      %add3A_267 = arith.constant 3 : i32
      %add3A_268 = arith.addi %add3A_244, %add3A_267 : i32
      %min3A_269 = arith.constant 104 : i32
      %min3A_270 = arith.minsi %add3A_268, %min3A_269 : i32
      %add3A_271 = arith.addi %mul3A_16, %min3A_270 : i32
      %dma_start3A_272 = arith.constant 0 : i32
      %dma_start3A_273 = arith.constant 0 : i32
      %dma_start3A_274 = tpu.memref_slice %arg3[%add3A_271, %dma_start3A_272, %dma_start3A_273] : memref<3360x1x96xi32, #tpu.memory_space<hbm>> -> memref<1x1x96xi32, #tpu.memory_space<hbm>>
      %dma_start3A_275 = arith.constant 0 : i32
      %dma_start3A_276 = arith.constant 0 : i32
      %dma_start3A_277 = tpu.memref_slice %arg3[%add3A_271, %dma_start3A_275, %dma_start3A_276] : memref<3360x1x96xi32, #tpu.memory_space<hbm>> -> memref<1x1x96xi32, #tpu.memory_space<hbm>>
      tpu.enqueue_dma source(%dma_start3A_277 : memref<1x1x96xi32, #tpu.memory_space<hbm>>) target(%arg10 : memref<1x1x96xi32, #tpu.memory_space<vmem>>) target_semaphore(%arg26 : memref<!tpu.dma_semaphore, #tpu.memory_space<semaphore_mem>>)
      %dma_wait3A_278 = arith.constant 0 : i32
      %dma_wait3A_279 = arith.constant 0 : i32
      %dma_wait3A_280 = arith.constant 0 : i32
      %dma_wait3A_281 = tpu.memref_slice %arg11[%dma_wait3A_278, %dma_wait3A_279, %dma_wait3A_280] : memref<1x1x96xi32, #tpu.memory_space<vmem>> -> memref<1x1x96xi32, #tpu.memory_space<vmem>>
      %dma_wait3A_282 = tpu.memref_squeeze %dma_wait3A_281 : memref<1x1x96xi32, #tpu.memory_space<vmem>> -> memref<96xi32, #tpu.memory_space<vmem>>
      %dma_wait3A_283 = arith.constant 0 : i32
      %dma_wait3A_284 = arith.constant 0 : i32
      %dma_wait3A_285 = tpu.memref_slice %arg7[%dma_wait3A_283, %dma_wait3A_284] : memref<10240x128xf32, #tpu.memory_space<vmem_shared>> -> memref<10240x128xf32, #tpu.memory_space<vmem_shared>>
      tpu.wait_indirect_dma semaphore(%arg21 : memref<!tpu.dma_semaphore, #tpu.memory_space<semaphore_mem>>) src(%arg14 : memref<96x128xf32, #tpu.memory_space<vmem>>) dst(%dma_wait3A_285 : memref<10240x128xf32, #tpu.memory_space<vmem_shared>>)
      %add3A_286 = arith.constant 1 : i32
      %add3A_287 = arith.addi %add3A_244, %add3A_286 : i32
      %add3A_288 = arith.addi %mul3A_16, %add3A_287 : i32
      %dma_start3A_289 = arith.constant 0 : i32
      %dma_start3A_290 = arith.constant 0 : i32
      %dma_start3A_291 = tpu.memref_slice %arg4[%add3A_288, %dma_start3A_289, %dma_start3A_290] : memref<3360x1x96xi32, #tpu.memory_space<hbm>> -> memref<1x1x96xi32, #tpu.memory_space<hbm>>
      %dma_start3A_292 = arith.constant 0 : i32
      %dma_start3A_293 = arith.constant 0 : i32
      %dma_start3A_294 = tpu.memref_slice %arg4[%add3A_288, %dma_start3A_292, %dma_start3A_293] : memref<3360x1x96xi32, #tpu.memory_space<hbm>> -> memref<1x1x96xi32, #tpu.memory_space<hbm>>
      tpu.enqueue_dma source(%dma_start3A_294 : memref<1x1x96xi32, #tpu.memory_space<hbm>>) target(%arg11 : memref<1x1x96xi32, #tpu.memory_space<vmem>>) target_semaphore(%arg27 : memref<!tpu.dma_semaphore, #tpu.memory_space<semaphore_mem>>)
      %dma_wait3A_295 = arith.constant 0 : i32
      %dma_wait3A_296 = arith.constant 0 : i32
      %dma_wait3A_297 = tpu.memref_slice %arg3[%mul3A_16, %dma_wait3A_295, %dma_wait3A_296] : memref<3360x1x96xi32, #tpu.memory_space<hbm>> -> memref<1x1x96xi32, #tpu.memory_space<hbm>>
      %dma_wait3A_298 = arith.constant 0 : i32
      %dma_wait3A_299 = arith.constant 0 : i32
      %dma_wait3A_300 = tpu.memref_slice %arg3[%mul3A_16, %dma_wait3A_298, %dma_wait3A_299] : memref<3360x1x96xi32, #tpu.memory_space<hbm>> -> memref<1x1x96xi32, #tpu.memory_space<hbm>>
      tpu.wait_dma2 semaphore(%arg24 : memref<!tpu.dma_semaphore, #tpu.memory_space<semaphore_mem>>) src(%dma_wait3A_300 : memref<1x1x96xi32, #tpu.memory_space<hbm>>) dst(%arg8 : memref<1x1x96xi32, #tpu.memory_space<vmem>>)
      %dma_start3A_301 = arith.constant 0 : i32
      %dma_start3A_302 = arith.constant 0 : i32
      %dma_start3A_303 = arith.constant 0 : i32
      %dma_start3A_304 = tpu.memref_slice %arg8[%dma_start3A_301, %dma_start3A_302, %dma_start3A_303] : memref<1x1x96xi32, #tpu.memory_space<vmem>> -> memref<1x1x96xi32, #tpu.memory_space<vmem>>
      %dma_start3A_305 = tpu.memref_squeeze %dma_start3A_304 : memref<1x1x96xi32, #tpu.memory_space<vmem>> -> memref<96xi32, #tpu.memory_space<vmem>>
      %dma_start3A_306 = arith.constant 0 : i32
      %dma_start3A_307 = arith.constant 0 : i32
      %dma_start3A_308 = tpu.memref_slice %arg2[%dma_start3A_306, %dma_start3A_307] : memref<10240x128xf32, #tpu.memory_space<hbm>> -> memref<10240x128xf32, #tpu.memory_space<hbm>>
      tpu.enqueue_indirect_dma source(%dma_start3A_308 : memref<10240x128xf32, #tpu.memory_space<hbm>>) target(%arg14 : memref<96x128xf32, #tpu.memory_space<vmem>>) offsets(%dma_start3A_305 : memref<96xi32, #tpu.memory_space<vmem>>) semaphore(%arg18 : memref<!tpu.dma_semaphore, #tpu.memory_space<semaphore_mem>>)
      %add3A_309 = arith.constant 1 : i32
      %add3A_310 = arith.addi %add3A_244, %add3A_309 : i32
      %dma_wait3A_311 = arith.constant 0 : i32
      %dma_wait3A_312 = arith.constant 0 : i32
      %dma_wait3A_313 = arith.constant 0 : i32
      %dma_wait3A_314 = tpu.memref_slice %arg8[%dma_wait3A_311, %dma_wait3A_312, %dma_wait3A_313] : memref<1x1x96xi32, #tpu.memory_space<vmem>> -> memref<1x1x96xi32, #tpu.memory_space<vmem>>
      %dma_wait3A_315 = tpu.memref_squeeze %dma_wait3A_314 : memref<1x1x96xi32, #tpu.memory_space<vmem>> -> memref<96xi32, #tpu.memory_space<vmem>>
      %dma_wait3A_316 = arith.constant 0 : i32
      %dma_wait3A_317 = arith.constant 0 : i32
      %dma_wait3A_318 = tpu.memref_slice %arg2[%dma_wait3A_316, %dma_wait3A_317] : memref<10240x128xf32, #tpu.memory_space<hbm>> -> memref<10240x128xf32, #tpu.memory_space<hbm>>
      tpu.wait_indirect_dma semaphore(%arg18 : memref<!tpu.dma_semaphore, #tpu.memory_space<semaphore_mem>>) src(%dma_wait3A_318 : memref<10240x128xf32, #tpu.memory_space<hbm>>) dst(%arg14 : memref<96x128xf32, #tpu.memory_space<vmem>>)
      %dma_wait3A_319 = arith.constant 0 : i32
      %dma_wait3A_320 = arith.constant 0 : i32
      %dma_wait3A_321 = tpu.memref_slice %arg4[%mul3A_16, %dma_wait3A_319, %dma_wait3A_320] : memref<3360x1x96xi32, #tpu.memory_space<hbm>> -> memref<1x1x96xi32, #tpu.memory_space<hbm>>
      %dma_wait3A_322 = arith.constant 0 : i32
      %dma_wait3A_323 = arith.constant 0 : i32
      %dma_wait3A_324 = tpu.memref_slice %arg4[%mul3A_16, %dma_wait3A_322, %dma_wait3A_323] : memref<3360x1x96xi32, #tpu.memory_space<hbm>> -> memref<1x1x96xi32, #tpu.memory_space<hbm>>
      tpu.wait_dma2 semaphore(%arg27 : memref<!tpu.dma_semaphore, #tpu.memory_space<semaphore_mem>>) src(%dma_wait3A_324 : memref<1x1x96xi32, #tpu.memory_space<hbm>>) dst(%arg11 : memref<1x1x96xi32, #tpu.memory_space<vmem>>)
      %dma_start3A_325 = arith.constant 0 : i32
      %dma_start3A_326 = arith.constant 0 : i32
      %dma_start3A_327 = arith.constant 0 : i32
      %dma_start3A_328 = tpu.memref_slice %arg11[%dma_start3A_325, %dma_start3A_326, %dma_start3A_327] : memref<1x1x96xi32, #tpu.memory_space<vmem>> -> memref<1x1x96xi32, #tpu.memory_space<vmem>>
      %dma_start3A_329 = tpu.memref_squeeze %dma_start3A_328 : memref<1x1x96xi32, #tpu.memory_space<vmem>> -> memref<96xi32, #tpu.memory_space<vmem>>
      %dma_start3A_330 = arith.constant 0 : i32
      %dma_start3A_331 = arith.constant 0 : i32
      %dma_start3A_332 = tpu.memref_slice %arg7[%dma_start3A_330, %dma_start3A_331] : memref<10240x128xf32, #tpu.memory_space<vmem_shared>> -> memref<10240x128xf32, #tpu.memory_space<vmem_shared>>
      tpu.enqueue_indirect_dma source(%arg14 : memref<96x128xf32, #tpu.memory_space<vmem>>) target(%dma_start3A_332 : memref<10240x128xf32, #tpu.memory_space<vmem_shared>>) offsets(%dma_start3A_329 : memref<96xi32, #tpu.memory_space<vmem>>) semaphore(%arg21 : memref<!tpu.dma_semaphore, #tpu.memory_space<semaphore_mem>>) {add = true}
      %add3A_333 = arith.constant 3 : i32
      %add3A_334 = arith.addi %add3A_310, %add3A_333 : i32
      %min3A_335 = arith.constant 104 : i32
      %min3A_336 = arith.minsi %add3A_334, %min3A_335 : i32
      %add3A_337 = arith.addi %mul3A_16, %min3A_336 : i32
      %dma_start3A_338 = arith.constant 0 : i32
      %dma_start3A_339 = arith.constant 0 : i32
      %dma_start3A_340 = tpu.memref_slice %arg3[%add3A_337, %dma_start3A_338, %dma_start3A_339] : memref<3360x1x96xi32, #tpu.memory_space<hbm>> -> memref<1x1x96xi32, #tpu.memory_space<hbm>>
      %dma_start3A_341 = arith.constant 0 : i32
      %dma_start3A_342 = arith.constant 0 : i32
      %dma_start3A_343 = tpu.memref_slice %arg3[%add3A_337, %dma_start3A_341, %dma_start3A_342] : memref<3360x1x96xi32, #tpu.memory_space<hbm>> -> memref<1x1x96xi32, #tpu.memory_space<hbm>>
      tpu.enqueue_dma source(%dma_start3A_343 : memref<1x1x96xi32, #tpu.memory_space<hbm>>) target(%arg8 : memref<1x1x96xi32, #tpu.memory_space<vmem>>) target_semaphore(%arg24 : memref<!tpu.dma_semaphore, #tpu.memory_space<semaphore_mem>>)
      %dma_wait3A_344 = arith.constant 0 : i32
      %dma_wait3A_345 = arith.constant 0 : i32
      %dma_wait3A_346 = arith.constant 0 : i32
      %dma_wait3A_347 = tpu.memref_slice %arg11[%dma_wait3A_344, %dma_wait3A_345, %dma_wait3A_346] : memref<1x1x96xi32, #tpu.memory_space<vmem>> -> memref<1x1x96xi32, #tpu.memory_space<vmem>>
      %dma_wait3A_348 = tpu.memref_squeeze %dma_wait3A_347 : memref<1x1x96xi32, #tpu.memory_space<vmem>> -> memref<96xi32, #tpu.memory_space<vmem>>
      %dma_wait3A_349 = arith.constant 0 : i32
      %dma_wait3A_350 = arith.constant 0 : i32
      %dma_wait3A_351 = tpu.memref_slice %arg7[%dma_wait3A_349, %dma_wait3A_350] : memref<10240x128xf32, #tpu.memory_space<vmem_shared>> -> memref<10240x128xf32, #tpu.memory_space<vmem_shared>>
      tpu.wait_indirect_dma semaphore(%arg22 : memref<!tpu.dma_semaphore, #tpu.memory_space<semaphore_mem>>) src(%arg15 : memref<96x128xf32, #tpu.memory_space<vmem>>) dst(%dma_wait3A_351 : memref<10240x128xf32, #tpu.memory_space<vmem_shared>>)
      %add3A_352 = arith.constant 1 : i32
      %add3A_353 = arith.addi %add3A_310, %add3A_352 : i32
      %add3A_354 = arith.addi %mul3A_16, %add3A_353 : i32
      %dma_start3A_355 = arith.constant 0 : i32
      %dma_start3A_356 = arith.constant 0 : i32
      %dma_start3A_357 = tpu.memref_slice %arg4[%add3A_354, %dma_start3A_355, %dma_start3A_356] : memref<3360x1x96xi32, #tpu.memory_space<hbm>> -> memref<1x1x96xi32, #tpu.memory_space<hbm>>
      %dma_start3A_358 = arith.constant 0 : i32
      %dma_start3A_359 = arith.constant 0 : i32
      %dma_start3A_360 = tpu.memref_slice %arg4[%add3A_354, %dma_start3A_358, %dma_start3A_359] : memref<3360x1x96xi32, #tpu.memory_space<hbm>> -> memref<1x1x96xi32, #tpu.memory_space<hbm>>
      tpu.enqueue_dma source(%dma_start3A_360 : memref<1x1x96xi32, #tpu.memory_space<hbm>>) target(%arg12 : memref<1x1x96xi32, #tpu.memory_space<vmem>>) target_semaphore(%arg28 : memref<!tpu.dma_semaphore, #tpu.memory_space<semaphore_mem>>)
      %dma_wait3A_361 = arith.constant 0 : i32
      %dma_wait3A_362 = arith.constant 0 : i32
      %dma_wait3A_363 = tpu.memref_slice %arg3[%mul3A_16, %dma_wait3A_361, %dma_wait3A_362] : memref<3360x1x96xi32, #tpu.memory_space<hbm>> -> memref<1x1x96xi32, #tpu.memory_space<hbm>>
      %dma_wait3A_364 = arith.constant 0 : i32
      %dma_wait3A_365 = arith.constant 0 : i32
      %dma_wait3A_366 = tpu.memref_slice %arg3[%mul3A_16, %dma_wait3A_364, %dma_wait3A_365] : memref<3360x1x96xi32, #tpu.memory_space<hbm>> -> memref<1x1x96xi32, #tpu.memory_space<hbm>>
      tpu.wait_dma2 semaphore(%arg25 : memref<!tpu.dma_semaphore, #tpu.memory_space<semaphore_mem>>) src(%dma_wait3A_366 : memref<1x1x96xi32, #tpu.memory_space<hbm>>) dst(%arg9 : memref<1x1x96xi32, #tpu.memory_space<vmem>>)
      %dma_start3A_367 = arith.constant 0 : i32
      %dma_start3A_368 = arith.constant 0 : i32
      %dma_start3A_369 = arith.constant 0 : i32
      %dma_start3A_370 = tpu.memref_slice %arg9[%dma_start3A_367, %dma_start3A_368, %dma_start3A_369] : memref<1x1x96xi32, #tpu.memory_space<vmem>> -> memref<1x1x96xi32, #tpu.memory_space<vmem>>
      %dma_start3A_371 = tpu.memref_squeeze %dma_start3A_370 : memref<1x1x96xi32, #tpu.memory_space<vmem>> -> memref<96xi32, #tpu.memory_space<vmem>>
      %dma_start3A_372 = arith.constant 0 : i32
      %dma_start3A_373 = arith.constant 0 : i32
      %dma_start3A_374 = tpu.memref_slice %arg2[%dma_start3A_372, %dma_start3A_373] : memref<10240x128xf32, #tpu.memory_space<hbm>> -> memref<10240x128xf32, #tpu.memory_space<hbm>>
      tpu.enqueue_indirect_dma source(%dma_start3A_374 : memref<10240x128xf32, #tpu.memory_space<hbm>>) target(%arg15 : memref<96x128xf32, #tpu.memory_space<vmem>>) offsets(%dma_start3A_371 : memref<96xi32, #tpu.memory_space<vmem>>) semaphore(%arg19 : memref<!tpu.dma_semaphore, #tpu.memory_space<semaphore_mem>>)
      %add3A_375 = arith.constant 2 : i32
      %add3A_376 = arith.addi %add3A_244, %add3A_375 : i32
      %dma_wait3A_377 = arith.constant 0 : i32
      %dma_wait3A_378 = arith.constant 0 : i32
      %dma_wait3A_379 = arith.constant 0 : i32
      %dma_wait3A_380 = tpu.memref_slice %arg8[%dma_wait3A_377, %dma_wait3A_378, %dma_wait3A_379] : memref<1x1x96xi32, #tpu.memory_space<vmem>> -> memref<1x1x96xi32, #tpu.memory_space<vmem>>
      %dma_wait3A_381 = tpu.memref_squeeze %dma_wait3A_380 : memref<1x1x96xi32, #tpu.memory_space<vmem>> -> memref<96xi32, #tpu.memory_space<vmem>>
      %dma_wait3A_382 = arith.constant 0 : i32
      %dma_wait3A_383 = arith.constant 0 : i32
      %dma_wait3A_384 = tpu.memref_slice %arg2[%dma_wait3A_382, %dma_wait3A_383] : memref<10240x128xf32, #tpu.memory_space<hbm>> -> memref<10240x128xf32, #tpu.memory_space<hbm>>
      tpu.wait_indirect_dma semaphore(%arg19 : memref<!tpu.dma_semaphore, #tpu.memory_space<semaphore_mem>>) src(%dma_wait3A_384 : memref<10240x128xf32, #tpu.memory_space<hbm>>) dst(%arg15 : memref<96x128xf32, #tpu.memory_space<vmem>>)
      %dma_wait3A_385 = arith.constant 0 : i32
      %dma_wait3A_386 = arith.constant 0 : i32
      %dma_wait3A_387 = tpu.memref_slice %arg4[%mul3A_16, %dma_wait3A_385, %dma_wait3A_386] : memref<3360x1x96xi32, #tpu.memory_space<hbm>> -> memref<1x1x96xi32, #tpu.memory_space<hbm>>
      %dma_wait3A_388 = arith.constant 0 : i32
      %dma_wait3A_389 = arith.constant 0 : i32
      %dma_wait3A_390 = tpu.memref_slice %arg4[%mul3A_16, %dma_wait3A_388, %dma_wait3A_389] : memref<3360x1x96xi32, #tpu.memory_space<hbm>> -> memref<1x1x96xi32, #tpu.memory_space<hbm>>
      tpu.wait_dma2 semaphore(%arg28 : memref<!tpu.dma_semaphore, #tpu.memory_space<semaphore_mem>>) src(%dma_wait3A_390 : memref<1x1x96xi32, #tpu.memory_space<hbm>>) dst(%arg12 : memref<1x1x96xi32, #tpu.memory_space<vmem>>)
      %dma_start3A_391 = arith.constant 0 : i32
      %dma_start3A_392 = arith.constant 0 : i32
      %dma_start3A_393 = arith.constant 0 : i32
      %dma_start3A_394 = tpu.memref_slice %arg12[%dma_start3A_391, %dma_start3A_392, %dma_start3A_393] : memref<1x1x96xi32, #tpu.memory_space<vmem>> -> memref<1x1x96xi32, #tpu.memory_space<vmem>>
      %dma_start3A_395 = tpu.memref_squeeze %dma_start3A_394 : memref<1x1x96xi32, #tpu.memory_space<vmem>> -> memref<96xi32, #tpu.memory_space<vmem>>
      %dma_start3A_396 = arith.constant 0 : i32
      %dma_start3A_397 = arith.constant 0 : i32
      %dma_start3A_398 = tpu.memref_slice %arg7[%dma_start3A_396, %dma_start3A_397] : memref<10240x128xf32, #tpu.memory_space<vmem_shared>> -> memref<10240x128xf32, #tpu.memory_space<vmem_shared>>
      tpu.enqueue_indirect_dma source(%arg15 : memref<96x128xf32, #tpu.memory_space<vmem>>) target(%dma_start3A_398 : memref<10240x128xf32, #tpu.memory_space<vmem_shared>>) offsets(%dma_start3A_395 : memref<96xi32, #tpu.memory_space<vmem>>) semaphore(%arg22 : memref<!tpu.dma_semaphore, #tpu.memory_space<semaphore_mem>>) {add = true}
      %add3A_399 = arith.constant 3 : i32
      %add3A_400 = arith.addi %add3A_376, %add3A_399 : i32
      %min3A_401 = arith.constant 104 : i32
      %min3A_402 = arith.minsi %add3A_400, %min3A_401 : i32
      %add3A_403 = arith.addi %mul3A_16, %min3A_402 : i32
      %dma_start3A_404 = arith.constant 0 : i32
      %dma_start3A_405 = arith.constant 0 : i32
      %dma_start3A_406 = tpu.memref_slice %arg3[%add3A_403, %dma_start3A_404, %dma_start3A_405] : memref<3360x1x96xi32, #tpu.memory_space<hbm>> -> memref<1x1x96xi32, #tpu.memory_space<hbm>>
      %dma_start3A_407 = arith.constant 0 : i32
      %dma_start3A_408 = arith.constant 0 : i32
      %dma_start3A_409 = tpu.memref_slice %arg3[%add3A_403, %dma_start3A_407, %dma_start3A_408] : memref<3360x1x96xi32, #tpu.memory_space<hbm>> -> memref<1x1x96xi32, #tpu.memory_space<hbm>>
      tpu.enqueue_dma source(%dma_start3A_409 : memref<1x1x96xi32, #tpu.memory_space<hbm>>) target(%arg9 : memref<1x1x96xi32, #tpu.memory_space<vmem>>) target_semaphore(%arg25 : memref<!tpu.dma_semaphore, #tpu.memory_space<semaphore_mem>>)
      %dma_wait3A_410 = arith.constant 0 : i32
      %dma_wait3A_411 = arith.constant 0 : i32
      %dma_wait3A_412 = arith.constant 0 : i32
      %dma_wait3A_413 = tpu.memref_slice %arg11[%dma_wait3A_410, %dma_wait3A_411, %dma_wait3A_412] : memref<1x1x96xi32, #tpu.memory_space<vmem>> -> memref<1x1x96xi32, #tpu.memory_space<vmem>>
      %dma_wait3A_414 = tpu.memref_squeeze %dma_wait3A_413 : memref<1x1x96xi32, #tpu.memory_space<vmem>> -> memref<96xi32, #tpu.memory_space<vmem>>
      %dma_wait3A_415 = arith.constant 0 : i32
      %dma_wait3A_416 = arith.constant 0 : i32
      %dma_wait3A_417 = tpu.memref_slice %arg7[%dma_wait3A_415, %dma_wait3A_416] : memref<10240x128xf32, #tpu.memory_space<vmem_shared>> -> memref<10240x128xf32, #tpu.memory_space<vmem_shared>>
      tpu.wait_indirect_dma semaphore(%arg23 : memref<!tpu.dma_semaphore, #tpu.memory_space<semaphore_mem>>) src(%arg16 : memref<96x128xf32, #tpu.memory_space<vmem>>) dst(%dma_wait3A_417 : memref<10240x128xf32, #tpu.memory_space<vmem_shared>>)
      %add3A_418 = arith.constant 1 : i32
      %add3A_419 = arith.addi %add3A_376, %add3A_418 : i32
      %add3A_420 = arith.addi %mul3A_16, %add3A_419 : i32
      %dma_start3A_421 = arith.constant 0 : i32
      %dma_start3A_422 = arith.constant 0 : i32
      %dma_start3A_423 = tpu.memref_slice %arg4[%add3A_420, %dma_start3A_421, %dma_start3A_422] : memref<3360x1x96xi32, #tpu.memory_space<hbm>> -> memref<1x1x96xi32, #tpu.memory_space<hbm>>
      %dma_start3A_424 = arith.constant 0 : i32
      %dma_start3A_425 = arith.constant 0 : i32
      %dma_start3A_426 = tpu.memref_slice %arg4[%add3A_420, %dma_start3A_424, %dma_start3A_425] : memref<3360x1x96xi32, #tpu.memory_space<hbm>> -> memref<1x1x96xi32, #tpu.memory_space<hbm>>
      tpu.enqueue_dma source(%dma_start3A_426 : memref<1x1x96xi32, #tpu.memory_space<hbm>>) target(%arg13 : memref<1x1x96xi32, #tpu.memory_space<vmem>>) target_semaphore(%arg29 : memref<!tpu.dma_semaphore, #tpu.memory_space<semaphore_mem>>)
      %dma_wait3A_427 = arith.constant 0 : i32
      %dma_wait3A_428 = arith.constant 0 : i32
      %dma_wait3A_429 = tpu.memref_slice %arg3[%mul3A_16, %dma_wait3A_427, %dma_wait3A_428] : memref<3360x1x96xi32, #tpu.memory_space<hbm>> -> memref<1x1x96xi32, #tpu.memory_space<hbm>>
      %dma_wait3A_430 = arith.constant 0 : i32
      %dma_wait3A_431 = arith.constant 0 : i32
      %dma_wait3A_432 = tpu.memref_slice %arg3[%mul3A_16, %dma_wait3A_430, %dma_wait3A_431] : memref<3360x1x96xi32, #tpu.memory_space<hbm>> -> memref<1x1x96xi32, #tpu.memory_space<hbm>>
      tpu.wait_dma2 semaphore(%arg26 : memref<!tpu.dma_semaphore, #tpu.memory_space<semaphore_mem>>) src(%dma_wait3A_432 : memref<1x1x96xi32, #tpu.memory_space<hbm>>) dst(%arg10 : memref<1x1x96xi32, #tpu.memory_space<vmem>>)
      %dma_start3A_433 = arith.constant 0 : i32
      %dma_start3A_434 = arith.constant 0 : i32
      %dma_start3A_435 = arith.constant 0 : i32
      %dma_start3A_436 = tpu.memref_slice %arg10[%dma_start3A_433, %dma_start3A_434, %dma_start3A_435] : memref<1x1x96xi32, #tpu.memory_space<vmem>> -> memref<1x1x96xi32, #tpu.memory_space<vmem>>
      %dma_start3A_437 = tpu.memref_squeeze %dma_start3A_436 : memref<1x1x96xi32, #tpu.memory_space<vmem>> -> memref<96xi32, #tpu.memory_space<vmem>>
      %dma_start3A_438 = arith.constant 0 : i32
      %dma_start3A_439 = arith.constant 0 : i32
      %dma_start3A_440 = tpu.memref_slice %arg2[%dma_start3A_438, %dma_start3A_439] : memref<10240x128xf32, #tpu.memory_space<hbm>> -> memref<10240x128xf32, #tpu.memory_space<hbm>>
      tpu.enqueue_indirect_dma source(%dma_start3A_440 : memref<10240x128xf32, #tpu.memory_space<hbm>>) target(%arg16 : memref<96x128xf32, #tpu.memory_space<vmem>>) offsets(%dma_start3A_437 : memref<96xi32, #tpu.memory_space<vmem>>) semaphore(%arg20 : memref<!tpu.dma_semaphore, #tpu.memory_space<semaphore_mem>>)
    }
    %scan3A_173 = arith.constant 34 : i32
    %dma_wait3A_174 = arith.constant 0 : i32
    %dma_wait3A_175 = arith.constant 0 : i32
    %dma_wait3A_176 = arith.constant 0 : i32
    %dma_wait3A_177 = tpu.memref_slice %arg8[%dma_wait3A_174, %dma_wait3A_175, %dma_wait3A_176] : memref<1x1x96xi32, #tpu.memory_space<vmem>> -> memref<1x1x96xi32, #tpu.memory_space<vmem>>
    %dma_wait3A_178 = tpu.memref_squeeze %dma_wait3A_177 : memref<1x1x96xi32, #tpu.memory_space<vmem>> -> memref<96xi32, #tpu.memory_space<vmem>>
    %dma_wait3A_179 = arith.constant 0 : i32
    %dma_wait3A_180 = arith.constant 0 : i32
    %dma_wait3A_181 = tpu.memref_slice %arg2[%dma_wait3A_179, %dma_wait3A_180] : memref<10240x128xf32, #tpu.memory_space<hbm>> -> memref<10240x128xf32, #tpu.memory_space<hbm>>
    tpu.wait_indirect_dma semaphore(%arg20 : memref<!tpu.dma_semaphore, #tpu.memory_space<semaphore_mem>>) src(%dma_wait3A_181 : memref<10240x128xf32, #tpu.memory_space<hbm>>) dst(%arg16 : memref<96x128xf32, #tpu.memory_space<vmem>>)
    %dma_wait3A_182 = arith.constant 0 : i32
    %dma_wait3A_183 = arith.constant 0 : i32
    %dma_wait3A_184 = tpu.memref_slice %arg4[%mul3A_16, %dma_wait3A_182, %dma_wait3A_183] : memref<3360x1x96xi32, #tpu.memory_space<hbm>> -> memref<1x1x96xi32, #tpu.memory_space<hbm>>
    %dma_wait3A_185 = arith.constant 0 : i32
    %dma_wait3A_186 = arith.constant 0 : i32
    %dma_wait3A_187 = tpu.memref_slice %arg4[%mul3A_16, %dma_wait3A_185, %dma_wait3A_186] : memref<3360x1x96xi32, #tpu.memory_space<hbm>> -> memref<1x1x96xi32, #tpu.memory_space<hbm>>
    tpu.wait_dma2 semaphore(%arg29 : memref<!tpu.dma_semaphore, #tpu.memory_space<semaphore_mem>>) src(%dma_wait3A_187 : memref<1x1x96xi32, #tpu.memory_space<hbm>>) dst(%arg13 : memref<1x1x96xi32, #tpu.memory_space<vmem>>)
    %dma_start3A_188 = arith.constant 0 : i32
    %dma_start3A_189 = arith.constant 0 : i32
    %dma_start3A_190 = arith.constant 0 : i32
    %dma_start3A_191 = tpu.memref_slice %arg13[%dma_start3A_188, %dma_start3A_189, %dma_start3A_190] : memref<1x1x96xi32, #tpu.memory_space<vmem>> -> memref<1x1x96xi32, #tpu.memory_space<vmem>>
    %dma_start3A_192 = tpu.memref_squeeze %dma_start3A_191 : memref<1x1x96xi32, #tpu.memory_space<vmem>> -> memref<96xi32, #tpu.memory_space<vmem>>
    %dma_start3A_193 = arith.constant 0 : i32
    %dma_start3A_194 = arith.constant 0 : i32
    %dma_start3A_195 = tpu.memref_slice %arg7[%dma_start3A_193, %dma_start3A_194] : memref<10240x128xf32, #tpu.memory_space<vmem_shared>> -> memref<10240x128xf32, #tpu.memory_space<vmem_shared>>
    tpu.enqueue_indirect_dma source(%arg16 : memref<96x128xf32, #tpu.memory_space<vmem>>) target(%dma_start3A_195 : memref<10240x128xf32, #tpu.memory_space<vmem_shared>>) offsets(%dma_start3A_192 : memref<96xi32, #tpu.memory_space<vmem>>) semaphore(%arg23 : memref<!tpu.dma_semaphore, #tpu.memory_space<semaphore_mem>>) {add = true}
    %dma_wait3A_196 = arith.constant 0 : i32
    %dma_wait3A_197 = arith.constant 0 : i32
    %dma_wait3A_198 = arith.constant 0 : i32
    %dma_wait3A_199 = tpu.memref_slice %arg11[%dma_wait3A_196, %dma_wait3A_197, %dma_wait3A_198] : memref<1x1x96xi32, #tpu.memory_space<vmem>> -> memref<1x1x96xi32, #tpu.memory_space<vmem>>
    %dma_wait3A_200 = tpu.memref_squeeze %dma_wait3A_199 : memref<1x1x96xi32, #tpu.memory_space<vmem>> -> memref<96xi32, #tpu.memory_space<vmem>>
    %dma_wait3A_201 = arith.constant 0 : i32
    %dma_wait3A_202 = arith.constant 0 : i32
    %dma_wait3A_203 = tpu.memref_slice %arg7[%dma_wait3A_201, %dma_wait3A_202] : memref<10240x128xf32, #tpu.memory_space<vmem_shared>> -> memref<10240x128xf32, #tpu.memory_space<vmem_shared>>
    tpu.wait_indirect_dma semaphore(%arg21 : memref<!tpu.dma_semaphore, #tpu.memory_space<semaphore_mem>>) src(%arg14 : memref<96x128xf32, #tpu.memory_space<vmem>>) dst(%dma_wait3A_203 : memref<10240x128xf32, #tpu.memory_space<vmem_shared>>)
    %dma_wait3A_204 = arith.constant 0 : i32
    %dma_wait3A_205 = arith.constant 0 : i32
    %dma_wait3A_206 = arith.constant 0 : i32
    %dma_wait3A_207 = tpu.memref_slice %arg11[%dma_wait3A_204, %dma_wait3A_205, %dma_wait3A_206] : memref<1x1x96xi32, #tpu.memory_space<vmem>> -> memref<1x1x96xi32, #tpu.memory_space<vmem>>
    %dma_wait3A_208 = tpu.memref_squeeze %dma_wait3A_207 : memref<1x1x96xi32, #tpu.memory_space<vmem>> -> memref<96xi32, #tpu.memory_space<vmem>>
    %dma_wait3A_209 = arith.constant 0 : i32
    %dma_wait3A_210 = arith.constant 0 : i32
    %dma_wait3A_211 = tpu.memref_slice %arg7[%dma_wait3A_209, %dma_wait3A_210] : memref<10240x128xf32, #tpu.memory_space<vmem_shared>> -> memref<10240x128xf32, #tpu.memory_space<vmem_shared>>
    tpu.wait_indirect_dma semaphore(%arg22 : memref<!tpu.dma_semaphore, #tpu.memory_space<semaphore_mem>>) src(%arg15 : memref<96x128xf32, #tpu.memory_space<vmem>>) dst(%dma_wait3A_211 : memref<10240x128xf32, #tpu.memory_space<vmem_shared>>)
    %dma_wait3A_212 = arith.constant 0 : i32
    %dma_wait3A_213 = arith.constant 0 : i32
    %dma_wait3A_214 = arith.constant 0 : i32
    %dma_wait3A_215 = tpu.memref_slice %arg11[%dma_wait3A_212, %dma_wait3A_213, %dma_wait3A_214] : memref<1x1x96xi32, #tpu.memory_space<vmem>> -> memref<1x1x96xi32, #tpu.memory_space<vmem>>
    %dma_wait3A_216 = tpu.memref_squeeze %dma_wait3A_215 : memref<1x1x96xi32, #tpu.memory_space<vmem>> -> memref<96xi32, #tpu.memory_space<vmem>>
    %dma_wait3A_217 = arith.constant 0 : i32
    %dma_wait3A_218 = arith.constant 0 : i32
    %dma_wait3A_219 = tpu.memref_slice %arg7[%dma_wait3A_217, %dma_wait3A_218] : memref<10240x128xf32, #tpu.memory_space<vmem_shared>> -> memref<10240x128xf32, #tpu.memory_space<vmem_shared>>
    tpu.wait_indirect_dma semaphore(%arg23 : memref<!tpu.dma_semaphore, #tpu.memory_space<semaphore_mem>>) src(%arg16 : memref<96x128xf32, #tpu.memory_space<vmem>>) dst(%dma_wait3A_219 : memref<10240x128xf32, #tpu.memory_space<vmem_shared>>)
    %dma_wait3A_220 = arith.constant 0 : i32
    %dma_wait3A_221 = arith.constant 0 : i32
    %dma_wait3A_222 = tpu.memref_slice %arg3[%mul3A_16, %dma_wait3A_220, %dma_wait3A_221] : memref<3360x1x96xi32, #tpu.memory_space<hbm>> -> memref<1x1x96xi32, #tpu.memory_space<hbm>>
    %dma_wait3A_223 = arith.constant 0 : i32
    %dma_wait3A_224 = arith.constant 0 : i32
    %dma_wait3A_225 = tpu.memref_slice %arg3[%mul3A_16, %dma_wait3A_223, %dma_wait3A_224] : memref<3360x1x96xi32, #tpu.memory_space<hbm>> -> memref<1x1x96xi32, #tpu.memory_space<hbm>>
    tpu.wait_dma2 semaphore(%arg24 : memref<!tpu.dma_semaphore, #tpu.memory_space<semaphore_mem>>) src(%dma_wait3A_225 : memref<1x1x96xi32, #tpu.memory_space<hbm>>) dst(%arg8 : memref<1x1x96xi32, #tpu.memory_space<vmem>>)
    %dma_wait3A_226 = arith.constant 0 : i32
    %dma_wait3A_227 = arith.constant 0 : i32
    %dma_wait3A_228 = tpu.memref_slice %arg3[%mul3A_16, %dma_wait3A_226, %dma_wait3A_227] : memref<3360x1x96xi32, #tpu.memory_space<hbm>> -> memref<1x1x96xi32, #tpu.memory_space<hbm>>
    %dma_wait3A_229 = arith.constant 0 : i32
    %dma_wait3A_230 = arith.constant 0 : i32
    %dma_wait3A_231 = tpu.memref_slice %arg3[%mul3A_16, %dma_wait3A_229, %dma_wait3A_230] : memref<3360x1x96xi32, #tpu.memory_space<hbm>> -> memref<1x1x96xi32, #tpu.memory_space<hbm>>
    tpu.wait_dma2 semaphore(%arg25 : memref<!tpu.dma_semaphore, #tpu.memory_space<semaphore_mem>>) src(%dma_wait3A_231 : memref<1x1x96xi32, #tpu.memory_space<hbm>>) dst(%arg9 : memref<1x1x96xi32, #tpu.memory_space<vmem>>)
    %barrier3A_232 = arith.constant 0 : index
    tpu.barrier barrier_id(%barrier3A_232)
    %eq3A = arith.constant 0 : i32
    %eq3A_233 = arith.cmpi eq, %arg0, %eq3A : i32
    %convert_element_type3A = arith.extui %eq3A_233 : i1 to i32
    %cond3A = arith.constant 0 : i32
    %cond3A_234 = arith.cmpi ne, %convert_element_type3A, %cond3A : i32
    scf.if %cond3A_234 {
      "tpu.region"() ({
        %run_scoped3A = tpu.sem_alloc : memref<!tpu.dma_semaphore, #tpu.memory_space<semaphore_mem>>
        %dma_start3A_240 = arith.constant 0 : i32
        %dma_start3A_241 = tpu.memref_slice %arg5[%mul3A_2, %dma_start3A_240] : memref<10240x128xf32, #tpu.memory_space<hbm>> -> memref<640x128xf32, #tpu.memory_space<hbm>>
        %dma_start3A_242 = arith.constant 0 : i32
        %dma_start3A_243 = tpu.memref_slice %arg7[%mul3A_2, %dma_start3A_242] : memref<10240x128xf32, #tpu.memory_space<vmem_shared>> -> memref<640x128xf32, #tpu.memory_space<vmem_shared>>
        tpu.enqueue_dma source(%dma_start3A_243 : memref<640x128xf32, #tpu.memory_space<vmem_shared>>) target(%dma_start3A_241 : memref<640x128xf32, #tpu.memory_space<hbm>>) target_semaphore(%run_scoped3A : memref<!tpu.dma_semaphore, #tpu.memory_space<semaphore_mem>>)
        %dma_wait3A_244 = arith.constant 0 : i32
        %dma_wait3A_245 = tpu.memref_slice %arg5[%mul3A_2, %dma_wait3A_244] : memref<10240x128xf32, #tpu.memory_space<hbm>> -> memref<640x128xf32, #tpu.memory_space<hbm>>
        %dma_wait3A_246 = arith.constant 0 : i32
        %dma_wait3A_247 = tpu.memref_slice %arg7[%mul3A_2, %dma_wait3A_246] : memref<10240x128xf32, #tpu.memory_space<vmem_shared>> -> memref<640x128xf32, #tpu.memory_space<vmem_shared>>
        tpu.wait_dma2 semaphore(%run_scoped3A : memref<!tpu.dma_semaphore, #tpu.memory_space<semaphore_mem>>) src(%dma_wait3A_247 : memref<640x128xf32, #tpu.memory_space<vmem_shared>>) dst(%dma_wait3A_245 : memref<640x128xf32, #tpu.memory_space<hbm>>)
        tpu.yield
      }) : () -> ()
    } else {
    }
    %eq3A_235 = arith.constant 1 : i32
    %eq3A_236 = arith.cmpi eq, %arg0, %eq3A_235 : i32
    %convert_element_type3A_237 = arith.extui %eq3A_236 : i1 to i32
    %cond3A_238 = arith.constant 0 : i32
    %cond3A_239 = arith.cmpi ne, %convert_element_type3A_237, %cond3A_238 : i32
    scf.if %cond3A_239 {
      "tpu.region"() ({
        %run_scoped3A = tpu.sem_alloc : memref<!tpu.dma_semaphore, #tpu.memory_space<semaphore_mem>>
        %dma_start3A_240 = arith.constant 0 : i32
        %dma_start3A_241 = tpu.memref_slice %arg6[%mul3A_2, %dma_start3A_240] : memref<10240x128xf32, #tpu.memory_space<hbm>> -> memref<640x128xf32, #tpu.memory_space<hbm>>
        %dma_start3A_242 = arith.constant 0 : i32
        %dma_start3A_243 = tpu.memref_slice %arg7[%mul3A_2, %dma_start3A_242] : memref<10240x128xf32, #tpu.memory_space<vmem_shared>> -> memref<640x128xf32, #tpu.memory_space<vmem_shared>>
        tpu.enqueue_dma source(%dma_start3A_243 : memref<640x128xf32, #tpu.memory_space<vmem_shared>>) target(%dma_start3A_241 : memref<640x128xf32, #tpu.memory_space<hbm>>) target_semaphore(%run_scoped3A : memref<!tpu.dma_semaphore, #tpu.memory_space<semaphore_mem>>)
        %dma_wait3A_244 = arith.constant 0 : i32
        %dma_wait3A_245 = tpu.memref_slice %arg6[%mul3A_2, %dma_wait3A_244] : memref<10240x128xf32, #tpu.memory_space<hbm>> -> memref<640x128xf32, #tpu.memory_space<hbm>>
        %dma_wait3A_246 = arith.constant 0 : i32
        %dma_wait3A_247 = tpu.memref_slice %arg7[%mul3A_2, %dma_wait3A_246] : memref<10240x128xf32, #tpu.memory_space<vmem_shared>> -> memref<640x128xf32, #tpu.memory_space<vmem_shared>>
        tpu.wait_dma2 semaphore(%run_scoped3A : memref<!tpu.dma_semaphore, #tpu.memory_space<semaphore_mem>>) src(%dma_wait3A_247 : memref<640x128xf32, #tpu.memory_space<vmem_shared>>) dst(%dma_wait3A_245 : memref<640x128xf32, #tpu.memory_space<hbm>>)
        tpu.yield
      }) : () -> ()
    } else {
    }
    return
  }
}

#map = affine_map<(d0, d1) -> (0)>
module attributes {stable_mosaic.version = 14 : i64} {
  func.func @_deg_kernel(%arg0: i32, %arg1: i32, %arg2: memref<322560xi32, #tpu.memory_space<hbm>>, %arg3: memref<322560xi32, #tpu.memory_space<hbm>>, %arg4: memref<655360xf32, #tpu.memory_space<hbm>>, %arg5: memref<10240xf32, #tpu.memory_space<vmem>>, %arg6: memref<10240xf32, #tpu.memory_space<vmem>>, %arg7: memref<10080xi32, #tpu.memory_space<vmem>>, %arg8: memref<10080xi32, #tpu.memory_space<vmem>>) attributes {dimension_semantics = [#tpu.dimension_semantics<core_parallel>, #tpu.dimension_semantics<subcore_parallel>], iteration_bounds = array<i64: 2, 16>, scalar_prefetch = 0 : i64, scratch_operands = 4 : i64, tpu.core_type = #tpu.core_type<sc_vector_subcore>, window_params = [{transform_indices = #map}, {transform_indices = #map}, {transform_indices = #map}]} {
    %mul3A = arith.constant 2 : i32
    %mul3A_0 = arith.muli %arg1, %mul3A : i32
    %add3A = arith.addi %mul3A_0, %arg0 : i32
    %broadcast_in_dim3A = arith.constant 0.000000e+00 : f32
    %broadcast_in_dim3A_1 = vector.broadcast %broadcast_in_dim3A : f32 to vector<16xf32>
    %scan3A = arith.constant 0 : i32
    %scan3A_2 = arith.constant 0 : i32
    %scan3A_3 = arith.constant 640 : i32
    %scan3A_4 = arith.addi %scan3A_2, %scan3A_3 : i32
    %scan3A_5 = arith.constant 1 : i32
    scf.for %scan3A_25 = %scan3A_2 to %scan3A_4 step %scan3A_5  : i32 {
      %mul3A_26 = arith.constant 16 : i32
      %mul3A_27 = arith.muli %scan3A_25, %mul3A_26 : i32
      %swap3A = arith.index_cast %mul3A_27 : i32 to index
      %swap3A_28 = tpu.vector_load %arg5[%swap3A] {strides = array<i32>} : memref<10240xf32, #tpu.memory_space<vmem>>, vector<16xf32>,
      tpu.vector_store %arg5[%swap3A], %broadcast_in_dim3A_1 {strides = array<i32>} : memref<10240xf32, #tpu.memory_space<vmem>>, vector<16xf32>,
      %mul3A_29 = arith.constant 16 : i32
      %mul3A_30 = arith.muli %scan3A_25, %mul3A_29 : i32
      %swap3A_31 = arith.index_cast %mul3A_30 : i32 to index
      %swap3A_32 = tpu.vector_load %arg6[%swap3A_31] {strides = array<i32>} : memref<10240xf32, #tpu.memory_space<vmem>>, vector<16xf32>,
      tpu.vector_store %arg6[%swap3A_31], %broadcast_in_dim3A_1 {strides = array<i32>} : memref<10240xf32, #tpu.memory_space<vmem>>, vector<16xf32>,
    }
    %scan3A_6 = arith.constant 640 : i32
    %mul3A_7 = arith.constant 10080 : i32
    %mul3A_8 = arith.muli %add3A, %mul3A_7 : i32
    "tpu.region"() ({
      %run_scoped3A = tpu.sem_alloc : memref<!tpu.dma_semaphore, #tpu.memory_space<semaphore_mem>>
      %dma_start3A = tpu.memref_slice %arg2[%mul3A_8] : memref<322560xi32, #tpu.memory_space<hbm>> -> memref<10080xi32, #tpu.memory_space<hbm>>
      %dma_start3A_25 = tpu.memref_slice %arg2[%mul3A_8] : memref<322560xi32, #tpu.memory_space<hbm>> -> memref<10080xi32, #tpu.memory_space<hbm>>
      tpu.enqueue_dma source(%dma_start3A_25 : memref<10080xi32, #tpu.memory_space<hbm>>) target(%arg7 : memref<10080xi32, #tpu.memory_space<vmem>>) target_semaphore(%run_scoped3A : memref<!tpu.dma_semaphore, #tpu.memory_space<semaphore_mem>>)
      %dma_wait3A = tpu.memref_slice %arg2[%mul3A_8] : memref<322560xi32, #tpu.memory_space<hbm>> -> memref<10080xi32, #tpu.memory_space<hbm>>
      %dma_wait3A_26 = tpu.memref_slice %arg2[%mul3A_8] : memref<322560xi32, #tpu.memory_space<hbm>> -> memref<10080xi32, #tpu.memory_space<hbm>>
      tpu.wait_dma2 semaphore(%run_scoped3A : memref<!tpu.dma_semaphore, #tpu.memory_space<semaphore_mem>>) src(%dma_wait3A_26 : memref<10080xi32, #tpu.memory_space<hbm>>) dst(%arg7 : memref<10080xi32, #tpu.memory_space<vmem>>)
      tpu.yield
    }) : () -> ()
    %mul3A_9 = arith.constant 10080 : i32
    %mul3A_10 = arith.muli %add3A, %mul3A_9 : i32
    "tpu.region"() ({
      %run_scoped3A = tpu.sem_alloc : memref<!tpu.dma_semaphore, #tpu.memory_space<semaphore_mem>>
      %dma_start3A = tpu.memref_slice %arg3[%mul3A_10] : memref<322560xi32, #tpu.memory_space<hbm>> -> memref<10080xi32, #tpu.memory_space<hbm>>
      %dma_start3A_25 = tpu.memref_slice %arg3[%mul3A_10] : memref<322560xi32, #tpu.memory_space<hbm>> -> memref<10080xi32, #tpu.memory_space<hbm>>
      tpu.enqueue_dma source(%dma_start3A_25 : memref<10080xi32, #tpu.memory_space<hbm>>) target(%arg8 : memref<10080xi32, #tpu.memory_space<vmem>>) target_semaphore(%run_scoped3A : memref<!tpu.dma_semaphore, #tpu.memory_space<semaphore_mem>>)
      %dma_wait3A = tpu.memref_slice %arg3[%mul3A_10] : memref<322560xi32, #tpu.memory_space<hbm>> -> memref<10080xi32, #tpu.memory_space<hbm>>
      %dma_wait3A_26 = tpu.memref_slice %arg3[%mul3A_10] : memref<322560xi32, #tpu.memory_space<hbm>> -> memref<10080xi32, #tpu.memory_space<hbm>>
      tpu.wait_dma2 semaphore(%run_scoped3A : memref<!tpu.dma_semaphore, #tpu.memory_space<semaphore_mem>>) src(%dma_wait3A_26 : memref<10080xi32, #tpu.memory_space<hbm>>) dst(%arg8 : memref<10080xi32, #tpu.memory_space<vmem>>)
      tpu.yield
    }) : () -> ()
    %broadcast_in_dim3A_11 = arith.constant 1.000000e+00 : f32
    %broadcast_in_dim3A_12 = vector.broadcast %broadcast_in_dim3A_11 : f32 to vector<16xf32>
    %scan3A_13 = arith.constant 0 : i32
    %scan3A_14 = arith.constant 0 : i32
    %scan3A_15 = arith.constant 630 : i32
    %scan3A_16 = arith.addi %scan3A_14, %scan3A_15 : i32
    %scan3A_17 = arith.constant 1 : i32
    scf.for %scan3A_25 = %scan3A_14 to %scan3A_16 step %scan3A_17  : i32 {
      %mul3A_26 = arith.constant 16 : i32
      %mul3A_27 = arith.muli %scan3A_25, %mul3A_26 : i32
      %get3A = arith.index_cast %mul3A_27 : i32 to index
      %get3A_28 = tpu.vector_load %arg7[%get3A] {strides = array<i32>} : memref<10080xi32, #tpu.memory_space<vmem>>, vector<16xi32>,
      tpu.vector_store_idx %arg5[%get3A_28], %broadcast_in_dim3A_12 {add = true} : memref<10240xf32, #tpu.memory_space<vmem>>[vector<16xi32>], vector<16xf32>,
      %mul3A_29 = arith.constant 16 : i32
      %mul3A_30 = arith.muli %scan3A_25, %mul3A_29 : i32
      %get3A_31 = arith.index_cast %mul3A_30 : i32 to index
      %get3A_32 = tpu.vector_load %arg8[%get3A_31] {strides = array<i32>} : memref<10080xi32, #tpu.memory_space<vmem>>, vector<16xi32>,
      tpu.vector_store_idx %arg6[%get3A_32], %broadcast_in_dim3A_12 {add = true} : memref<10240xf32, #tpu.memory_space<vmem>>[vector<16xi32>], vector<16xf32>,
    }
    %scan3A_18 = arith.constant 630 : i32
    %mul3A_19 = arith.constant 10240 : i32
    %mul3A_20 = arith.muli %add3A, %mul3A_19 : i32
    "tpu.region"() ({
      %run_scoped3A = tpu.sem_alloc : memref<!tpu.dma_semaphore, #tpu.memory_space<semaphore_mem>>
      %dma_start3A = tpu.memref_slice %arg4[%mul3A_20] : memref<655360xf32, #tpu.memory_space<hbm>> -> memref<10240xf32, #tpu.memory_space<hbm>>
      %dma_start3A_25 = tpu.memref_slice %arg4[%mul3A_20] : memref<655360xf32, #tpu.memory_space<hbm>> -> memref<10240xf32, #tpu.memory_space<hbm>>
      tpu.enqueue_dma source(%arg5 : memref<10240xf32, #tpu.memory_space<vmem>>) target(%dma_start3A_25 : memref<10240xf32, #tpu.memory_space<hbm>>) target_semaphore(%run_scoped3A : memref<!tpu.dma_semaphore, #tpu.memory_space<semaphore_mem>>)
      %dma_wait3A = tpu.memref_slice %arg4[%mul3A_20] : memref<655360xf32, #tpu.memory_space<hbm>> -> memref<10240xf32, #tpu.memory_space<hbm>>
      %dma_wait3A_26 = tpu.memref_slice %arg4[%mul3A_20] : memref<655360xf32, #tpu.memory_space<hbm>> -> memref<10240xf32, #tpu.memory_space<hbm>>
      tpu.wait_dma2 semaphore(%run_scoped3A : memref<!tpu.dma_semaphore, #tpu.memory_space<semaphore_mem>>) src(%arg5 : memref<10240xf32, #tpu.memory_space<vmem>>) dst(%dma_wait3A_26 : memref<10240xf32, #tpu.memory_space<hbm>>)
      tpu.yield
    }) : () -> ()
    %add3A_21 = arith.constant 32 : i32
    %add3A_22 = arith.addi %add3A_21, %add3A : i32
    %mul3A_23 = arith.constant 10240 : i32
    %mul3A_24 = arith.muli %add3A_22, %mul3A_23 : i32
    "tpu.region"() ({
      %run_scoped3A = tpu.sem_alloc : memref<!tpu.dma_semaphore, #tpu.memory_space<semaphore_mem>>
      %dma_start3A = tpu.memref_slice %arg4[%mul3A_24] : memref<655360xf32, #tpu.memory_space<hbm>> -> memref<10240xf32, #tpu.memory_space<hbm>>
      %dma_start3A_25 = tpu.memref_slice %arg4[%mul3A_24] : memref<655360xf32, #tpu.memory_space<hbm>> -> memref<10240xf32, #tpu.memory_space<hbm>>
      tpu.enqueue_dma source(%arg6 : memref<10240xf32, #tpu.memory_space<vmem>>) target(%dma_start3A_25 : memref<10240xf32, #tpu.memory_space<hbm>>) target_semaphore(%run_scoped3A : memref<!tpu.dma_semaphore, #tpu.memory_space<semaphore_mem>>)
      %dma_wait3A = tpu.memref_slice %arg4[%mul3A_24] : memref<655360xf32, #tpu.memory_space<hbm>> -> memref<10240xf32, #tpu.memory_space<hbm>>
      %dma_wait3A_26 = tpu.memref_slice %arg4[%mul3A_24] : memref<655360xf32, #tpu.memory_space<hbm>> -> memref<10240xf32, #tpu.memory_space<hbm>>
      tpu.wait_dma2 semaphore(%run_scoped3A : memref<!tpu.dma_semaphore, #tpu.memory_space<semaphore_mem>>) src(%arg6 : memref<10240xf32, #tpu.memory_space<vmem>>) dst(%dma_wait3A_26 : memref<10240xf32, #tpu.memory_space<hbm>>)
      tpu.yield
    }) : () -> ()
    return
  }
}

#map = affine_map<(d0, d1) -> (0, 0)>
#map1 = affine_map<(d0, d1) -> (0, 0, 0)>
module attributes {stable_mosaic.version = 14 : i64} {
  func.func @_mp2_kernel(%arg0: i32, %arg1: i32, %arg2: memref<10240x128xf32, #tpu.memory_space<hbm>>, %arg3: memref<10240x128xf32, #tpu.memory_space<hbm>>, %arg4: memref<3360x1x96xi32, #tpu.memory_space<hbm>>, %arg5: memref<3360x1x96xi32, #tpu.memory_space<hbm>>, %arg6: memref<10240x128xf32, #tpu.memory_space<hbm>>, %arg7: memref<10240x128xf32, #tpu.memory_space<hbm>>, %arg8: memref<10240x128xf32, #tpu.memory_space<vmem_shared>>, %arg9: memref<1x1x96xi32, #tpu.memory_space<vmem>>, %arg10: memref<1x1x96xi32, #tpu.memory_space<vmem>>, %arg11: memref<1x1x96xi32, #tpu.memory_space<vmem>>, %arg12: memref<1x1x96xi32, #tpu.memory_space<vmem>>, %arg13: memref<1x1x96xi32, #tpu.memory_space<vmem>>, %arg14: memref<1x1x96xi32, #tpu.memory_space<vmem>>, %arg15: memref<96x128xf32, #tpu.memory_space<vmem>>, %arg16: memref<96x128xf32, #tpu.memory_space<vmem>>, %arg17: memref<96x128xf32, #tpu.memory_space<vmem>>, %arg18: memref<64x128xf32, #tpu.memory_space<vmem>>, %arg19: memref<!tpu.dma_semaphore, #tpu.memory_space<semaphore_mem>>, %arg20: memref<!tpu.dma_semaphore, #tpu.memory_space<semaphore_mem>>, %arg21: memref<!tpu.dma_semaphore, #tpu.memory_space<semaphore_mem>>, %arg22: memref<!tpu.dma_semaphore, #tpu.memory_space<semaphore_mem>>, %arg23: memref<!tpu.dma_semaphore, #tpu.memory_space<semaphore_mem>>, %arg24: memref<!tpu.dma_semaphore, #tpu.memory_space<semaphore_mem>>, %arg25: memref<!tpu.dma_semaphore, #tpu.memory_space<semaphore_mem>>, %arg26: memref<!tpu.dma_semaphore, #tpu.memory_space<semaphore_mem>>, %arg27: memref<!tpu.dma_semaphore, #tpu.memory_space<semaphore_mem>>, %arg28: memref<!tpu.dma_semaphore, #tpu.memory_space<semaphore_mem>>, %arg29: memref<!tpu.dma_semaphore, #tpu.memory_space<semaphore_mem>>, %arg30: memref<!tpu.dma_semaphore, #tpu.memory_space<semaphore_mem>>) attributes {dimension_semantics = [#tpu.dimension_semantics<core_parallel>, #tpu.dimension_semantics<subcore_parallel>], iteration_bounds = array<i64: 2, 16>, scalar_prefetch = 0 : i64, scratch_operands = 23 : i64, tpu.core_type = #tpu.core_type<sc_vector_subcore>, window_params = [{transform_indices = #map}, {transform_indices = #map}, {transform_indices = #map1}, {transform_indices = #map1}, {transform_indices = #map}, {transform_indices = #map}]} {
    %mul3A = arith.constant 640 : i32
    %mul3A_0 = arith.muli %arg1, %mul3A : i32
    %broadcast_in_dim3A = arith.constant 0.000000e+00 : f32
    %broadcast_in_dim3A_1 = vector.broadcast %broadcast_in_dim3A : f32 to vector<16xf32>
    %scan3A = arith.constant 0 : i32
    %scan3A_2 = arith.constant 0 : i32
    %scan3A_3 = arith.constant 512 : i32
    %scan3A_4 = arith.addi %scan3A_2, %scan3A_3 : i32
    %scan3A_5 = arith.constant 1 : i32
    scf.for %scan3A_20 = %scan3A_2 to %scan3A_4 step %scan3A_5  : i32 {
      %jit3A = arith.constant 8 : i32
      %div3A = arith.divsi %scan3A_20, %jit3A : i32
      %sign3A = arith.constant 0 : i32
      %sign3A_21 = arith.cmpi sgt, %scan3A_20, %sign3A : i32
      %sign3A_22 = arith.extui %sign3A_21 : i1 to i32
      %sign3A_23 = arith.constant 0 : i32
      %sign3A_24 = arith.cmpi slt, %scan3A_20, %sign3A_23 : i32
      %sign3A_25 = arith.extui %sign3A_24 : i1 to i32
      %sign3A_26 = arith.subi %sign3A_22, %sign3A_25 : i32
      %sign3A_27 = arith.constant 0 : i32
      %sign3A_28 = arith.cmpi sgt, %jit3A, %sign3A_27 : i32
      %sign3A_29 = arith.extui %sign3A_28 : i1 to i32
      %sign3A_30 = arith.constant 0 : i32
      %sign3A_31 = arith.cmpi slt, %jit3A, %sign3A_30 : i32
      %sign3A_32 = arith.extui %sign3A_31 : i1 to i32
      %sign3A_33 = arith.subi %sign3A_29, %sign3A_32 : i32
      %ne3A = arith.cmpi ne, %sign3A_26, %sign3A_33 : i32
      %rem3A = arith.remsi %scan3A_20, %jit3A : i32
      %ne3A_34 = arith.constant 0 : i32
      %ne3A_35 = arith.cmpi ne, %rem3A, %ne3A_34 : i32
      %and3A = arith.andi %ne3A, %ne3A_35 : i1
      %sub3A = arith.constant 1 : i32
      %sub3A_36 = arith.subi %div3A, %sub3A : i32
      %select_n3A = arith.select %and3A, %sub3A_36, %div3A : i32
      %jit3A_37 = arith.constant 8 : i32
      %eq3A_38 = arith.constant 0 : i32
      %eq3A_39 = arith.cmpi eq, %jit3A_37, %eq3A_38 : i32
      %jit3A_40 = arith.constant 1 : i32
      %select_n3A_41 = arith.select %eq3A_39, %jit3A_40, %jit3A_37 : i32
      %rem3A_42 = arith.remsi %scan3A_20, %select_n3A_41 : i32
      %ne3A_43 = arith.constant 0 : i32
      %ne3A_44 = arith.cmpi ne, %rem3A_42, %ne3A_43 : i32
      %lt3A = arith.constant 0 : i32
      %lt3A_45 = arith.cmpi slt, %rem3A_42, %lt3A : i32
      %lt3A_46 = arith.constant 0 : i32
      %lt3A_47 = arith.cmpi slt, %select_n3A_41, %lt3A_46 : i32
      %ne3A_48 = arith.xori %lt3A_45, %lt3A_47 : i1
      %and3A_49 = arith.andi %ne3A_48, %ne3A_44 : i1
      %add3A = arith.addi %rem3A_42, %select_n3A_41 : i32
      %select_n3A_50 = arith.select %and3A_49, %add3A, %rem3A_42 : i32
      %mul3A_51 = arith.constant 16 : i32
      %mul3A_52 = arith.muli %select_n3A_50, %mul3A_51 : i32
      %swap3A = arith.index_cast %select_n3A : i32 to index
      %swap3A_53 = arith.index_cast %mul3A_52 : i32 to index
      %swap3A_54 = tpu.vector_load %arg18[%swap3A, %swap3A_53] {strides = array<i32>} : memref<64x128xf32, #tpu.memory_space<vmem>>, vector<16xf32>,
      tpu.vector_store %arg18[%swap3A, %swap3A_53], %broadcast_in_dim3A_1 {strides = array<i32>} : memref<64x128xf32, #tpu.memory_space<vmem>>, vector<16xf32>,
    }
    %scan3A_6 = arith.constant 512 : i32
    %scan3A_7 = arith.constant 0 : i32
    %scan3A_8 = arith.constant 0 : i32
    %scan3A_9 = arith.constant 10 : i32
    %scan3A_10 = arith.addi %scan3A_8, %scan3A_9 : i32
    %scan3A_11 = arith.constant 1 : i32
    scf.for %scan3A_20 = %scan3A_8 to %scan3A_10 step %scan3A_11  : i32 {
      %mul3A_21 = arith.constant 64 : i32
      %mul3A_22 = arith.muli %scan3A_20, %mul3A_21 : i32
      %add3A = arith.addi %mul3A_0, %mul3A_22 : i32
      "tpu.region"() ({
        %run_scoped3A = tpu.sem_alloc : memref<!tpu.dma_semaphore, #tpu.memory_space<semaphore_mem>>
        %dma_start3A = arith.constant 0 : i32
        %dma_start3A_23 = tpu.memref_slice %arg8[%add3A, %dma_start3A] : memref<10240x128xf32, #tpu.memory_space<vmem_shared>> -> memref<64x128xf32, #tpu.memory_space<vmem_shared>>
        %dma_start3A_24 = arith.constant 0 : i32
        %dma_start3A_25 = tpu.memref_slice %arg8[%add3A, %dma_start3A_24] : memref<10240x128xf32, #tpu.memory_space<vmem_shared>> -> memref<64x128xf32, #tpu.memory_space<vmem_shared>>
        tpu.enqueue_dma source(%arg18 : memref<64x128xf32, #tpu.memory_space<vmem>>) target(%dma_start3A_25 : memref<64x128xf32, #tpu.memory_space<vmem_shared>>) target_semaphore(%run_scoped3A : memref<!tpu.dma_semaphore, #tpu.memory_space<semaphore_mem>>)
        %dma_wait3A = arith.constant 0 : i32
        %dma_wait3A_26 = tpu.memref_slice %arg8[%add3A, %dma_wait3A] : memref<10240x128xf32, #tpu.memory_space<vmem_shared>> -> memref<64x128xf32, #tpu.memory_space<vmem_shared>>
        %dma_wait3A_27 = arith.constant 0 : i32
        %dma_wait3A_28 = tpu.memref_slice %arg8[%add3A, %dma_wait3A_27] : memref<10240x128xf32, #tpu.memory_space<vmem_shared>> -> memref<64x128xf32, #tpu.memory_space<vmem_shared>>
        tpu.wait_dma2 semaphore(%run_scoped3A : memref<!tpu.dma_semaphore, #tpu.memory_space<semaphore_mem>>) src(%arg18 : memref<64x128xf32, #tpu.memory_space<vmem>>) dst(%dma_wait3A_28 : memref<64x128xf32, #tpu.memory_space<vmem_shared>>)
        tpu.yield
      }) : () -> ()
    }
    %scan3A_12 = arith.constant 10 : i32
    %barrier3A = arith.constant 0 : index
    tpu.barrier barrier_id(%barrier3A)
    %eq3A = arith.constant 0 : i32
    %eq3A_13 = arith.cmpi eq, %arg0, %eq3A : i32
    %convert_element_type3A = arith.extui %eq3A_13 : i1 to i32
    %cond3A = arith.constant 0 : i32
    %cond3A_14 = arith.cmpi ne, %convert_element_type3A, %cond3A : i32
    scf.if %cond3A_14 {
      %mul3A_20 = arith.constant 210 : i32
      %mul3A_21 = arith.muli %arg1, %mul3A_20 : i32
      %add3A = arith.constant 0 : i32
      %add3A_22 = arith.addi %mul3A_21, %add3A : i32
      %dma_start3A = arith.constant 0 : i32
      %dma_start3A_23 = arith.constant 0 : i32
      %dma_start3A_24 = tpu.memref_slice %arg4[%add3A_22, %dma_start3A, %dma_start3A_23] : memref<3360x1x96xi32, #tpu.memory_space<hbm>> -> memref<1x1x96xi32, #tpu.memory_space<hbm>>
      %dma_start3A_25 = arith.constant 0 : i32
      %dma_start3A_26 = arith.constant 0 : i32
      %dma_start3A_27 = tpu.memref_slice %arg4[%add3A_22, %dma_start3A_25, %dma_start3A_26] : memref<3360x1x96xi32, #tpu.memory_space<hbm>> -> memref<1x1x96xi32, #tpu.memory_space<hbm>>
      tpu.enqueue_dma source(%dma_start3A_27 : memref<1x1x96xi32, #tpu.memory_space<hbm>>) target(%arg9 : memref<1x1x96xi32, #tpu.memory_space<vmem>>) target_semaphore(%arg25 : memref<!tpu.dma_semaphore, #tpu.memory_space<semaphore_mem>>)
      %add3A_28 = arith.constant 0 : i32
      %add3A_29 = arith.addi %mul3A_21, %add3A_28 : i32
      %dma_start3A_30 = arith.constant 0 : i32
      %dma_start3A_31 = arith.constant 0 : i32
      %dma_start3A_32 = tpu.memref_slice %arg5[%add3A_29, %dma_start3A_30, %dma_start3A_31] : memref<3360x1x96xi32, #tpu.memory_space<hbm>> -> memref<1x1x96xi32, #tpu.memory_space<hbm>>
      %dma_start3A_33 = arith.constant 0 : i32
      %dma_start3A_34 = arith.constant 0 : i32
      %dma_start3A_35 = tpu.memref_slice %arg5[%add3A_29, %dma_start3A_33, %dma_start3A_34] : memref<3360x1x96xi32, #tpu.memory_space<hbm>> -> memref<1x1x96xi32, #tpu.memory_space<hbm>>
      tpu.enqueue_dma source(%dma_start3A_35 : memref<1x1x96xi32, #tpu.memory_space<hbm>>) target(%arg12 : memref<1x1x96xi32, #tpu.memory_space<vmem>>) target_semaphore(%arg28 : memref<!tpu.dma_semaphore, #tpu.memory_space<semaphore_mem>>)
      %add3A_36 = arith.constant 1 : i32
      %add3A_37 = arith.addi %mul3A_21, %add3A_36 : i32
      %dma_start3A_38 = arith.constant 0 : i32
      %dma_start3A_39 = arith.constant 0 : i32
      %dma_start3A_40 = tpu.memref_slice %arg4[%add3A_37, %dma_start3A_38, %dma_start3A_39] : memref<3360x1x96xi32, #tpu.memory_space<hbm>> -> memref<1x1x96xi32, #tpu.memory_space<hbm>>
      %dma_start3A_41 = arith.constant 0 : i32
      %dma_start3A_42 = arith.constant 0 : i32
      %dma_start3A_43 = tpu.memref_slice %arg4[%add3A_37, %dma_start3A_41, %dma_start3A_42] : memref<3360x1x96xi32, #tpu.memory_space<hbm>> -> memref<1x1x96xi32, #tpu.memory_space<hbm>>
      tpu.enqueue_dma source(%dma_start3A_43 : memref<1x1x96xi32, #tpu.memory_space<hbm>>) target(%arg10 : memref<1x1x96xi32, #tpu.memory_space<vmem>>) target_semaphore(%arg26 : memref<!tpu.dma_semaphore, #tpu.memory_space<semaphore_mem>>)
      %add3A_44 = arith.constant 2 : i32
      %add3A_45 = arith.addi %mul3A_21, %add3A_44 : i32
      %dma_start3A_46 = arith.constant 0 : i32
      %dma_start3A_47 = arith.constant 0 : i32
      %dma_start3A_48 = tpu.memref_slice %arg4[%add3A_45, %dma_start3A_46, %dma_start3A_47] : memref<3360x1x96xi32, #tpu.memory_space<hbm>> -> memref<1x1x96xi32, #tpu.memory_space<hbm>>
      %dma_start3A_49 = arith.constant 0 : i32
      %dma_start3A_50 = arith.constant 0 : i32
      %dma_start3A_51 = tpu.memref_slice %arg4[%add3A_45, %dma_start3A_49, %dma_start3A_50] : memref<3360x1x96xi32, #tpu.memory_space<hbm>> -> memref<1x1x96xi32, #tpu.memory_space<hbm>>
      tpu.enqueue_dma source(%dma_start3A_51 : memref<1x1x96xi32, #tpu.memory_space<hbm>>) target(%arg11 : memref<1x1x96xi32, #tpu.memory_space<vmem>>) target_semaphore(%arg27 : memref<!tpu.dma_semaphore, #tpu.memory_space<semaphore_mem>>)
      %dma_wait3A = arith.constant 0 : i32
      %dma_wait3A_52 = arith.constant 0 : i32
      %dma_wait3A_53 = tpu.memref_slice %arg4[%mul3A_21, %dma_wait3A, %dma_wait3A_52] : memref<3360x1x96xi32, #tpu.memory_space<hbm>> -> memref<1x1x96xi32, #tpu.memory_space<hbm>>
      %dma_wait3A_54 = arith.constant 0 : i32
      %dma_wait3A_55 = arith.constant 0 : i32
      %dma_wait3A_56 = tpu.memref_slice %arg4[%mul3A_21, %dma_wait3A_54, %dma_wait3A_55] : memref<3360x1x96xi32, #tpu.memory_space<hbm>> -> memref<1x1x96xi32, #tpu.memory_space<hbm>>
      tpu.wait_dma2 semaphore(%arg25 : memref<!tpu.dma_semaphore, #tpu.memory_space<semaphore_mem>>) src(%dma_wait3A_56 : memref<1x1x96xi32, #tpu.memory_space<hbm>>) dst(%arg9 : memref<1x1x96xi32, #tpu.memory_space<vmem>>)
      %dma_start3A_57 = arith.constant 0 : i32
      %dma_start3A_58 = arith.constant 0 : i32
      %dma_start3A_59 = arith.constant 0 : i32
      %dma_start3A_60 = tpu.memref_slice %arg9[%dma_start3A_57, %dma_start3A_58, %dma_start3A_59] : memref<1x1x96xi32, #tpu.memory_space<vmem>> -> memref<1x1x96xi32, #tpu.memory_space<vmem>>
      %dma_start3A_61 = tpu.memref_squeeze %dma_start3A_60 : memref<1x1x96xi32, #tpu.memory_space<vmem>> -> memref<96xi32, #tpu.memory_space<vmem>>
      %dma_start3A_62 = arith.constant 0 : i32
      %dma_start3A_63 = arith.constant 0 : i32
      %dma_start3A_64 = tpu.memref_slice %arg2[%dma_start3A_62, %dma_start3A_63] : memref<10240x128xf32, #tpu.memory_space<hbm>> -> memref<10240x128xf32, #tpu.memory_space<hbm>>
      tpu.enqueue_indirect_dma source(%dma_start3A_64 : memref<10240x128xf32, #tpu.memory_space<hbm>>) target(%arg15 : memref<96x128xf32, #tpu.memory_space<vmem>>) offsets(%dma_start3A_61 : memref<96xi32, #tpu.memory_space<vmem>>) semaphore(%arg19 : memref<!tpu.dma_semaphore, #tpu.memory_space<semaphore_mem>>)
      %dma_wait3A_65 = arith.constant 0 : i32
      %dma_wait3A_66 = arith.constant 0 : i32
      %dma_wait3A_67 = arith.constant 0 : i32
      %dma_wait3A_68 = tpu.memref_slice %arg9[%dma_wait3A_65, %dma_wait3A_66, %dma_wait3A_67] : memref<1x1x96xi32, #tpu.memory_space<vmem>> -> memref<1x1x96xi32, #tpu.memory_space<vmem>>
      %dma_wait3A_69 = tpu.memref_squeeze %dma_wait3A_68 : memref<1x1x96xi32, #tpu.memory_space<vmem>> -> memref<96xi32, #tpu.memory_space<vmem>>
      %dma_wait3A_70 = arith.constant 0 : i32
      %dma_wait3A_71 = arith.constant 0 : i32
      %dma_wait3A_72 = tpu.memref_slice %arg2[%dma_wait3A_70, %dma_wait3A_71] : memref<10240x128xf32, #tpu.memory_space<hbm>> -> memref<10240x128xf32, #tpu.memory_space<hbm>>
      tpu.wait_indirect_dma semaphore(%arg19 : memref<!tpu.dma_semaphore, #tpu.memory_space<semaphore_mem>>) src(%dma_wait3A_72 : memref<10240x128xf32, #tpu.memory_space<hbm>>) dst(%arg15 : memref<96x128xf32, #tpu.memory_space<vmem>>)
      %dma_wait3A_73 = arith.constant 0 : i32
      %dma_wait3A_74 = arith.constant 0 : i32
      %dma_wait3A_75 = tpu.memref_slice %arg5[%mul3A_21, %dma_wait3A_73, %dma_wait3A_74] : memref<3360x1x96xi32, #tpu.memory_space<hbm>> -> memref<1x1x96xi32, #tpu.memory_space<hbm>>
      %dma_wait3A_76 = arith.constant 0 : i32
      %dma_wait3A_77 = arith.constant 0 : i32
      %dma_wait3A_78 = tpu.memref_slice %arg5[%mul3A_21, %dma_wait3A_76, %dma_wait3A_77] : memref<3360x1x96xi32, #tpu.memory_space<hbm>> -> memref<1x1x96xi32, #tpu.memory_space<hbm>>
      tpu.wait_dma2 semaphore(%arg28 : memref<!tpu.dma_semaphore, #tpu.memory_space<semaphore_mem>>) src(%dma_wait3A_78 : memref<1x1x96xi32, #tpu.memory_space<hbm>>) dst(%arg12 : memref<1x1x96xi32, #tpu.memory_space<vmem>>)
      %dma_start3A_79 = arith.constant 0 : i32
      %dma_start3A_80 = arith.constant 0 : i32
      %dma_start3A_81 = arith.constant 0 : i32
      %dma_start3A_82 = tpu.memref_slice %arg12[%dma_start3A_79, %dma_start3A_80, %dma_start3A_81] : memref<1x1x96xi32, #tpu.memory_space<vmem>> -> memref<1x1x96xi32, #tpu.memory_space<vmem>>
      %dma_start3A_83 = tpu.memref_squeeze %dma_start3A_82 : memref<1x1x96xi32, #tpu.memory_space<vmem>> -> memref<96xi32, #tpu.memory_space<vmem>>
      %dma_start3A_84 = arith.constant 0 : i32
      %dma_start3A_85 = arith.constant 0 : i32
      %dma_start3A_86 = tpu.memref_slice %arg8[%dma_start3A_84, %dma_start3A_85] : memref<10240x128xf32, #tpu.memory_space<vmem_shared>> -> memref<10240x128xf32, #tpu.memory_space<vmem_shared>>
      tpu.enqueue_indirect_dma source(%arg15 : memref<96x128xf32, #tpu.memory_space<vmem>>) target(%dma_start3A_86 : memref<10240x128xf32, #tpu.memory_space<vmem_shared>>) offsets(%dma_start3A_83 : memref<96xi32, #tpu.memory_space<vmem>>) semaphore(%arg22 : memref<!tpu.dma_semaphore, #tpu.memory_space<semaphore_mem>>) {add = true}
      %min3A = arith.constant 3 : i32
      %min3A_87 = arith.constant 209 : i32
      %min3A_88 = arith.minsi %min3A, %min3A_87 : i32
      %add3A_89 = arith.addi %mul3A_21, %min3A_88 : i32
      %dma_start3A_90 = arith.constant 0 : i32
      %dma_start3A_91 = arith.constant 0 : i32
      %dma_start3A_92 = tpu.memref_slice %arg4[%add3A_89, %dma_start3A_90, %dma_start3A_91] : memref<3360x1x96xi32, #tpu.memory_space<hbm>> -> memref<1x1x96xi32, #tpu.memory_space<hbm>>
      %dma_start3A_93 = arith.constant 0 : i32
      %dma_start3A_94 = arith.constant 0 : i32
      %dma_start3A_95 = tpu.memref_slice %arg4[%add3A_89, %dma_start3A_93, %dma_start3A_94] : memref<3360x1x96xi32, #tpu.memory_space<hbm>> -> memref<1x1x96xi32, #tpu.memory_space<hbm>>
      tpu.enqueue_dma source(%dma_start3A_95 : memref<1x1x96xi32, #tpu.memory_space<hbm>>) target(%arg9 : memref<1x1x96xi32, #tpu.memory_space<vmem>>) target_semaphore(%arg25 : memref<!tpu.dma_semaphore, #tpu.memory_space<semaphore_mem>>)
      %add3A_96 = arith.constant 1 : i32
      %add3A_97 = arith.addi %mul3A_21, %add3A_96 : i32
      %dma_start3A_98 = arith.constant 0 : i32
      %dma_start3A_99 = arith.constant 0 : i32
      %dma_start3A_100 = tpu.memref_slice %arg5[%add3A_97, %dma_start3A_98, %dma_start3A_99] : memref<3360x1x96xi32, #tpu.memory_space<hbm>> -> memref<1x1x96xi32, #tpu.memory_space<hbm>>
      %dma_start3A_101 = arith.constant 0 : i32
      %dma_start3A_102 = arith.constant 0 : i32
      %dma_start3A_103 = tpu.memref_slice %arg5[%add3A_97, %dma_start3A_101, %dma_start3A_102] : memref<3360x1x96xi32, #tpu.memory_space<hbm>> -> memref<1x1x96xi32, #tpu.memory_space<hbm>>
      tpu.enqueue_dma source(%dma_start3A_103 : memref<1x1x96xi32, #tpu.memory_space<hbm>>) target(%arg13 : memref<1x1x96xi32, #tpu.memory_space<vmem>>) target_semaphore(%arg29 : memref<!tpu.dma_semaphore, #tpu.memory_space<semaphore_mem>>)
      %dma_wait3A_104 = arith.constant 0 : i32
      %dma_wait3A_105 = arith.constant 0 : i32
      %dma_wait3A_106 = tpu.memref_slice %arg4[%mul3A_21, %dma_wait3A_104, %dma_wait3A_105] : memref<3360x1x96xi32, #tpu.memory_space<hbm>> -> memref<1x1x96xi32, #tpu.memory_space<hbm>>
      %dma_wait3A_107 = arith.constant 0 : i32
      %dma_wait3A_108 = arith.constant 0 : i32
      %dma_wait3A_109 = tpu.memref_slice %arg4[%mul3A_21, %dma_wait3A_107, %dma_wait3A_108] : memref<3360x1x96xi32, #tpu.memory_space<hbm>> -> memref<1x1x96xi32, #tpu.memory_space<hbm>>
      tpu.wait_dma2 semaphore(%arg26 : memref<!tpu.dma_semaphore, #tpu.memory_space<semaphore_mem>>) src(%dma_wait3A_109 : memref<1x1x96xi32, #tpu.memory_space<hbm>>) dst(%arg10 : memref<1x1x96xi32, #tpu.memory_space<vmem>>)
      %dma_start3A_110 = arith.constant 0 : i32
      %dma_start3A_111 = arith.constant 0 : i32
      %dma_start3A_112 = arith.constant 0 : i32
      %dma_start3A_113 = tpu.memref_slice %arg10[%dma_start3A_110, %dma_start3A_111, %dma_start3A_112] : memref<1x1x96xi32, #tpu.memory_space<vmem>> -> memref<1x1x96xi32, #tpu.memory_space<vmem>>
      %dma_start3A_114 = tpu.memref_squeeze %dma_start3A_113 : memref<1x1x96xi32, #tpu.memory_space<vmem>> -> memref<96xi32, #tpu.memory_space<vmem>>
      %dma_start3A_115 = arith.constant 0 : i32
      %dma_start3A_116 = arith.constant 0 : i32
      %dma_start3A_117 = tpu.memref_slice %arg2[%dma_start3A_115, %dma_start3A_116] : memref<10240x128xf32, #tpu.memory_space<hbm>> -> memref<10240x128xf32, #tpu.memory_space<hbm>>
      tpu.enqueue_indirect_dma source(%dma_start3A_117 : memref<10240x128xf32, #tpu.memory_space<hbm>>) target(%arg16 : memref<96x128xf32, #tpu.memory_space<vmem>>) offsets(%dma_start3A_114 : memref<96xi32, #tpu.memory_space<vmem>>) semaphore(%arg20 : memref<!tpu.dma_semaphore, #tpu.memory_space<semaphore_mem>>)
      %dma_wait3A_118 = arith.constant 0 : i32
      %dma_wait3A_119 = arith.constant 0 : i32
      %dma_wait3A_120 = arith.constant 0 : i32
      %dma_wait3A_121 = tpu.memref_slice %arg9[%dma_wait3A_118, %dma_wait3A_119, %dma_wait3A_120] : memref<1x1x96xi32, #tpu.memory_space<vmem>> -> memref<1x1x96xi32, #tpu.memory_space<vmem>>
      %dma_wait3A_122 = tpu.memref_squeeze %dma_wait3A_121 : memref<1x1x96xi32, #tpu.memory_space<vmem>> -> memref<96xi32, #tpu.memory_space<vmem>>
      %dma_wait3A_123 = arith.constant 0 : i32
      %dma_wait3A_124 = arith.constant 0 : i32
      %dma_wait3A_125 = tpu.memref_slice %arg2[%dma_wait3A_123, %dma_wait3A_124] : memref<10240x128xf32, #tpu.memory_space<hbm>> -> memref<10240x128xf32, #tpu.memory_space<hbm>>
      tpu.wait_indirect_dma semaphore(%arg20 : memref<!tpu.dma_semaphore, #tpu.memory_space<semaphore_mem>>) src(%dma_wait3A_125 : memref<10240x128xf32, #tpu.memory_space<hbm>>) dst(%arg16 : memref<96x128xf32, #tpu.memory_space<vmem>>)
      %dma_wait3A_126 = arith.constant 0 : i32
      %dma_wait3A_127 = arith.constant 0 : i32
      %dma_wait3A_128 = tpu.memref_slice %arg5[%mul3A_21, %dma_wait3A_126, %dma_wait3A_127] : memref<3360x1x96xi32, #tpu.memory_space<hbm>> -> memref<1x1x96xi32, #tpu.memory_space<hbm>>
      %dma_wait3A_129 = arith.constant 0 : i32
      %dma_wait3A_130 = arith.constant 0 : i32
      %dma_wait3A_131 = tpu.memref_slice %arg5[%mul3A_21, %dma_wait3A_129, %dma_wait3A_130] : memref<3360x1x96xi32, #tpu.memory_space<hbm>> -> memref<1x1x96xi32, #tpu.memory_space<hbm>>
      tpu.wait_dma2 semaphore(%arg29 : memref<!tpu.dma_semaphore, #tpu.memory_space<semaphore_mem>>) src(%dma_wait3A_131 : memref<1x1x96xi32, #tpu.memory_space<hbm>>) dst(%arg13 : memref<1x1x96xi32, #tpu.memory_space<vmem>>)
      %dma_start3A_132 = arith.constant 0 : i32
      %dma_start3A_133 = arith.constant 0 : i32
      %dma_start3A_134 = arith.constant 0 : i32
      %dma_start3A_135 = tpu.memref_slice %arg13[%dma_start3A_132, %dma_start3A_133, %dma_start3A_134] : memref<1x1x96xi32, #tpu.memory_space<vmem>> -> memref<1x1x96xi32, #tpu.memory_space<vmem>>
      %dma_start3A_136 = tpu.memref_squeeze %dma_start3A_135 : memref<1x1x96xi32, #tpu.memory_space<vmem>> -> memref<96xi32, #tpu.memory_space<vmem>>
      %dma_start3A_137 = arith.constant 0 : i32
      %dma_start3A_138 = arith.constant 0 : i32
      %dma_start3A_139 = tpu.memref_slice %arg8[%dma_start3A_137, %dma_start3A_138] : memref<10240x128xf32, #tpu.memory_space<vmem_shared>> -> memref<10240x128xf32, #tpu.memory_space<vmem_shared>>
      tpu.enqueue_indirect_dma source(%arg16 : memref<96x128xf32, #tpu.memory_space<vmem>>) target(%dma_start3A_139 : memref<10240x128xf32, #tpu.memory_space<vmem_shared>>) offsets(%dma_start3A_136 : memref<96xi32, #tpu.memory_space<vmem>>) semaphore(%arg23 : memref<!tpu.dma_semaphore, #tpu.memory_space<semaphore_mem>>) {add = true}
      %min3A_140 = arith.constant 4 : i32
      %min3A_141 = arith.constant 209 : i32
      %min3A_142 = arith.minsi %min3A_140, %min3A_141 : i32
      %add3A_143 = arith.addi %mul3A_21, %min3A_142 : i32
      %dma_start3A_144 = arith.constant 0 : i32
      %dma_start3A_145 = arith.constant 0 : i32
      %dma_start3A_146 = tpu.memref_slice %arg4[%add3A_143, %dma_start3A_144, %dma_start3A_145] : memref<3360x1x96xi32, #tpu.memory_space<hbm>> -> memref<1x1x96xi32, #tpu.memory_space<hbm>>
      %dma_start3A_147 = arith.constant 0 : i32
      %dma_start3A_148 = arith.constant 0 : i32
      %dma_start3A_149 = tpu.memref_slice %arg4[%add3A_143, %dma_start3A_147, %dma_start3A_148] : memref<3360x1x96xi32, #tpu.memory_space<hbm>> -> memref<1x1x96xi32, #tpu.memory_space<hbm>>
      tpu.enqueue_dma source(%dma_start3A_149 : memref<1x1x96xi32, #tpu.memory_space<hbm>>) target(%arg10 : memref<1x1x96xi32, #tpu.memory_space<vmem>>) target_semaphore(%arg26 : memref<!tpu.dma_semaphore, #tpu.memory_space<semaphore_mem>>)
      %add3A_150 = arith.constant 2 : i32
      %add3A_151 = arith.addi %mul3A_21, %add3A_150 : i32
      %dma_start3A_152 = arith.constant 0 : i32
      %dma_start3A_153 = arith.constant 0 : i32
      %dma_start3A_154 = tpu.memref_slice %arg5[%add3A_151, %dma_start3A_152, %dma_start3A_153] : memref<3360x1x96xi32, #tpu.memory_space<hbm>> -> memref<1x1x96xi32, #tpu.memory_space<hbm>>
      %dma_start3A_155 = arith.constant 0 : i32
      %dma_start3A_156 = arith.constant 0 : i32
      %dma_start3A_157 = tpu.memref_slice %arg5[%add3A_151, %dma_start3A_155, %dma_start3A_156] : memref<3360x1x96xi32, #tpu.memory_space<hbm>> -> memref<1x1x96xi32, #tpu.memory_space<hbm>>
      tpu.enqueue_dma source(%dma_start3A_157 : memref<1x1x96xi32, #tpu.memory_space<hbm>>) target(%arg14 : memref<1x1x96xi32, #tpu.memory_space<vmem>>) target_semaphore(%arg30 : memref<!tpu.dma_semaphore, #tpu.memory_space<semaphore_mem>>)
      %dma_wait3A_158 = arith.constant 0 : i32
      %dma_wait3A_159 = arith.constant 0 : i32
      %dma_wait3A_160 = tpu.memref_slice %arg4[%mul3A_21, %dma_wait3A_158, %dma_wait3A_159] : memref<3360x1x96xi32, #tpu.memory_space<hbm>> -> memref<1x1x96xi32, #tpu.memory_space<hbm>>
      %dma_wait3A_161 = arith.constant 0 : i32
      %dma_wait3A_162 = arith.constant 0 : i32
      %dma_wait3A_163 = tpu.memref_slice %arg4[%mul3A_21, %dma_wait3A_161, %dma_wait3A_162] : memref<3360x1x96xi32, #tpu.memory_space<hbm>> -> memref<1x1x96xi32, #tpu.memory_space<hbm>>
      tpu.wait_dma2 semaphore(%arg27 : memref<!tpu.dma_semaphore, #tpu.memory_space<semaphore_mem>>) src(%dma_wait3A_163 : memref<1x1x96xi32, #tpu.memory_space<hbm>>) dst(%arg11 : memref<1x1x96xi32, #tpu.memory_space<vmem>>)
      %dma_start3A_164 = arith.constant 0 : i32
      %dma_start3A_165 = arith.constant 0 : i32
      %dma_start3A_166 = arith.constant 0 : i32
      %dma_start3A_167 = tpu.memref_slice %arg11[%dma_start3A_164, %dma_start3A_165, %dma_start3A_166] : memref<1x1x96xi32, #tpu.memory_space<vmem>> -> memref<1x1x96xi32, #tpu.memory_space<vmem>>
      %dma_start3A_168 = tpu.memref_squeeze %dma_start3A_167 : memref<1x1x96xi32, #tpu.memory_space<vmem>> -> memref<96xi32, #tpu.memory_space<vmem>>
      %dma_start3A_169 = arith.constant 0 : i32
      %dma_start3A_170 = arith.constant 0 : i32
      %dma_start3A_171 = tpu.memref_slice %arg2[%dma_start3A_169, %dma_start3A_170] : memref<10240x128xf32, #tpu.memory_space<hbm>> -> memref<10240x128xf32, #tpu.memory_space<hbm>>
      tpu.enqueue_indirect_dma source(%dma_start3A_171 : memref<10240x128xf32, #tpu.memory_space<hbm>>) target(%arg17 : memref<96x128xf32, #tpu.memory_space<vmem>>) offsets(%dma_start3A_168 : memref<96xi32, #tpu.memory_space<vmem>>) semaphore(%arg21 : memref<!tpu.dma_semaphore, #tpu.memory_space<semaphore_mem>>)
      %scan3A_172 = arith.constant 0 : i32
      %scan3A_173 = arith.constant 0 : i32
      %scan3A_174 = arith.constant 69 : i32
      %scan3A_175 = arith.addi %scan3A_173, %scan3A_174 : i32
      %scan3A_176 = arith.constant 1 : i32
      scf.for %scan3A_237 = %scan3A_173 to %scan3A_175 step %scan3A_176  : i32 {
        %mul3A_238 = arith.constant 3 : i32
        %mul3A_239 = arith.muli %mul3A_238, %scan3A_237 : i32
        %add3A_240 = arith.constant 2 : i32
        %add3A_241 = arith.addi %add3A_240, %mul3A_239 : i32
        %dma_wait3A_242 = arith.constant 0 : i32
        %dma_wait3A_243 = arith.constant 0 : i32
        %dma_wait3A_244 = arith.constant 0 : i32
        %dma_wait3A_245 = tpu.memref_slice %arg9[%dma_wait3A_242, %dma_wait3A_243, %dma_wait3A_244] : memref<1x1x96xi32, #tpu.memory_space<vmem>> -> memref<1x1x96xi32, #tpu.memory_space<vmem>>
        %dma_wait3A_246 = tpu.memref_squeeze %dma_wait3A_245 : memref<1x1x96xi32, #tpu.memory_space<vmem>> -> memref<96xi32, #tpu.memory_space<vmem>>
        %dma_wait3A_247 = arith.constant 0 : i32
        %dma_wait3A_248 = arith.constant 0 : i32
        %dma_wait3A_249 = tpu.memref_slice %arg2[%dma_wait3A_247, %dma_wait3A_248] : memref<10240x128xf32, #tpu.memory_space<hbm>> -> memref<10240x128xf32, #tpu.memory_space<hbm>>
        tpu.wait_indirect_dma semaphore(%arg21 : memref<!tpu.dma_semaphore, #tpu.memory_space<semaphore_mem>>) src(%dma_wait3A_249 : memref<10240x128xf32, #tpu.memory_space<hbm>>) dst(%arg17 : memref<96x128xf32, #tpu.memory_space<vmem>>)
        %dma_wait3A_250 = arith.constant 0 : i32
        %dma_wait3A_251 = arith.constant 0 : i32
        %dma_wait3A_252 = tpu.memref_slice %arg5[%mul3A_21, %dma_wait3A_250, %dma_wait3A_251] : memref<3360x1x96xi32, #tpu.memory_space<hbm>> -> memref<1x1x96xi32, #tpu.memory_space<hbm>>
        %dma_wait3A_253 = arith.constant 0 : i32
        %dma_wait3A_254 = arith.constant 0 : i32
        %dma_wait3A_255 = tpu.memref_slice %arg5[%mul3A_21, %dma_wait3A_253, %dma_wait3A_254] : memref<3360x1x96xi32, #tpu.memory_space<hbm>> -> memref<1x1x96xi32, #tpu.memory_space<hbm>>
        tpu.wait_dma2 semaphore(%arg30 : memref<!tpu.dma_semaphore, #tpu.memory_space<semaphore_mem>>) src(%dma_wait3A_255 : memref<1x1x96xi32, #tpu.memory_space<hbm>>) dst(%arg14 : memref<1x1x96xi32, #tpu.memory_space<vmem>>)
        %dma_start3A_256 = arith.constant 0 : i32
        %dma_start3A_257 = arith.constant 0 : i32
        %dma_start3A_258 = arith.constant 0 : i32
        %dma_start3A_259 = tpu.memref_slice %arg14[%dma_start3A_256, %dma_start3A_257, %dma_start3A_258] : memref<1x1x96xi32, #tpu.memory_space<vmem>> -> memref<1x1x96xi32, #tpu.memory_space<vmem>>
        %dma_start3A_260 = tpu.memref_squeeze %dma_start3A_259 : memref<1x1x96xi32, #tpu.memory_space<vmem>> -> memref<96xi32, #tpu.memory_space<vmem>>
        %dma_start3A_261 = arith.constant 0 : i32
        %dma_start3A_262 = arith.constant 0 : i32
        %dma_start3A_263 = tpu.memref_slice %arg8[%dma_start3A_261, %dma_start3A_262] : memref<10240x128xf32, #tpu.memory_space<vmem_shared>> -> memref<10240x128xf32, #tpu.memory_space<vmem_shared>>
        tpu.enqueue_indirect_dma source(%arg17 : memref<96x128xf32, #tpu.memory_space<vmem>>) target(%dma_start3A_263 : memref<10240x128xf32, #tpu.memory_space<vmem_shared>>) offsets(%dma_start3A_260 : memref<96xi32, #tpu.memory_space<vmem>>) semaphore(%arg24 : memref<!tpu.dma_semaphore, #tpu.memory_space<semaphore_mem>>) {add = true}
        %add3A_264 = arith.constant 3 : i32
        %add3A_265 = arith.addi %add3A_241, %add3A_264 : i32
        %min3A_266 = arith.constant 209 : i32
        %min3A_267 = arith.minsi %add3A_265, %min3A_266 : i32
        %add3A_268 = arith.addi %mul3A_21, %min3A_267 : i32
        %dma_start3A_269 = arith.constant 0 : i32
        %dma_start3A_270 = arith.constant 0 : i32
        %dma_start3A_271 = tpu.memref_slice %arg4[%add3A_268, %dma_start3A_269, %dma_start3A_270] : memref<3360x1x96xi32, #tpu.memory_space<hbm>> -> memref<1x1x96xi32, #tpu.memory_space<hbm>>
        %dma_start3A_272 = arith.constant 0 : i32
        %dma_start3A_273 = arith.constant 0 : i32
        %dma_start3A_274 = tpu.memref_slice %arg4[%add3A_268, %dma_start3A_272, %dma_start3A_273] : memref<3360x1x96xi32, #tpu.memory_space<hbm>> -> memref<1x1x96xi32, #tpu.memory_space<hbm>>
        tpu.enqueue_dma source(%dma_start3A_274 : memref<1x1x96xi32, #tpu.memory_space<hbm>>) target(%arg11 : memref<1x1x96xi32, #tpu.memory_space<vmem>>) target_semaphore(%arg27 : memref<!tpu.dma_semaphore, #tpu.memory_space<semaphore_mem>>)
        %dma_wait3A_275 = arith.constant 0 : i32
        %dma_wait3A_276 = arith.constant 0 : i32
        %dma_wait3A_277 = arith.constant 0 : i32
        %dma_wait3A_278 = tpu.memref_slice %arg12[%dma_wait3A_275, %dma_wait3A_276, %dma_wait3A_277] : memref<1x1x96xi32, #tpu.memory_space<vmem>> -> memref<1x1x96xi32, #tpu.memory_space<vmem>>
        %dma_wait3A_279 = tpu.memref_squeeze %dma_wait3A_278 : memref<1x1x96xi32, #tpu.memory_space<vmem>> -> memref<96xi32, #tpu.memory_space<vmem>>
        %dma_wait3A_280 = arith.constant 0 : i32
        %dma_wait3A_281 = arith.constant 0 : i32
        %dma_wait3A_282 = tpu.memref_slice %arg8[%dma_wait3A_280, %dma_wait3A_281] : memref<10240x128xf32, #tpu.memory_space<vmem_shared>> -> memref<10240x128xf32, #tpu.memory_space<vmem_shared>>
        tpu.wait_indirect_dma semaphore(%arg22 : memref<!tpu.dma_semaphore, #tpu.memory_space<semaphore_mem>>) src(%arg15 : memref<96x128xf32, #tpu.memory_space<vmem>>) dst(%dma_wait3A_282 : memref<10240x128xf32, #tpu.memory_space<vmem_shared>>)
        %add3A_283 = arith.constant 1 : i32
        %add3A_284 = arith.addi %add3A_241, %add3A_283 : i32
        %add3A_285 = arith.addi %mul3A_21, %add3A_284 : i32
        %dma_start3A_286 = arith.constant 0 : i32
        %dma_start3A_287 = arith.constant 0 : i32
        %dma_start3A_288 = tpu.memref_slice %arg5[%add3A_285, %dma_start3A_286, %dma_start3A_287] : memref<3360x1x96xi32, #tpu.memory_space<hbm>> -> memref<1x1x96xi32, #tpu.memory_space<hbm>>
        %dma_start3A_289 = arith.constant 0 : i32
        %dma_start3A_290 = arith.constant 0 : i32
        %dma_start3A_291 = tpu.memref_slice %arg5[%add3A_285, %dma_start3A_289, %dma_start3A_290] : memref<3360x1x96xi32, #tpu.memory_space<hbm>> -> memref<1x1x96xi32, #tpu.memory_space<hbm>>
        tpu.enqueue_dma source(%dma_start3A_291 : memref<1x1x96xi32, #tpu.memory_space<hbm>>) target(%arg12 : memref<1x1x96xi32, #tpu.memory_space<vmem>>) target_semaphore(%arg28 : memref<!tpu.dma_semaphore, #tpu.memory_space<semaphore_mem>>)
        %dma_wait3A_292 = arith.constant 0 : i32
        %dma_wait3A_293 = arith.constant 0 : i32
        %dma_wait3A_294 = tpu.memref_slice %arg4[%mul3A_21, %dma_wait3A_292, %dma_wait3A_293] : memref<3360x1x96xi32, #tpu.memory_space<hbm>> -> memref<1x1x96xi32, #tpu.memory_space<hbm>>
        %dma_wait3A_295 = arith.constant 0 : i32
        %dma_wait3A_296 = arith.constant 0 : i32
        %dma_wait3A_297 = tpu.memref_slice %arg4[%mul3A_21, %dma_wait3A_295, %dma_wait3A_296] : memref<3360x1x96xi32, #tpu.memory_space<hbm>> -> memref<1x1x96xi32, #tpu.memory_space<hbm>>
        tpu.wait_dma2 semaphore(%arg25 : memref<!tpu.dma_semaphore, #tpu.memory_space<semaphore_mem>>) src(%dma_wait3A_297 : memref<1x1x96xi32, #tpu.memory_space<hbm>>) dst(%arg9 : memref<1x1x96xi32, #tpu.memory_space<vmem>>)
        %dma_start3A_298 = arith.constant 0 : i32
        %dma_start3A_299 = arith.constant 0 : i32
        %dma_start3A_300 = arith.constant 0 : i32
        %dma_start3A_301 = tpu.memref_slice %arg9[%dma_start3A_298, %dma_start3A_299, %dma_start3A_300] : memref<1x1x96xi32, #tpu.memory_space<vmem>> -> memref<1x1x96xi32, #tpu.memory_space<vmem>>
        %dma_start3A_302 = tpu.memref_squeeze %dma_start3A_301 : memref<1x1x96xi32, #tpu.memory_space<vmem>> -> memref<96xi32, #tpu.memory_space<vmem>>
        %dma_start3A_303 = arith.constant 0 : i32
        %dma_start3A_304 = arith.constant 0 : i32
        %dma_start3A_305 = tpu.memref_slice %arg2[%dma_start3A_303, %dma_start3A_304] : memref<10240x128xf32, #tpu.memory_space<hbm>> -> memref<10240x128xf32, #tpu.memory_space<hbm>>
        tpu.enqueue_indirect_dma source(%dma_start3A_305 : memref<10240x128xf32, #tpu.memory_space<hbm>>) target(%arg15 : memref<96x128xf32, #tpu.memory_space<vmem>>) offsets(%dma_start3A_302 : memref<96xi32, #tpu.memory_space<vmem>>) semaphore(%arg19 : memref<!tpu.dma_semaphore, #tpu.memory_space<semaphore_mem>>)
        %add3A_306 = arith.constant 1 : i32
        %add3A_307 = arith.addi %add3A_241, %add3A_306 : i32
        %dma_wait3A_308 = arith.constant 0 : i32
        %dma_wait3A_309 = arith.constant 0 : i32
        %dma_wait3A_310 = arith.constant 0 : i32
        %dma_wait3A_311 = tpu.memref_slice %arg9[%dma_wait3A_308, %dma_wait3A_309, %dma_wait3A_310] : memref<1x1x96xi32, #tpu.memory_space<vmem>> -> memref<1x1x96xi32, #tpu.memory_space<vmem>>
        %dma_wait3A_312 = tpu.memref_squeeze %dma_wait3A_311 : memref<1x1x96xi32, #tpu.memory_space<vmem>> -> memref<96xi32, #tpu.memory_space<vmem>>
        %dma_wait3A_313 = arith.constant 0 : i32
        %dma_wait3A_314 = arith.constant 0 : i32
        %dma_wait3A_315 = tpu.memref_slice %arg2[%dma_wait3A_313, %dma_wait3A_314] : memref<10240x128xf32, #tpu.memory_space<hbm>> -> memref<10240x128xf32, #tpu.memory_space<hbm>>
        tpu.wait_indirect_dma semaphore(%arg19 : memref<!tpu.dma_semaphore, #tpu.memory_space<semaphore_mem>>) src(%dma_wait3A_315 : memref<10240x128xf32, #tpu.memory_space<hbm>>) dst(%arg15 : memref<96x128xf32, #tpu.memory_space<vmem>>)
        %dma_wait3A_316 = arith.constant 0 : i32
        %dma_wait3A_317 = arith.constant 0 : i32
        %dma_wait3A_318 = tpu.memref_slice %arg5[%mul3A_21, %dma_wait3A_316, %dma_wait3A_317] : memref<3360x1x96xi32, #tpu.memory_space<hbm>> -> memref<1x1x96xi32, #tpu.memory_space<hbm>>
        %dma_wait3A_319 = arith.constant 0 : i32
        %dma_wait3A_320 = arith.constant 0 : i32
        %dma_wait3A_321 = tpu.memref_slice %arg5[%mul3A_21, %dma_wait3A_319, %dma_wait3A_320] : memref<3360x1x96xi32, #tpu.memory_space<hbm>> -> memref<1x1x96xi32, #tpu.memory_space<hbm>>
        tpu.wait_dma2 semaphore(%arg28 : memref<!tpu.dma_semaphore, #tpu.memory_space<semaphore_mem>>) src(%dma_wait3A_321 : memref<1x1x96xi32, #tpu.memory_space<hbm>>) dst(%arg12 : memref<1x1x96xi32, #tpu.memory_space<vmem>>)
        %dma_start3A_322 = arith.constant 0 : i32
        %dma_start3A_323 = arith.constant 0 : i32
        %dma_start3A_324 = arith.constant 0 : i32
        %dma_start3A_325 = tpu.memref_slice %arg12[%dma_start3A_322, %dma_start3A_323, %dma_start3A_324] : memref<1x1x96xi32, #tpu.memory_space<vmem>> -> memref<1x1x96xi32, #tpu.memory_space<vmem>>
        %dma_start3A_326 = tpu.memref_squeeze %dma_start3A_325 : memref<1x1x96xi32, #tpu.memory_space<vmem>> -> memref<96xi32, #tpu.memory_space<vmem>>
        %dma_start3A_327 = arith.constant 0 : i32
        %dma_start3A_328 = arith.constant 0 : i32
        %dma_start3A_329 = tpu.memref_slice %arg8[%dma_start3A_327, %dma_start3A_328] : memref<10240x128xf32, #tpu.memory_space<vmem_shared>> -> memref<10240x128xf32, #tpu.memory_space<vmem_shared>>
        tpu.enqueue_indirect_dma source(%arg15 : memref<96x128xf32, #tpu.memory_space<vmem>>) target(%dma_start3A_329 : memref<10240x128xf32, #tpu.memory_space<vmem_shared>>) offsets(%dma_start3A_326 : memref<96xi32, #tpu.memory_space<vmem>>) semaphore(%arg22 : memref<!tpu.dma_semaphore, #tpu.memory_space<semaphore_mem>>) {add = true}
        %add3A_330 = arith.constant 3 : i32
        %add3A_331 = arith.addi %add3A_307, %add3A_330 : i32
        %min3A_332 = arith.constant 209 : i32
        %min3A_333 = arith.minsi %add3A_331, %min3A_332 : i32
        %add3A_334 = arith.addi %mul3A_21, %min3A_333 : i32
        %dma_start3A_335 = arith.constant 0 : i32
        %dma_start3A_336 = arith.constant 0 : i32
        %dma_start3A_337 = tpu.memref_slice %arg4[%add3A_334, %dma_start3A_335, %dma_start3A_336] : memref<3360x1x96xi32, #tpu.memory_space<hbm>> -> memref<1x1x96xi32, #tpu.memory_space<hbm>>
        %dma_start3A_338 = arith.constant 0 : i32
        %dma_start3A_339 = arith.constant 0 : i32
        %dma_start3A_340 = tpu.memref_slice %arg4[%add3A_334, %dma_start3A_338, %dma_start3A_339] : memref<3360x1x96xi32, #tpu.memory_space<hbm>> -> memref<1x1x96xi32, #tpu.memory_space<hbm>>
        tpu.enqueue_dma source(%dma_start3A_340 : memref<1x1x96xi32, #tpu.memory_space<hbm>>) target(%arg9 : memref<1x1x96xi32, #tpu.memory_space<vmem>>) target_semaphore(%arg25 : memref<!tpu.dma_semaphore, #tpu.memory_space<semaphore_mem>>)
        %dma_wait3A_341 = arith.constant 0 : i32
        %dma_wait3A_342 = arith.constant 0 : i32
        %dma_wait3A_343 = arith.constant 0 : i32
        %dma_wait3A_344 = tpu.memref_slice %arg12[%dma_wait3A_341, %dma_wait3A_342, %dma_wait3A_343] : memref<1x1x96xi32, #tpu.memory_space<vmem>> -> memref<1x1x96xi32, #tpu.memory_space<vmem>>
        %dma_wait3A_345 = tpu.memref_squeeze %dma_wait3A_344 : memref<1x1x96xi32, #tpu.memory_space<vmem>> -> memref<96xi32, #tpu.memory_space<vmem>>
        %dma_wait3A_346 = arith.constant 0 : i32
        %dma_wait3A_347 = arith.constant 0 : i32
        %dma_wait3A_348 = tpu.memref_slice %arg8[%dma_wait3A_346, %dma_wait3A_347] : memref<10240x128xf32, #tpu.memory_space<vmem_shared>> -> memref<10240x128xf32, #tpu.memory_space<vmem_shared>>
        tpu.wait_indirect_dma semaphore(%arg23 : memref<!tpu.dma_semaphore, #tpu.memory_space<semaphore_mem>>) src(%arg16 : memref<96x128xf32, #tpu.memory_space<vmem>>) dst(%dma_wait3A_348 : memref<10240x128xf32, #tpu.memory_space<vmem_shared>>)
        %add3A_349 = arith.constant 1 : i32
        %add3A_350 = arith.addi %add3A_307, %add3A_349 : i32
        %add3A_351 = arith.addi %mul3A_21, %add3A_350 : i32
        %dma_start3A_352 = arith.constant 0 : i32
        %dma_start3A_353 = arith.constant 0 : i32
        %dma_start3A_354 = tpu.memref_slice %arg5[%add3A_351, %dma_start3A_352, %dma_start3A_353] : memref<3360x1x96xi32, #tpu.memory_space<hbm>> -> memref<1x1x96xi32, #tpu.memory_space<hbm>>
        %dma_start3A_355 = arith.constant 0 : i32
        %dma_start3A_356 = arith.constant 0 : i32
        %dma_start3A_357 = tpu.memref_slice %arg5[%add3A_351, %dma_start3A_355, %dma_start3A_356] : memref<3360x1x96xi32, #tpu.memory_space<hbm>> -> memref<1x1x96xi32, #tpu.memory_space<hbm>>
        tpu.enqueue_dma source(%dma_start3A_357 : memref<1x1x96xi32, #tpu.memory_space<hbm>>) target(%arg13 : memref<1x1x96xi32, #tpu.memory_space<vmem>>) target_semaphore(%arg29 : memref<!tpu.dma_semaphore, #tpu.memory_space<semaphore_mem>>)
        %dma_wait3A_358 = arith.constant 0 : i32
        %dma_wait3A_359 = arith.constant 0 : i32
        %dma_wait3A_360 = tpu.memref_slice %arg4[%mul3A_21, %dma_wait3A_358, %dma_wait3A_359] : memref<3360x1x96xi32, #tpu.memory_space<hbm>> -> memref<1x1x96xi32, #tpu.memory_space<hbm>>
        %dma_wait3A_361 = arith.constant 0 : i32
        %dma_wait3A_362 = arith.constant 0 : i32
        %dma_wait3A_363 = tpu.memref_slice %arg4[%mul3A_21, %dma_wait3A_361, %dma_wait3A_362] : memref<3360x1x96xi32, #tpu.memory_space<hbm>> -> memref<1x1x96xi32, #tpu.memory_space<hbm>>
        tpu.wait_dma2 semaphore(%arg26 : memref<!tpu.dma_semaphore, #tpu.memory_space<semaphore_mem>>) src(%dma_wait3A_363 : memref<1x1x96xi32, #tpu.memory_space<hbm>>) dst(%arg10 : memref<1x1x96xi32, #tpu.memory_space<vmem>>)
        %dma_start3A_364 = arith.constant 0 : i32
        %dma_start3A_365 = arith.constant 0 : i32
        %dma_start3A_366 = arith.constant 0 : i32
        %dma_start3A_367 = tpu.memref_slice %arg10[%dma_start3A_364, %dma_start3A_365, %dma_start3A_366] : memref<1x1x96xi32, #tpu.memory_space<vmem>> -> memref<1x1x96xi32, #tpu.memory_space<vmem>>
        %dma_start3A_368 = tpu.memref_squeeze %dma_start3A_367 : memref<1x1x96xi32, #tpu.memory_space<vmem>> -> memref<96xi32, #tpu.memory_space<vmem>>
        %dma_start3A_369 = arith.constant 0 : i32
        %dma_start3A_370 = arith.constant 0 : i32
        %dma_start3A_371 = tpu.memref_slice %arg2[%dma_start3A_369, %dma_start3A_370] : memref<10240x128xf32, #tpu.memory_space<hbm>> -> memref<10240x128xf32, #tpu.memory_space<hbm>>
        tpu.enqueue_indirect_dma source(%dma_start3A_371 : memref<10240x128xf32, #tpu.memory_space<hbm>>) target(%arg16 : memref<96x128xf32, #tpu.memory_space<vmem>>) offsets(%dma_start3A_368 : memref<96xi32, #tpu.memory_space<vmem>>) semaphore(%arg20 : memref<!tpu.dma_semaphore, #tpu.memory_space<semaphore_mem>>)
        %add3A_372 = arith.constant 2 : i32
        %add3A_373 = arith.addi %add3A_241, %add3A_372 : i32
        %dma_wait3A_374 = arith.constant 0 : i32
        %dma_wait3A_375 = arith.constant 0 : i32
        %dma_wait3A_376 = arith.constant 0 : i32
        %dma_wait3A_377 = tpu.memref_slice %arg9[%dma_wait3A_374, %dma_wait3A_375, %dma_wait3A_376] : memref<1x1x96xi32, #tpu.memory_space<vmem>> -> memref<1x1x96xi32, #tpu.memory_space<vmem>>
        %dma_wait3A_378 = tpu.memref_squeeze %dma_wait3A_377 : memref<1x1x96xi32, #tpu.memory_space<vmem>> -> memref<96xi32, #tpu.memory_space<vmem>>
        %dma_wait3A_379 = arith.constant 0 : i32
        %dma_wait3A_380 = arith.constant 0 : i32
        %dma_wait3A_381 = tpu.memref_slice %arg2[%dma_wait3A_379, %dma_wait3A_380] : memref<10240x128xf32, #tpu.memory_space<hbm>> -> memref<10240x128xf32, #tpu.memory_space<hbm>>
        tpu.wait_indirect_dma semaphore(%arg20 : memref<!tpu.dma_semaphore, #tpu.memory_space<semaphore_mem>>) src(%dma_wait3A_381 : memref<10240x128xf32, #tpu.memory_space<hbm>>) dst(%arg16 : memref<96x128xf32, #tpu.memory_space<vmem>>)
        %dma_wait3A_382 = arith.constant 0 : i32
        %dma_wait3A_383 = arith.constant 0 : i32
        %dma_wait3A_384 = tpu.memref_slice %arg5[%mul3A_21, %dma_wait3A_382, %dma_wait3A_383] : memref<3360x1x96xi32, #tpu.memory_space<hbm>> -> memref<1x1x96xi32, #tpu.memory_space<hbm>>
        %dma_wait3A_385 = arith.constant 0 : i32
        %dma_wait3A_386 = arith.constant 0 : i32
        %dma_wait3A_387 = tpu.memref_slice %arg5[%mul3A_21, %dma_wait3A_385, %dma_wait3A_386] : memref<3360x1x96xi32, #tpu.memory_space<hbm>> -> memref<1x1x96xi32, #tpu.memory_space<hbm>>
        tpu.wait_dma2 semaphore(%arg29 : memref<!tpu.dma_semaphore, #tpu.memory_space<semaphore_mem>>) src(%dma_wait3A_387 : memref<1x1x96xi32, #tpu.memory_space<hbm>>) dst(%arg13 : memref<1x1x96xi32, #tpu.memory_space<vmem>>)
        %dma_start3A_388 = arith.constant 0 : i32
        %dma_start3A_389 = arith.constant 0 : i32
        %dma_start3A_390 = arith.constant 0 : i32
        %dma_start3A_391 = tpu.memref_slice %arg13[%dma_start3A_388, %dma_start3A_389, %dma_start3A_390] : memref<1x1x96xi32, #tpu.memory_space<vmem>> -> memref<1x1x96xi32, #tpu.memory_space<vmem>>
        %dma_start3A_392 = tpu.memref_squeeze %dma_start3A_391 : memref<1x1x96xi32, #tpu.memory_space<vmem>> -> memref<96xi32, #tpu.memory_space<vmem>>
        %dma_start3A_393 = arith.constant 0 : i32
        %dma_start3A_394 = arith.constant 0 : i32
        %dma_start3A_395 = tpu.memref_slice %arg8[%dma_start3A_393, %dma_start3A_394] : memref<10240x128xf32, #tpu.memory_space<vmem_shared>> -> memref<10240x128xf32, #tpu.memory_space<vmem_shared>>
        tpu.enqueue_indirect_dma source(%arg16 : memref<96x128xf32, #tpu.memory_space<vmem>>) target(%dma_start3A_395 : memref<10240x128xf32, #tpu.memory_space<vmem_shared>>) offsets(%dma_start3A_392 : memref<96xi32, #tpu.memory_space<vmem>>) semaphore(%arg23 : memref<!tpu.dma_semaphore, #tpu.memory_space<semaphore_mem>>) {add = true}
        %add3A_396 = arith.constant 3 : i32
        %add3A_397 = arith.addi %add3A_373, %add3A_396 : i32
        %min3A_398 = arith.constant 209 : i32
        %min3A_399 = arith.minsi %add3A_397, %min3A_398 : i32
        %add3A_400 = arith.addi %mul3A_21, %min3A_399 : i32
        %dma_start3A_401 = arith.constant 0 : i32
        %dma_start3A_402 = arith.constant 0 : i32
        %dma_start3A_403 = tpu.memref_slice %arg4[%add3A_400, %dma_start3A_401, %dma_start3A_402] : memref<3360x1x96xi32, #tpu.memory_space<hbm>> -> memref<1x1x96xi32, #tpu.memory_space<hbm>>
        %dma_start3A_404 = arith.constant 0 : i32
        %dma_start3A_405 = arith.constant 0 : i32
        %dma_start3A_406 = tpu.memref_slice %arg4[%add3A_400, %dma_start3A_404, %dma_start3A_405] : memref<3360x1x96xi32, #tpu.memory_space<hbm>> -> memref<1x1x96xi32, #tpu.memory_space<hbm>>
        tpu.enqueue_dma source(%dma_start3A_406 : memref<1x1x96xi32, #tpu.memory_space<hbm>>) target(%arg10 : memref<1x1x96xi32, #tpu.memory_space<vmem>>) target_semaphore(%arg26 : memref<!tpu.dma_semaphore, #tpu.memory_space<semaphore_mem>>)
        %dma_wait3A_407 = arith.constant 0 : i32
        %dma_wait3A_408 = arith.constant 0 : i32
        %dma_wait3A_409 = arith.constant 0 : i32
        %dma_wait3A_410 = tpu.memref_slice %arg12[%dma_wait3A_407, %dma_wait3A_408, %dma_wait3A_409] : memref<1x1x96xi32, #tpu.memory_space<vmem>> -> memref<1x1x96xi32, #tpu.memory_space<vmem>>
        %dma_wait3A_411 = tpu.memref_squeeze %dma_wait3A_410 : memref<1x1x96xi32, #tpu.memory_space<vmem>> -> memref<96xi32, #tpu.memory_space<vmem>>
        %dma_wait3A_412 = arith.constant 0 : i32
        %dma_wait3A_413 = arith.constant 0 : i32
        %dma_wait3A_414 = tpu.memref_slice %arg8[%dma_wait3A_412, %dma_wait3A_413] : memref<10240x128xf32, #tpu.memory_space<vmem_shared>> -> memref<10240x128xf32, #tpu.memory_space<vmem_shared>>
        tpu.wait_indirect_dma semaphore(%arg24 : memref<!tpu.dma_semaphore, #tpu.memory_space<semaphore_mem>>) src(%arg17 : memref<96x128xf32, #tpu.memory_space<vmem>>) dst(%dma_wait3A_414 : memref<10240x128xf32, #tpu.memory_space<vmem_shared>>)
        %add3A_415 = arith.constant 1 : i32
        %add3A_416 = arith.addi %add3A_373, %add3A_415 : i32
        %add3A_417 = arith.addi %mul3A_21, %add3A_416 : i32
        %dma_start3A_418 = arith.constant 0 : i32
        %dma_start3A_419 = arith.constant 0 : i32
        %dma_start3A_420 = tpu.memref_slice %arg5[%add3A_417, %dma_start3A_418, %dma_start3A_419] : memref<3360x1x96xi32, #tpu.memory_space<hbm>> -> memref<1x1x96xi32, #tpu.memory_space<hbm>>
        %dma_start3A_421 = arith.constant 0 : i32
        %dma_start3A_422 = arith.constant 0 : i32
        %dma_start3A_423 = tpu.memref_slice %arg5[%add3A_417, %dma_start3A_421, %dma_start3A_422] : memref<3360x1x96xi32, #tpu.memory_space<hbm>> -> memref<1x1x96xi32, #tpu.memory_space<hbm>>
        tpu.enqueue_dma source(%dma_start3A_423 : memref<1x1x96xi32, #tpu.memory_space<hbm>>) target(%arg14 : memref<1x1x96xi32, #tpu.memory_space<vmem>>) target_semaphore(%arg30 : memref<!tpu.dma_semaphore, #tpu.memory_space<semaphore_mem>>)
        %dma_wait3A_424 = arith.constant 0 : i32
        %dma_wait3A_425 = arith.constant 0 : i32
        %dma_wait3A_426 = tpu.memref_slice %arg4[%mul3A_21, %dma_wait3A_424, %dma_wait3A_425] : memref<3360x1x96xi32, #tpu.memory_space<hbm>> -> memref<1x1x96xi32, #tpu.memory_space<hbm>>
        %dma_wait3A_427 = arith.constant 0 : i32
        %dma_wait3A_428 = arith.constant 0 : i32
        %dma_wait3A_429 = tpu.memref_slice %arg4[%mul3A_21, %dma_wait3A_427, %dma_wait3A_428] : memref<3360x1x96xi32, #tpu.memory_space<hbm>> -> memref<1x1x96xi32, #tpu.memory_space<hbm>>
        tpu.wait_dma2 semaphore(%arg27 : memref<!tpu.dma_semaphore, #tpu.memory_space<semaphore_mem>>) src(%dma_wait3A_429 : memref<1x1x96xi32, #tpu.memory_space<hbm>>) dst(%arg11 : memref<1x1x96xi32, #tpu.memory_space<vmem>>)
        %dma_start3A_430 = arith.constant 0 : i32
        %dma_start3A_431 = arith.constant 0 : i32
        %dma_start3A_432 = arith.constant 0 : i32
        %dma_start3A_433 = tpu.memref_slice %arg11[%dma_start3A_430, %dma_start3A_431, %dma_start3A_432] : memref<1x1x96xi32, #tpu.memory_space<vmem>> -> memref<1x1x96xi32, #tpu.memory_space<vmem>>
        %dma_start3A_434 = tpu.memref_squeeze %dma_start3A_433 : memref<1x1x96xi32, #tpu.memory_space<vmem>> -> memref<96xi32, #tpu.memory_space<vmem>>
        %dma_start3A_435 = arith.constant 0 : i32
        %dma_start3A_436 = arith.constant 0 : i32
        %dma_start3A_437 = tpu.memref_slice %arg2[%dma_start3A_435, %dma_start3A_436] : memref<10240x128xf32, #tpu.memory_space<hbm>> -> memref<10240x128xf32, #tpu.memory_space<hbm>>
        tpu.enqueue_indirect_dma source(%dma_start3A_437 : memref<10240x128xf32, #tpu.memory_space<hbm>>) target(%arg17 : memref<96x128xf32, #tpu.memory_space<vmem>>) offsets(%dma_start3A_434 : memref<96xi32, #tpu.memory_space<vmem>>) semaphore(%arg21 : memref<!tpu.dma_semaphore, #tpu.memory_space<semaphore_mem>>)
      }
      %scan3A_177 = arith.constant 69 : i32
      %dma_wait3A_178 = arith.constant 0 : i32
      %dma_wait3A_179 = arith.constant 0 : i32
      %dma_wait3A_180 = arith.constant 0 : i32
      %dma_wait3A_181 = tpu.memref_slice %arg9[%dma_wait3A_178, %dma_wait3A_179, %dma_wait3A_180] : memref<1x1x96xi32, #tpu.memory_space<vmem>> -> memref<1x1x96xi32, #tpu.memory_space<vmem>>
      %dma_wait3A_182 = tpu.memref_squeeze %dma_wait3A_181 : memref<1x1x96xi32, #tpu.memory_space<vmem>> -> memref<96xi32, #tpu.memory_space<vmem>>
      %dma_wait3A_183 = arith.constant 0 : i32
      %dma_wait3A_184 = arith.constant 0 : i32
      %dma_wait3A_185 = tpu.memref_slice %arg2[%dma_wait3A_183, %dma_wait3A_184] : memref<10240x128xf32, #tpu.memory_space<hbm>> -> memref<10240x128xf32, #tpu.memory_space<hbm>>
      tpu.wait_indirect_dma semaphore(%arg21 : memref<!tpu.dma_semaphore, #tpu.memory_space<semaphore_mem>>) src(%dma_wait3A_185 : memref<10240x128xf32, #tpu.memory_space<hbm>>) dst(%arg17 : memref<96x128xf32, #tpu.memory_space<vmem>>)
      %dma_wait3A_186 = arith.constant 0 : i32
      %dma_wait3A_187 = arith.constant 0 : i32
      %dma_wait3A_188 = tpu.memref_slice %arg5[%mul3A_21, %dma_wait3A_186, %dma_wait3A_187] : memref<3360x1x96xi32, #tpu.memory_space<hbm>> -> memref<1x1x96xi32, #tpu.memory_space<hbm>>
      %dma_wait3A_189 = arith.constant 0 : i32
      %dma_wait3A_190 = arith.constant 0 : i32
      %dma_wait3A_191 = tpu.memref_slice %arg5[%mul3A_21, %dma_wait3A_189, %dma_wait3A_190] : memref<3360x1x96xi32, #tpu.memory_space<hbm>> -> memref<1x1x96xi32, #tpu.memory_space<hbm>>
      tpu.wait_dma2 semaphore(%arg30 : memref<!tpu.dma_semaphore, #tpu.memory_space<semaphore_mem>>) src(%dma_wait3A_191 : memref<1x1x96xi32, #tpu.memory_space<hbm>>) dst(%arg14 : memref<1x1x96xi32, #tpu.memory_space<vmem>>)
      %dma_start3A_192 = arith.constant 0 : i32
      %dma_start3A_193 = arith.constant 0 : i32
      %dma_start3A_194 = arith.constant 0 : i32
      %dma_start3A_195 = tpu.memref_slice %arg14[%dma_start3A_192, %dma_start3A_193, %dma_start3A_194] : memref<1x1x96xi32, #tpu.memory_space<vmem>> -> memref<1x1x96xi32, #tpu.memory_space<vmem>>
      %dma_start3A_196 = tpu.memref_squeeze %dma_start3A_195 : memref<1x1x96xi32, #tpu.memory_space<vmem>> -> memref<96xi32, #tpu.memory_space<vmem>>
      %dma_start3A_197 = arith.constant 0 : i32
      %dma_start3A_198 = arith.constant 0 : i32
      %dma_start3A_199 = tpu.memref_slice %arg8[%dma_start3A_197, %dma_start3A_198] : memref<10240x128xf32, #tpu.memory_space<vmem_shared>> -> memref<10240x128xf32, #tpu.memory_space<vmem_shared>>
      tpu.enqueue_indirect_dma source(%arg17 : memref<96x128xf32, #tpu.memory_space<vmem>>) target(%dma_start3A_199 : memref<10240x128xf32, #tpu.memory_space<vmem_shared>>) offsets(%dma_start3A_196 : memref<96xi32, #tpu.memory_space<vmem>>) semaphore(%arg24 : memref<!tpu.dma_semaphore, #tpu.memory_space<semaphore_mem>>) {add = true}
      %dma_wait3A_200 = arith.constant 0 : i32
      %dma_wait3A_201 = arith.constant 0 : i32
      %dma_wait3A_202 = arith.constant 0 : i32
      %dma_wait3A_203 = tpu.memref_slice %arg12[%dma_wait3A_200, %dma_wait3A_201, %dma_wait3A_202] : memref<1x1x96xi32, #tpu.memory_space<vmem>> -> memref<1x1x96xi32, #tpu.memory_space<vmem>>
      %dma_wait3A_204 = tpu.memref_squeeze %dma_wait3A_203 : memref<1x1x96xi32, #tpu.memory_space<vmem>> -> memref<96xi32, #tpu.memory_space<vmem>>
      %dma_wait3A_205 = arith.constant 0 : i32
      %dma_wait3A_206 = arith.constant 0 : i32
      %dma_wait3A_207 = tpu.memref_slice %arg8[%dma_wait3A_205, %dma_wait3A_206] : memref<10240x128xf32, #tpu.memory_space<vmem_shared>> -> memref<10240x128xf32, #tpu.memory_space<vmem_shared>>
      tpu.wait_indirect_dma semaphore(%arg22 : memref<!tpu.dma_semaphore, #tpu.memory_space<semaphore_mem>>) src(%arg15 : memref<96x128xf32, #tpu.memory_space<vmem>>) dst(%dma_wait3A_207 : memref<10240x128xf32, #tpu.memory_space<vmem_shared>>)
      %dma_wait3A_208 = arith.constant 0 : i32
      %dma_wait3A_209 = arith.constant 0 : i32
      %dma_wait3A_210 = arith.constant 0 : i32
      %dma_wait3A_211 = tpu.memref_slice %arg12[%dma_wait3A_208, %dma_wait3A_209, %dma_wait3A_210] : memref<1x1x96xi32, #tpu.memory_space<vmem>> -> memref<1x1x96xi32, #tpu.memory_space<vmem>>
      %dma_wait3A_212 = tpu.memref_squeeze %dma_wait3A_211 : memref<1x1x96xi32, #tpu.memory_space<vmem>> -> memref<96xi32, #tpu.memory_space<vmem>>
      %dma_wait3A_213 = arith.constant 0 : i32
      %dma_wait3A_214 = arith.constant 0 : i32
      %dma_wait3A_215 = tpu.memref_slice %arg8[%dma_wait3A_213, %dma_wait3A_214] : memref<10240x128xf32, #tpu.memory_space<vmem_shared>> -> memref<10240x128xf32, #tpu.memory_space<vmem_shared>>
      tpu.wait_indirect_dma semaphore(%arg23 : memref<!tpu.dma_semaphore, #tpu.memory_space<semaphore_mem>>) src(%arg16 : memref<96x128xf32, #tpu.memory_space<vmem>>) dst(%dma_wait3A_215 : memref<10240x128xf32, #tpu.memory_space<vmem_shared>>)
      %dma_wait3A_216 = arith.constant 0 : i32
      %dma_wait3A_217 = arith.constant 0 : i32
      %dma_wait3A_218 = arith.constant 0 : i32
      %dma_wait3A_219 = tpu.memref_slice %arg12[%dma_wait3A_216, %dma_wait3A_217, %dma_wait3A_218] : memref<1x1x96xi32, #tpu.memory_space<vmem>> -> memref<1x1x96xi32, #tpu.memory_space<vmem>>
      %dma_wait3A_220 = tpu.memref_squeeze %dma_wait3A_219 : memref<1x1x96xi32, #tpu.memory_space<vmem>> -> memref<96xi32, #tpu.memory_space<vmem>>
      %dma_wait3A_221 = arith.constant 0 : i32
      %dma_wait3A_222 = arith.constant 0 : i32
      %dma_wait3A_223 = tpu.memref_slice %arg8[%dma_wait3A_221, %dma_wait3A_222] : memref<10240x128xf32, #tpu.memory_space<vmem_shared>> -> memref<10240x128xf32, #tpu.memory_space<vmem_shared>>
      tpu.wait_indirect_dma semaphore(%arg24 : memref<!tpu.dma_semaphore, #tpu.memory_space<semaphore_mem>>) src(%arg17 : memref<96x128xf32, #tpu.memory_space<vmem>>) dst(%dma_wait3A_223 : memref<10240x128xf32, #tpu.memory_space<vmem_shared>>)
      %dma_wait3A_224 = arith.constant 0 : i32
      %dma_wait3A_225 = arith.constant 0 : i32
      %dma_wait3A_226 = tpu.memref_slice %arg4[%mul3A_21, %dma_wait3A_224, %dma_wait3A_225] : memref<3360x1x96xi32, #tpu.memory_space<hbm>> -> memref<1x1x96xi32, #tpu.memory_space<hbm>>
      %dma_wait3A_227 = arith.constant 0 : i32
      %dma_wait3A_228 = arith.constant 0 : i32
      %dma_wait3A_229 = tpu.memref_slice %arg4[%mul3A_21, %dma_wait3A_227, %dma_wait3A_228] : memref<3360x1x96xi32, #tpu.memory_space<hbm>> -> memref<1x1x96xi32, #tpu.memory_space<hbm>>
      tpu.wait_dma2 semaphore(%arg25 : memref<!tpu.dma_semaphore, #tpu.memory_space<semaphore_mem>>) src(%dma_wait3A_229 : memref<1x1x96xi32, #tpu.memory_space<hbm>>) dst(%arg9 : memref<1x1x96xi32, #tpu.memory_space<vmem>>)
      %dma_wait3A_230 = arith.constant 0 : i32
      %dma_wait3A_231 = arith.constant 0 : i32
      %dma_wait3A_232 = tpu.memref_slice %arg4[%mul3A_21, %dma_wait3A_230, %dma_wait3A_231] : memref<3360x1x96xi32, #tpu.memory_space<hbm>> -> memref<1x1x96xi32, #tpu.memory_space<hbm>>
      %dma_wait3A_233 = arith.constant 0 : i32
      %dma_wait3A_234 = arith.constant 0 : i32
      %dma_wait3A_235 = tpu.memref_slice %arg4[%mul3A_21, %dma_wait3A_233, %dma_wait3A_234] : memref<3360x1x96xi32, #tpu.memory_space<hbm>> -> memref<1x1x96xi32, #tpu.memory_space<hbm>>
      tpu.wait_dma2 semaphore(%arg26 : memref<!tpu.dma_semaphore, #tpu.memory_space<semaphore_mem>>) src(%dma_wait3A_235 : memref<1x1x96xi32, #tpu.memory_space<hbm>>) dst(%arg10 : memref<1x1x96xi32, #tpu.memory_space<vmem>>)
      %barrier3A_236 = arith.constant 0 : index
      tpu.barrier barrier_id(%barrier3A_236)
      "tpu.region"() ({
        %run_scoped3A = tpu.sem_alloc : memref<!tpu.dma_semaphore, #tpu.memory_space<semaphore_mem>>
        %dma_start3A_237 = arith.constant 0 : i32
        %dma_start3A_238 = tpu.memref_slice %arg6[%mul3A_0, %dma_start3A_237] : memref<10240x128xf32, #tpu.memory_space<hbm>> -> memref<640x128xf32, #tpu.memory_space<hbm>>
        %dma_start3A_239 = arith.constant 0 : i32
        %dma_start3A_240 = tpu.memref_slice %arg8[%mul3A_0, %dma_start3A_239] : memref<10240x128xf32, #tpu.memory_space<vmem_shared>> -> memref<640x128xf32, #tpu.memory_space<vmem_shared>>
        tpu.enqueue_dma source(%dma_start3A_240 : memref<640x128xf32, #tpu.memory_space<vmem_shared>>) target(%dma_start3A_238 : memref<640x128xf32, #tpu.memory_space<hbm>>) target_semaphore(%run_scoped3A : memref<!tpu.dma_semaphore, #tpu.memory_space<semaphore_mem>>)
        %dma_wait3A_241 = arith.constant 0 : i32
        %dma_wait3A_242 = tpu.memref_slice %arg6[%mul3A_0, %dma_wait3A_241] : memref<10240x128xf32, #tpu.memory_space<hbm>> -> memref<640x128xf32, #tpu.memory_space<hbm>>
        %dma_wait3A_243 = arith.constant 0 : i32
        %dma_wait3A_244 = tpu.memref_slice %arg8[%mul3A_0, %dma_wait3A_243] : memref<10240x128xf32, #tpu.memory_space<vmem_shared>> -> memref<640x128xf32, #tpu.memory_space<vmem_shared>>
        tpu.wait_dma2 semaphore(%run_scoped3A : memref<!tpu.dma_semaphore, #tpu.memory_space<semaphore_mem>>) src(%dma_wait3A_244 : memref<640x128xf32, #tpu.memory_space<vmem_shared>>) dst(%dma_wait3A_242 : memref<640x128xf32, #tpu.memory_space<hbm>>)
        tpu.yield
      }) : () -> ()
    } else {
    }
    %eq3A_15 = arith.constant 1 : i32
    %eq3A_16 = arith.cmpi eq, %arg0, %eq3A_15 : i32
    %convert_element_type3A_17 = arith.extui %eq3A_16 : i1 to i32
    %cond3A_18 = arith.constant 0 : i32
    %cond3A_19 = arith.cmpi ne, %convert_element_type3A_17, %cond3A_18 : i32
    scf.if %cond3A_19 {
      %mul3A_20 = arith.constant 210 : i32
      %mul3A_21 = arith.muli %arg1, %mul3A_20 : i32
      %add3A = arith.constant 0 : i32
      %add3A_22 = arith.addi %mul3A_21, %add3A : i32
      %dma_start3A = arith.constant 0 : i32
      %dma_start3A_23 = arith.constant 0 : i32
      %dma_start3A_24 = tpu.memref_slice %arg4[%add3A_22, %dma_start3A, %dma_start3A_23] : memref<3360x1x96xi32, #tpu.memory_space<hbm>> -> memref<1x1x96xi32, #tpu.memory_space<hbm>>
      %dma_start3A_25 = arith.constant 0 : i32
      %dma_start3A_26 = arith.constant 0 : i32
      %dma_start3A_27 = tpu.memref_slice %arg4[%add3A_22, %dma_start3A_25, %dma_start3A_26] : memref<3360x1x96xi32, #tpu.memory_space<hbm>> -> memref<1x1x96xi32, #tpu.memory_space<hbm>>
      tpu.enqueue_dma source(%dma_start3A_27 : memref<1x1x96xi32, #tpu.memory_space<hbm>>) target(%arg9 : memref<1x1x96xi32, #tpu.memory_space<vmem>>) target_semaphore(%arg25 : memref<!tpu.dma_semaphore, #tpu.memory_space<semaphore_mem>>)
      %add3A_28 = arith.constant 0 : i32
      %add3A_29 = arith.addi %mul3A_21, %add3A_28 : i32
      %dma_start3A_30 = arith.constant 0 : i32
      %dma_start3A_31 = arith.constant 0 : i32
      %dma_start3A_32 = tpu.memref_slice %arg5[%add3A_29, %dma_start3A_30, %dma_start3A_31] : memref<3360x1x96xi32, #tpu.memory_space<hbm>> -> memref<1x1x96xi32, #tpu.memory_space<hbm>>
      %dma_start3A_33 = arith.constant 0 : i32
      %dma_start3A_34 = arith.constant 0 : i32
      %dma_start3A_35 = tpu.memref_slice %arg5[%add3A_29, %dma_start3A_33, %dma_start3A_34] : memref<3360x1x96xi32, #tpu.memory_space<hbm>> -> memref<1x1x96xi32, #tpu.memory_space<hbm>>
      tpu.enqueue_dma source(%dma_start3A_35 : memref<1x1x96xi32, #tpu.memory_space<hbm>>) target(%arg12 : memref<1x1x96xi32, #tpu.memory_space<vmem>>) target_semaphore(%arg28 : memref<!tpu.dma_semaphore, #tpu.memory_space<semaphore_mem>>)
      %add3A_36 = arith.constant 1 : i32
      %add3A_37 = arith.addi %mul3A_21, %add3A_36 : i32
      %dma_start3A_38 = arith.constant 0 : i32
      %dma_start3A_39 = arith.constant 0 : i32
      %dma_start3A_40 = tpu.memref_slice %arg4[%add3A_37, %dma_start3A_38, %dma_start3A_39] : memref<3360x1x96xi32, #tpu.memory_space<hbm>> -> memref<1x1x96xi32, #tpu.memory_space<hbm>>
      %dma_start3A_41 = arith.constant 0 : i32
      %dma_start3A_42 = arith.constant 0 : i32
      %dma_start3A_43 = tpu.memref_slice %arg4[%add3A_37, %dma_start3A_41, %dma_start3A_42] : memref<3360x1x96xi32, #tpu.memory_space<hbm>> -> memref<1x1x96xi32, #tpu.memory_space<hbm>>
      tpu.enqueue_dma source(%dma_start3A_43 : memref<1x1x96xi32, #tpu.memory_space<hbm>>) target(%arg10 : memref<1x1x96xi32, #tpu.memory_space<vmem>>) target_semaphore(%arg26 : memref<!tpu.dma_semaphore, #tpu.memory_space<semaphore_mem>>)
      %add3A_44 = arith.constant 2 : i32
      %add3A_45 = arith.addi %mul3A_21, %add3A_44 : i32
      %dma_start3A_46 = arith.constant 0 : i32
      %dma_start3A_47 = arith.constant 0 : i32
      %dma_start3A_48 = tpu.memref_slice %arg4[%add3A_45, %dma_start3A_46, %dma_start3A_47] : memref<3360x1x96xi32, #tpu.memory_space<hbm>> -> memref<1x1x96xi32, #tpu.memory_space<hbm>>
      %dma_start3A_49 = arith.constant 0 : i32
      %dma_start3A_50 = arith.constant 0 : i32
      %dma_start3A_51 = tpu.memref_slice %arg4[%add3A_45, %dma_start3A_49, %dma_start3A_50] : memref<3360x1x96xi32, #tpu.memory_space<hbm>> -> memref<1x1x96xi32, #tpu.memory_space<hbm>>
      tpu.enqueue_dma source(%dma_start3A_51 : memref<1x1x96xi32, #tpu.memory_space<hbm>>) target(%arg11 : memref<1x1x96xi32, #tpu.memory_space<vmem>>) target_semaphore(%arg27 : memref<!tpu.dma_semaphore, #tpu.memory_space<semaphore_mem>>)
      %dma_wait3A = arith.constant 0 : i32
      %dma_wait3A_52 = arith.constant 0 : i32
      %dma_wait3A_53 = tpu.memref_slice %arg4[%mul3A_21, %dma_wait3A, %dma_wait3A_52] : memref<3360x1x96xi32, #tpu.memory_space<hbm>> -> memref<1x1x96xi32, #tpu.memory_space<hbm>>
      %dma_wait3A_54 = arith.constant 0 : i32
      %dma_wait3A_55 = arith.constant 0 : i32
      %dma_wait3A_56 = tpu.memref_slice %arg4[%mul3A_21, %dma_wait3A_54, %dma_wait3A_55] : memref<3360x1x96xi32, #tpu.memory_space<hbm>> -> memref<1x1x96xi32, #tpu.memory_space<hbm>>
      tpu.wait_dma2 semaphore(%arg25 : memref<!tpu.dma_semaphore, #tpu.memory_space<semaphore_mem>>) src(%dma_wait3A_56 : memref<1x1x96xi32, #tpu.memory_space<hbm>>) dst(%arg9 : memref<1x1x96xi32, #tpu.memory_space<vmem>>)
      %dma_start3A_57 = arith.constant 0 : i32
      %dma_start3A_58 = arith.constant 0 : i32
      %dma_start3A_59 = arith.constant 0 : i32
      %dma_start3A_60 = tpu.memref_slice %arg9[%dma_start3A_57, %dma_start3A_58, %dma_start3A_59] : memref<1x1x96xi32, #tpu.memory_space<vmem>> -> memref<1x1x96xi32, #tpu.memory_space<vmem>>
      %dma_start3A_61 = tpu.memref_squeeze %dma_start3A_60 : memref<1x1x96xi32, #tpu.memory_space<vmem>> -> memref<96xi32, #tpu.memory_space<vmem>>
      %dma_start3A_62 = arith.constant 0 : i32
      %dma_start3A_63 = arith.constant 0 : i32
      %dma_start3A_64 = tpu.memref_slice %arg3[%dma_start3A_62, %dma_start3A_63] : memref<10240x128xf32, #tpu.memory_space<hbm>> -> memref<10240x128xf32, #tpu.memory_space<hbm>>
      tpu.enqueue_indirect_dma source(%dma_start3A_64 : memref<10240x128xf32, #tpu.memory_space<hbm>>) target(%arg15 : memref<96x128xf32, #tpu.memory_space<vmem>>) offsets(%dma_start3A_61 : memref<96xi32, #tpu.memory_space<vmem>>) semaphore(%arg19 : memref<!tpu.dma_semaphore, #tpu.memory_space<semaphore_mem>>)
      %dma_wait3A_65 = arith.constant 0 : i32
      %dma_wait3A_66 = arith.constant 0 : i32
      %dma_wait3A_67 = arith.constant 0 : i32
      %dma_wait3A_68 = tpu.memref_slice %arg9[%dma_wait3A_65, %dma_wait3A_66, %dma_wait3A_67] : memref<1x1x96xi32, #tpu.memory_space<vmem>> -> memref<1x1x96xi32, #tpu.memory_space<vmem>>
      %dma_wait3A_69 = tpu.memref_squeeze %dma_wait3A_68 : memref<1x1x96xi32, #tpu.memory_space<vmem>> -> memref<96xi32, #tpu.memory_space<vmem>>
      %dma_wait3A_70 = arith.constant 0 : i32
      %dma_wait3A_71 = arith.constant 0 : i32
      %dma_wait3A_72 = tpu.memref_slice %arg3[%dma_wait3A_70, %dma_wait3A_71] : memref<10240x128xf32, #tpu.memory_space<hbm>> -> memref<10240x128xf32, #tpu.memory_space<hbm>>
      tpu.wait_indirect_dma semaphore(%arg19 : memref<!tpu.dma_semaphore, #tpu.memory_space<semaphore_mem>>) src(%dma_wait3A_72 : memref<10240x128xf32, #tpu.memory_space<hbm>>) dst(%arg15 : memref<96x128xf32, #tpu.memory_space<vmem>>)
      %dma_wait3A_73 = arith.constant 0 : i32
      %dma_wait3A_74 = arith.constant 0 : i32
      %dma_wait3A_75 = tpu.memref_slice %arg5[%mul3A_21, %dma_wait3A_73, %dma_wait3A_74] : memref<3360x1x96xi32, #tpu.memory_space<hbm>> -> memref<1x1x96xi32, #tpu.memory_space<hbm>>
      %dma_wait3A_76 = arith.constant 0 : i32
      %dma_wait3A_77 = arith.constant 0 : i32
      %dma_wait3A_78 = tpu.memref_slice %arg5[%mul3A_21, %dma_wait3A_76, %dma_wait3A_77] : memref<3360x1x96xi32, #tpu.memory_space<hbm>> -> memref<1x1x96xi32, #tpu.memory_space<hbm>>
      tpu.wait_dma2 semaphore(%arg28 : memref<!tpu.dma_semaphore, #tpu.memory_space<semaphore_mem>>) src(%dma_wait3A_78 : memref<1x1x96xi32, #tpu.memory_space<hbm>>) dst(%arg12 : memref<1x1x96xi32, #tpu.memory_space<vmem>>)
      %dma_start3A_79 = arith.constant 0 : i32
      %dma_start3A_80 = arith.constant 0 : i32
      %dma_start3A_81 = arith.constant 0 : i32
      %dma_start3A_82 = tpu.memref_slice %arg12[%dma_start3A_79, %dma_start3A_80, %dma_start3A_81] : memref<1x1x96xi32, #tpu.memory_space<vmem>> -> memref<1x1x96xi32, #tpu.memory_space<vmem>>
      %dma_start3A_83 = tpu.memref_squeeze %dma_start3A_82 : memref<1x1x96xi32, #tpu.memory_space<vmem>> -> memref<96xi32, #tpu.memory_space<vmem>>
      %dma_start3A_84 = arith.constant 0 : i32
      %dma_start3A_85 = arith.constant 0 : i32
      %dma_start3A_86 = tpu.memref_slice %arg8[%dma_start3A_84, %dma_start3A_85] : memref<10240x128xf32, #tpu.memory_space<vmem_shared>> -> memref<10240x128xf32, #tpu.memory_space<vmem_shared>>
      tpu.enqueue_indirect_dma source(%arg15 : memref<96x128xf32, #tpu.memory_space<vmem>>) target(%dma_start3A_86 : memref<10240x128xf32, #tpu.memory_space<vmem_shared>>) offsets(%dma_start3A_83 : memref<96xi32, #tpu.memory_space<vmem>>) semaphore(%arg22 : memref<!tpu.dma_semaphore, #tpu.memory_space<semaphore_mem>>) {add = true}
      %min3A = arith.constant 3 : i32
      %min3A_87 = arith.constant 209 : i32
      %min3A_88 = arith.minsi %min3A, %min3A_87 : i32
      %add3A_89 = arith.addi %mul3A_21, %min3A_88 : i32
      %dma_start3A_90 = arith.constant 0 : i32
      %dma_start3A_91 = arith.constant 0 : i32
      %dma_start3A_92 = tpu.memref_slice %arg4[%add3A_89, %dma_start3A_90, %dma_start3A_91] : memref<3360x1x96xi32, #tpu.memory_space<hbm>> -> memref<1x1x96xi32, #tpu.memory_space<hbm>>
      %dma_start3A_93 = arith.constant 0 : i32
      %dma_start3A_94 = arith.constant 0 : i32
      %dma_start3A_95 = tpu.memref_slice %arg4[%add3A_89, %dma_start3A_93, %dma_start3A_94] : memref<3360x1x96xi32, #tpu.memory_space<hbm>> -> memref<1x1x96xi32, #tpu.memory_space<hbm>>
      tpu.enqueue_dma source(%dma_start3A_95 : memref<1x1x96xi32, #tpu.memory_space<hbm>>) target(%arg9 : memref<1x1x96xi32, #tpu.memory_space<vmem>>) target_semaphore(%arg25 : memref<!tpu.dma_semaphore, #tpu.memory_space<semaphore_mem>>)
      %add3A_96 = arith.constant 1 : i32
      %add3A_97 = arith.addi %mul3A_21, %add3A_96 : i32
      %dma_start3A_98 = arith.constant 0 : i32
      %dma_start3A_99 = arith.constant 0 : i32
      %dma_start3A_100 = tpu.memref_slice %arg5[%add3A_97, %dma_start3A_98, %dma_start3A_99] : memref<3360x1x96xi32, #tpu.memory_space<hbm>> -> memref<1x1x96xi32, #tpu.memory_space<hbm>>
      %dma_start3A_101 = arith.constant 0 : i32
      %dma_start3A_102 = arith.constant 0 : i32
      %dma_start3A_103 = tpu.memref_slice %arg5[%add3A_97, %dma_start3A_101, %dma_start3A_102] : memref<3360x1x96xi32, #tpu.memory_space<hbm>> -> memref<1x1x96xi32, #tpu.memory_space<hbm>>
      tpu.enqueue_dma source(%dma_start3A_103 : memref<1x1x96xi32, #tpu.memory_space<hbm>>) target(%arg13 : memref<1x1x96xi32, #tpu.memory_space<vmem>>) target_semaphore(%arg29 : memref<!tpu.dma_semaphore, #tpu.memory_space<semaphore_mem>>)
      %dma_wait3A_104 = arith.constant 0 : i32
      %dma_wait3A_105 = arith.constant 0 : i32
      %dma_wait3A_106 = tpu.memref_slice %arg4[%mul3A_21, %dma_wait3A_104, %dma_wait3A_105] : memref<3360x1x96xi32, #tpu.memory_space<hbm>> -> memref<1x1x96xi32, #tpu.memory_space<hbm>>
      %dma_wait3A_107 = arith.constant 0 : i32
      %dma_wait3A_108 = arith.constant 0 : i32
      %dma_wait3A_109 = tpu.memref_slice %arg4[%mul3A_21, %dma_wait3A_107, %dma_wait3A_108] : memref<3360x1x96xi32, #tpu.memory_space<hbm>> -> memref<1x1x96xi32, #tpu.memory_space<hbm>>
      tpu.wait_dma2 semaphore(%arg26 : memref<!tpu.dma_semaphore, #tpu.memory_space<semaphore_mem>>) src(%dma_wait3A_109 : memref<1x1x96xi32, #tpu.memory_space<hbm>>) dst(%arg10 : memref<1x1x96xi32, #tpu.memory_space<vmem>>)
      %dma_start3A_110 = arith.constant 0 : i32
      %dma_start3A_111 = arith.constant 0 : i32
      %dma_start3A_112 = arith.constant 0 : i32
      %dma_start3A_113 = tpu.memref_slice %arg10[%dma_start3A_110, %dma_start3A_111, %dma_start3A_112] : memref<1x1x96xi32, #tpu.memory_space<vmem>> -> memref<1x1x96xi32, #tpu.memory_space<vmem>>
      %dma_start3A_114 = tpu.memref_squeeze %dma_start3A_113 : memref<1x1x96xi32, #tpu.memory_space<vmem>> -> memref<96xi32, #tpu.memory_space<vmem>>
      %dma_start3A_115 = arith.constant 0 : i32
      %dma_start3A_116 = arith.constant 0 : i32
      %dma_start3A_117 = tpu.memref_slice %arg3[%dma_start3A_115, %dma_start3A_116] : memref<10240x128xf32, #tpu.memory_space<hbm>> -> memref<10240x128xf32, #tpu.memory_space<hbm>>
      tpu.enqueue_indirect_dma source(%dma_start3A_117 : memref<10240x128xf32, #tpu.memory_space<hbm>>) target(%arg16 : memref<96x128xf32, #tpu.memory_space<vmem>>) offsets(%dma_start3A_114 : memref<96xi32, #tpu.memory_space<vmem>>) semaphore(%arg20 : memref<!tpu.dma_semaphore, #tpu.memory_space<semaphore_mem>>)
      %dma_wait3A_118 = arith.constant 0 : i32
      %dma_wait3A_119 = arith.constant 0 : i32
      %dma_wait3A_120 = arith.constant 0 : i32
      %dma_wait3A_121 = tpu.memref_slice %arg9[%dma_wait3A_118, %dma_wait3A_119, %dma_wait3A_120] : memref<1x1x96xi32, #tpu.memory_space<vmem>> -> memref<1x1x96xi32, #tpu.memory_space<vmem>>
      %dma_wait3A_122 = tpu.memref_squeeze %dma_wait3A_121 : memref<1x1x96xi32, #tpu.memory_space<vmem>> -> memref<96xi32, #tpu.memory_space<vmem>>
      %dma_wait3A_123 = arith.constant 0 : i32
      %dma_wait3A_124 = arith.constant 0 : i32
      %dma_wait3A_125 = tpu.memref_slice %arg3[%dma_wait3A_123, %dma_wait3A_124] : memref<10240x128xf32, #tpu.memory_space<hbm>> -> memref<10240x128xf32, #tpu.memory_space<hbm>>
      tpu.wait_indirect_dma semaphore(%arg20 : memref<!tpu.dma_semaphore, #tpu.memory_space<semaphore_mem>>) src(%dma_wait3A_125 : memref<10240x128xf32, #tpu.memory_space<hbm>>) dst(%arg16 : memref<96x128xf32, #tpu.memory_space<vmem>>)
      %dma_wait3A_126 = arith.constant 0 : i32
      %dma_wait3A_127 = arith.constant 0 : i32
      %dma_wait3A_128 = tpu.memref_slice %arg5[%mul3A_21, %dma_wait3A_126, %dma_wait3A_127] : memref<3360x1x96xi32, #tpu.memory_space<hbm>> -> memref<1x1x96xi32, #tpu.memory_space<hbm>>
      %dma_wait3A_129 = arith.constant 0 : i32
      %dma_wait3A_130 = arith.constant 0 : i32
      %dma_wait3A_131 = tpu.memref_slice %arg5[%mul3A_21, %dma_wait3A_129, %dma_wait3A_130] : memref<3360x1x96xi32, #tpu.memory_space<hbm>> -> memref<1x1x96xi32, #tpu.memory_space<hbm>>
      tpu.wait_dma2 semaphore(%arg29 : memref<!tpu.dma_semaphore, #tpu.memory_space<semaphore_mem>>) src(%dma_wait3A_131 : memref<1x1x96xi32, #tpu.memory_space<hbm>>) dst(%arg13 : memref<1x1x96xi32, #tpu.memory_space<vmem>>)
      %dma_start3A_132 = arith.constant 0 : i32
      %dma_start3A_133 = arith.constant 0 : i32
      %dma_start3A_134 = arith.constant 0 : i32
      %dma_start3A_135 = tpu.memref_slice %arg13[%dma_start3A_132, %dma_start3A_133, %dma_start3A_134] : memref<1x1x96xi32, #tpu.memory_space<vmem>> -> memref<1x1x96xi32, #tpu.memory_space<vmem>>
      %dma_start3A_136 = tpu.memref_squeeze %dma_start3A_135 : memref<1x1x96xi32, #tpu.memory_space<vmem>> -> memref<96xi32, #tpu.memory_space<vmem>>
      %dma_start3A_137 = arith.constant 0 : i32
      %dma_start3A_138 = arith.constant 0 : i32
      %dma_start3A_139 = tpu.memref_slice %arg8[%dma_start3A_137, %dma_start3A_138] : memref<10240x128xf32, #tpu.memory_space<vmem_shared>> -> memref<10240x128xf32, #tpu.memory_space<vmem_shared>>
      tpu.enqueue_indirect_dma source(%arg16 : memref<96x128xf32, #tpu.memory_space<vmem>>) target(%dma_start3A_139 : memref<10240x128xf32, #tpu.memory_space<vmem_shared>>) offsets(%dma_start3A_136 : memref<96xi32, #tpu.memory_space<vmem>>) semaphore(%arg23 : memref<!tpu.dma_semaphore, #tpu.memory_space<semaphore_mem>>) {add = true}
      %min3A_140 = arith.constant 4 : i32
      %min3A_141 = arith.constant 209 : i32
      %min3A_142 = arith.minsi %min3A_140, %min3A_141 : i32
      %add3A_143 = arith.addi %mul3A_21, %min3A_142 : i32
      %dma_start3A_144 = arith.constant 0 : i32
      %dma_start3A_145 = arith.constant 0 : i32
      %dma_start3A_146 = tpu.memref_slice %arg4[%add3A_143, %dma_start3A_144, %dma_start3A_145] : memref<3360x1x96xi32, #tpu.memory_space<hbm>> -> memref<1x1x96xi32, #tpu.memory_space<hbm>>
      %dma_start3A_147 = arith.constant 0 : i32
      %dma_start3A_148 = arith.constant 0 : i32
      %dma_start3A_149 = tpu.memref_slice %arg4[%add3A_143, %dma_start3A_147, %dma_start3A_148] : memref<3360x1x96xi32, #tpu.memory_space<hbm>> -> memref<1x1x96xi32, #tpu.memory_space<hbm>>
      tpu.enqueue_dma source(%dma_start3A_149 : memref<1x1x96xi32, #tpu.memory_space<hbm>>) target(%arg10 : memref<1x1x96xi32, #tpu.memory_space<vmem>>) target_semaphore(%arg26 : memref<!tpu.dma_semaphore, #tpu.memory_space<semaphore_mem>>)
      %add3A_150 = arith.constant 2 : i32
      %add3A_151 = arith.addi %mul3A_21, %add3A_150 : i32
      %dma_start3A_152 = arith.constant 0 : i32
      %dma_start3A_153 = arith.constant 0 : i32
      %dma_start3A_154 = tpu.memref_slice %arg5[%add3A_151, %dma_start3A_152, %dma_start3A_153] : memref<3360x1x96xi32, #tpu.memory_space<hbm>> -> memref<1x1x96xi32, #tpu.memory_space<hbm>>
      %dma_start3A_155 = arith.constant 0 : i32
      %dma_start3A_156 = arith.constant 0 : i32
      %dma_start3A_157 = tpu.memref_slice %arg5[%add3A_151, %dma_start3A_155, %dma_start3A_156] : memref<3360x1x96xi32, #tpu.memory_space<hbm>> -> memref<1x1x96xi32, #tpu.memory_space<hbm>>
      tpu.enqueue_dma source(%dma_start3A_157 : memref<1x1x96xi32, #tpu.memory_space<hbm>>) target(%arg14 : memref<1x1x96xi32, #tpu.memory_space<vmem>>) target_semaphore(%arg30 : memref<!tpu.dma_semaphore, #tpu.memory_space<semaphore_mem>>)
      %dma_wait3A_158 = arith.constant 0 : i32
      %dma_wait3A_159 = arith.constant 0 : i32
      %dma_wait3A_160 = tpu.memref_slice %arg4[%mul3A_21, %dma_wait3A_158, %dma_wait3A_159] : memref<3360x1x96xi32, #tpu.memory_space<hbm>> -> memref<1x1x96xi32, #tpu.memory_space<hbm>>
      %dma_wait3A_161 = arith.constant 0 : i32
      %dma_wait3A_162 = arith.constant 0 : i32
      %dma_wait3A_163 = tpu.memref_slice %arg4[%mul3A_21, %dma_wait3A_161, %dma_wait3A_162] : memref<3360x1x96xi32, #tpu.memory_space<hbm>> -> memref<1x1x96xi32, #tpu.memory_space<hbm>>
      tpu.wait_dma2 semaphore(%arg27 : memref<!tpu.dma_semaphore, #tpu.memory_space<semaphore_mem>>) src(%dma_wait3A_163 : memref<1x1x96xi32, #tpu.memory_space<hbm>>) dst(%arg11 : memref<1x1x96xi32, #tpu.memory_space<vmem>>)
      %dma_start3A_164 = arith.constant 0 : i32
      %dma_start3A_165 = arith.constant 0 : i32
      %dma_start3A_166 = arith.constant 0 : i32
      %dma_start3A_167 = tpu.memref_slice %arg11[%dma_start3A_164, %dma_start3A_165, %dma_start3A_166] : memref<1x1x96xi32, #tpu.memory_space<vmem>> -> memref<1x1x96xi32, #tpu.memory_space<vmem>>
      %dma_start3A_168 = tpu.memref_squeeze %dma_start3A_167 : memref<1x1x96xi32, #tpu.memory_space<vmem>> -> memref<96xi32, #tpu.memory_space<vmem>>
      %dma_start3A_169 = arith.constant 0 : i32
      %dma_start3A_170 = arith.constant 0 : i32
      %dma_start3A_171 = tpu.memref_slice %arg3[%dma_start3A_169, %dma_start3A_170] : memref<10240x128xf32, #tpu.memory_space<hbm>> -> memref<10240x128xf32, #tpu.memory_space<hbm>>
      tpu.enqueue_indirect_dma source(%dma_start3A_171 : memref<10240x128xf32, #tpu.memory_space<hbm>>) target(%arg17 : memref<96x128xf32, #tpu.memory_space<vmem>>) offsets(%dma_start3A_168 : memref<96xi32, #tpu.memory_space<vmem>>) semaphore(%arg21 : memref<!tpu.dma_semaphore, #tpu.memory_space<semaphore_mem>>)
      %scan3A_172 = arith.constant 0 : i32
      %scan3A_173 = arith.constant 0 : i32
      %scan3A_174 = arith.constant 69 : i32
      %scan3A_175 = arith.addi %scan3A_173, %scan3A_174 : i32
      %scan3A_176 = arith.constant 1 : i32
      scf.for %scan3A_237 = %scan3A_173 to %scan3A_175 step %scan3A_176  : i32 {
        %mul3A_238 = arith.constant 3 : i32
        %mul3A_239 = arith.muli %mul3A_238, %scan3A_237 : i32
        %add3A_240 = arith.constant 2 : i32
        %add3A_241 = arith.addi %add3A_240, %mul3A_239 : i32
        %dma_wait3A_242 = arith.constant 0 : i32
        %dma_wait3A_243 = arith.constant 0 : i32
        %dma_wait3A_244 = arith.constant 0 : i32
        %dma_wait3A_245 = tpu.memref_slice %arg9[%dma_wait3A_242, %dma_wait3A_243, %dma_wait3A_244] : memref<1x1x96xi32, #tpu.memory_space<vmem>> -> memref<1x1x96xi32, #tpu.memory_space<vmem>>
        %dma_wait3A_246 = tpu.memref_squeeze %dma_wait3A_245 : memref<1x1x96xi32, #tpu.memory_space<vmem>> -> memref<96xi32, #tpu.memory_space<vmem>>
        %dma_wait3A_247 = arith.constant 0 : i32
        %dma_wait3A_248 = arith.constant 0 : i32
        %dma_wait3A_249 = tpu.memref_slice %arg3[%dma_wait3A_247, %dma_wait3A_248] : memref<10240x128xf32, #tpu.memory_space<hbm>> -> memref<10240x128xf32, #tpu.memory_space<hbm>>
        tpu.wait_indirect_dma semaphore(%arg21 : memref<!tpu.dma_semaphore, #tpu.memory_space<semaphore_mem>>) src(%dma_wait3A_249 : memref<10240x128xf32, #tpu.memory_space<hbm>>) dst(%arg17 : memref<96x128xf32, #tpu.memory_space<vmem>>)
        %dma_wait3A_250 = arith.constant 0 : i32
        %dma_wait3A_251 = arith.constant 0 : i32
        %dma_wait3A_252 = tpu.memref_slice %arg5[%mul3A_21, %dma_wait3A_250, %dma_wait3A_251] : memref<3360x1x96xi32, #tpu.memory_space<hbm>> -> memref<1x1x96xi32, #tpu.memory_space<hbm>>
        %dma_wait3A_253 = arith.constant 0 : i32
        %dma_wait3A_254 = arith.constant 0 : i32
        %dma_wait3A_255 = tpu.memref_slice %arg5[%mul3A_21, %dma_wait3A_253, %dma_wait3A_254] : memref<3360x1x96xi32, #tpu.memory_space<hbm>> -> memref<1x1x96xi32, #tpu.memory_space<hbm>>
        tpu.wait_dma2 semaphore(%arg30 : memref<!tpu.dma_semaphore, #tpu.memory_space<semaphore_mem>>) src(%dma_wait3A_255 : memref<1x1x96xi32, #tpu.memory_space<hbm>>) dst(%arg14 : memref<1x1x96xi32, #tpu.memory_space<vmem>>)
        %dma_start3A_256 = arith.constant 0 : i32
        %dma_start3A_257 = arith.constant 0 : i32
        %dma_start3A_258 = arith.constant 0 : i32
        %dma_start3A_259 = tpu.memref_slice %arg14[%dma_start3A_256, %dma_start3A_257, %dma_start3A_258] : memref<1x1x96xi32, #tpu.memory_space<vmem>> -> memref<1x1x96xi32, #tpu.memory_space<vmem>>
        %dma_start3A_260 = tpu.memref_squeeze %dma_start3A_259 : memref<1x1x96xi32, #tpu.memory_space<vmem>> -> memref<96xi32, #tpu.memory_space<vmem>>
        %dma_start3A_261 = arith.constant 0 : i32
        %dma_start3A_262 = arith.constant 0 : i32
        %dma_start3A_263 = tpu.memref_slice %arg8[%dma_start3A_261, %dma_start3A_262] : memref<10240x128xf32, #tpu.memory_space<vmem_shared>> -> memref<10240x128xf32, #tpu.memory_space<vmem_shared>>
        tpu.enqueue_indirect_dma source(%arg17 : memref<96x128xf32, #tpu.memory_space<vmem>>) target(%dma_start3A_263 : memref<10240x128xf32, #tpu.memory_space<vmem_shared>>) offsets(%dma_start3A_260 : memref<96xi32, #tpu.memory_space<vmem>>) semaphore(%arg24 : memref<!tpu.dma_semaphore, #tpu.memory_space<semaphore_mem>>) {add = true}
        %add3A_264 = arith.constant 3 : i32
        %add3A_265 = arith.addi %add3A_241, %add3A_264 : i32
        %min3A_266 = arith.constant 209 : i32
        %min3A_267 = arith.minsi %add3A_265, %min3A_266 : i32
        %add3A_268 = arith.addi %mul3A_21, %min3A_267 : i32
        %dma_start3A_269 = arith.constant 0 : i32
        %dma_start3A_270 = arith.constant 0 : i32
        %dma_start3A_271 = tpu.memref_slice %arg4[%add3A_268, %dma_start3A_269, %dma_start3A_270] : memref<3360x1x96xi32, #tpu.memory_space<hbm>> -> memref<1x1x96xi32, #tpu.memory_space<hbm>>
        %dma_start3A_272 = arith.constant 0 : i32
        %dma_start3A_273 = arith.constant 0 : i32
        %dma_start3A_274 = tpu.memref_slice %arg4[%add3A_268, %dma_start3A_272, %dma_start3A_273] : memref<3360x1x96xi32, #tpu.memory_space<hbm>> -> memref<1x1x96xi32, #tpu.memory_space<hbm>>
        tpu.enqueue_dma source(%dma_start3A_274 : memref<1x1x96xi32, #tpu.memory_space<hbm>>) target(%arg11 : memref<1x1x96xi32, #tpu.memory_space<vmem>>) target_semaphore(%arg27 : memref<!tpu.dma_semaphore, #tpu.memory_space<semaphore_mem>>)
        %dma_wait3A_275 = arith.constant 0 : i32
        %dma_wait3A_276 = arith.constant 0 : i32
        %dma_wait3A_277 = arith.constant 0 : i32
        %dma_wait3A_278 = tpu.memref_slice %arg12[%dma_wait3A_275, %dma_wait3A_276, %dma_wait3A_277] : memref<1x1x96xi32, #tpu.memory_space<vmem>> -> memref<1x1x96xi32, #tpu.memory_space<vmem>>
        %dma_wait3A_279 = tpu.memref_squeeze %dma_wait3A_278 : memref<1x1x96xi32, #tpu.memory_space<vmem>> -> memref<96xi32, #tpu.memory_space<vmem>>
        %dma_wait3A_280 = arith.constant 0 : i32
        %dma_wait3A_281 = arith.constant 0 : i32
        %dma_wait3A_282 = tpu.memref_slice %arg8[%dma_wait3A_280, %dma_wait3A_281] : memref<10240x128xf32, #tpu.memory_space<vmem_shared>> -> memref<10240x128xf32, #tpu.memory_space<vmem_shared>>
        tpu.wait_indirect_dma semaphore(%arg22 : memref<!tpu.dma_semaphore, #tpu.memory_space<semaphore_mem>>) src(%arg15 : memref<96x128xf32, #tpu.memory_space<vmem>>) dst(%dma_wait3A_282 : memref<10240x128xf32, #tpu.memory_space<vmem_shared>>)
        %add3A_283 = arith.constant 1 : i32
        %add3A_284 = arith.addi %add3A_241, %add3A_283 : i32
        %add3A_285 = arith.addi %mul3A_21, %add3A_284 : i32
        %dma_start3A_286 = arith.constant 0 : i32
        %dma_start3A_287 = arith.constant 0 : i32
        %dma_start3A_288 = tpu.memref_slice %arg5[%add3A_285, %dma_start3A_286, %dma_start3A_287] : memref<3360x1x96xi32, #tpu.memory_space<hbm>> -> memref<1x1x96xi32, #tpu.memory_space<hbm>>
        %dma_start3A_289 = arith.constant 0 : i32
        %dma_start3A_290 = arith.constant 0 : i32
        %dma_start3A_291 = tpu.memref_slice %arg5[%add3A_285, %dma_start3A_289, %dma_start3A_290] : memref<3360x1x96xi32, #tpu.memory_space<hbm>> -> memref<1x1x96xi32, #tpu.memory_space<hbm>>
        tpu.enqueue_dma source(%dma_start3A_291 : memref<1x1x96xi32, #tpu.memory_space<hbm>>) target(%arg12 : memref<1x1x96xi32, #tpu.memory_space<vmem>>) target_semaphore(%arg28 : memref<!tpu.dma_semaphore, #tpu.memory_space<semaphore_mem>>)
        %dma_wait3A_292 = arith.constant 0 : i32
        %dma_wait3A_293 = arith.constant 0 : i32
        %dma_wait3A_294 = tpu.memref_slice %arg4[%mul3A_21, %dma_wait3A_292, %dma_wait3A_293] : memref<3360x1x96xi32, #tpu.memory_space<hbm>> -> memref<1x1x96xi32, #tpu.memory_space<hbm>>
        %dma_wait3A_295 = arith.constant 0 : i32
        %dma_wait3A_296 = arith.constant 0 : i32
        %dma_wait3A_297 = tpu.memref_slice %arg4[%mul3A_21, %dma_wait3A_295, %dma_wait3A_296] : memref<3360x1x96xi32, #tpu.memory_space<hbm>> -> memref<1x1x96xi32, #tpu.memory_space<hbm>>
        tpu.wait_dma2 semaphore(%arg25 : memref<!tpu.dma_semaphore, #tpu.memory_space<semaphore_mem>>) src(%dma_wait3A_297 : memref<1x1x96xi32, #tpu.memory_space<hbm>>) dst(%arg9 : memref<1x1x96xi32, #tpu.memory_space<vmem>>)
        %dma_start3A_298 = arith.constant 0 : i32
        %dma_start3A_299 = arith.constant 0 : i32
        %dma_start3A_300 = arith.constant 0 : i32
        %dma_start3A_301 = tpu.memref_slice %arg9[%dma_start3A_298, %dma_start3A_299, %dma_start3A_300] : memref<1x1x96xi32, #tpu.memory_space<vmem>> -> memref<1x1x96xi32, #tpu.memory_space<vmem>>
        %dma_start3A_302 = tpu.memref_squeeze %dma_start3A_301 : memref<1x1x96xi32, #tpu.memory_space<vmem>> -> memref<96xi32, #tpu.memory_space<vmem>>
        %dma_start3A_303 = arith.constant 0 : i32
        %dma_start3A_304 = arith.constant 0 : i32
        %dma_start3A_305 = tpu.memref_slice %arg3[%dma_start3A_303, %dma_start3A_304] : memref<10240x128xf32, #tpu.memory_space<hbm>> -> memref<10240x128xf32, #tpu.memory_space<hbm>>
        tpu.enqueue_indirect_dma source(%dma_start3A_305 : memref<10240x128xf32, #tpu.memory_space<hbm>>) target(%arg15 : memref<96x128xf32, #tpu.memory_space<vmem>>) offsets(%dma_start3A_302 : memref<96xi32, #tpu.memory_space<vmem>>) semaphore(%arg19 : memref<!tpu.dma_semaphore, #tpu.memory_space<semaphore_mem>>)
        %add3A_306 = arith.constant 1 : i32
        %add3A_307 = arith.addi %add3A_241, %add3A_306 : i32
        %dma_wait3A_308 = arith.constant 0 : i32
        %dma_wait3A_309 = arith.constant 0 : i32
        %dma_wait3A_310 = arith.constant 0 : i32
        %dma_wait3A_311 = tpu.memref_slice %arg9[%dma_wait3A_308, %dma_wait3A_309, %dma_wait3A_310] : memref<1x1x96xi32, #tpu.memory_space<vmem>> -> memref<1x1x96xi32, #tpu.memory_space<vmem>>
        %dma_wait3A_312 = tpu.memref_squeeze %dma_wait3A_311 : memref<1x1x96xi32, #tpu.memory_space<vmem>> -> memref<96xi32, #tpu.memory_space<vmem>>
        %dma_wait3A_313 = arith.constant 0 : i32
        %dma_wait3A_314 = arith.constant 0 : i32
        %dma_wait3A_315 = tpu.memref_slice %arg3[%dma_wait3A_313, %dma_wait3A_314] : memref<10240x128xf32, #tpu.memory_space<hbm>> -> memref<10240x128xf32, #tpu.memory_space<hbm>>
        tpu.wait_indirect_dma semaphore(%arg19 : memref<!tpu.dma_semaphore, #tpu.memory_space<semaphore_mem>>) src(%dma_wait3A_315 : memref<10240x128xf32, #tpu.memory_space<hbm>>) dst(%arg15 : memref<96x128xf32, #tpu.memory_space<vmem>>)
        %dma_wait3A_316 = arith.constant 0 : i32
        %dma_wait3A_317 = arith.constant 0 : i32
        %dma_wait3A_318 = tpu.memref_slice %arg5[%mul3A_21, %dma_wait3A_316, %dma_wait3A_317] : memref<3360x1x96xi32, #tpu.memory_space<hbm>> -> memref<1x1x96xi32, #tpu.memory_space<hbm>>
        %dma_wait3A_319 = arith.constant 0 : i32
        %dma_wait3A_320 = arith.constant 0 : i32
        %dma_wait3A_321 = tpu.memref_slice %arg5[%mul3A_21, %dma_wait3A_319, %dma_wait3A_320] : memref<3360x1x96xi32, #tpu.memory_space<hbm>> -> memref<1x1x96xi32, #tpu.memory_space<hbm>>
        tpu.wait_dma2 semaphore(%arg28 : memref<!tpu.dma_semaphore, #tpu.memory_space<semaphore_mem>>) src(%dma_wait3A_321 : memref<1x1x96xi32, #tpu.memory_space<hbm>>) dst(%arg12 : memref<1x1x96xi32, #tpu.memory_space<vmem>>)
        %dma_start3A_322 = arith.constant 0 : i32
        %dma_start3A_323 = arith.constant 0 : i32
        %dma_start3A_324 = arith.constant 0 : i32
        %dma_start3A_325 = tpu.memref_slice %arg12[%dma_start3A_322, %dma_start3A_323, %dma_start3A_324] : memref<1x1x96xi32, #tpu.memory_space<vmem>> -> memref<1x1x96xi32, #tpu.memory_space<vmem>>
        %dma_start3A_326 = tpu.memref_squeeze %dma_start3A_325 : memref<1x1x96xi32, #tpu.memory_space<vmem>> -> memref<96xi32, #tpu.memory_space<vmem>>
        %dma_start3A_327 = arith.constant 0 : i32
        %dma_start3A_328 = arith.constant 0 : i32
        %dma_start3A_329 = tpu.memref_slice %arg8[%dma_start3A_327, %dma_start3A_328] : memref<10240x128xf32, #tpu.memory_space<vmem_shared>> -> memref<10240x128xf32, #tpu.memory_space<vmem_shared>>
        tpu.enqueue_indirect_dma source(%arg15 : memref<96x128xf32, #tpu.memory_space<vmem>>) target(%dma_start3A_329 : memref<10240x128xf32, #tpu.memory_space<vmem_shared>>) offsets(%dma_start3A_326 : memref<96xi32, #tpu.memory_space<vmem>>) semaphore(%arg22 : memref<!tpu.dma_semaphore, #tpu.memory_space<semaphore_mem>>) {add = true}
        %add3A_330 = arith.constant 3 : i32
        %add3A_331 = arith.addi %add3A_307, %add3A_330 : i32
        %min3A_332 = arith.constant 209 : i32
        %min3A_333 = arith.minsi %add3A_331, %min3A_332 : i32
        %add3A_334 = arith.addi %mul3A_21, %min3A_333 : i32
        %dma_start3A_335 = arith.constant 0 : i32
        %dma_start3A_336 = arith.constant 0 : i32
        %dma_start3A_337 = tpu.memref_slice %arg4[%add3A_334, %dma_start3A_335, %dma_start3A_336] : memref<3360x1x96xi32, #tpu.memory_space<hbm>> -> memref<1x1x96xi32, #tpu.memory_space<hbm>>
        %dma_start3A_338 = arith.constant 0 : i32
        %dma_start3A_339 = arith.constant 0 : i32
        %dma_start3A_340 = tpu.memref_slice %arg4[%add3A_334, %dma_start3A_338, %dma_start3A_339] : memref<3360x1x96xi32, #tpu.memory_space<hbm>> -> memref<1x1x96xi32, #tpu.memory_space<hbm>>
        tpu.enqueue_dma source(%dma_start3A_340 : memref<1x1x96xi32, #tpu.memory_space<hbm>>) target(%arg9 : memref<1x1x96xi32, #tpu.memory_space<vmem>>) target_semaphore(%arg25 : memref<!tpu.dma_semaphore, #tpu.memory_space<semaphore_mem>>)
        %dma_wait3A_341 = arith.constant 0 : i32
        %dma_wait3A_342 = arith.constant 0 : i32
        %dma_wait3A_343 = arith.constant 0 : i32
        %dma_wait3A_344 = tpu.memref_slice %arg12[%dma_wait3A_341, %dma_wait3A_342, %dma_wait3A_343] : memref<1x1x96xi32, #tpu.memory_space<vmem>> -> memref<1x1x96xi32, #tpu.memory_space<vmem>>
        %dma_wait3A_345 = tpu.memref_squeeze %dma_wait3A_344 : memref<1x1x96xi32, #tpu.memory_space<vmem>> -> memref<96xi32, #tpu.memory_space<vmem>>
        %dma_wait3A_346 = arith.constant 0 : i32
        %dma_wait3A_347 = arith.constant 0 : i32
        %dma_wait3A_348 = tpu.memref_slice %arg8[%dma_wait3A_346, %dma_wait3A_347] : memref<10240x128xf32, #tpu.memory_space<vmem_shared>> -> memref<10240x128xf32, #tpu.memory_space<vmem_shared>>
        tpu.wait_indirect_dma semaphore(%arg23 : memref<!tpu.dma_semaphore, #tpu.memory_space<semaphore_mem>>) src(%arg16 : memref<96x128xf32, #tpu.memory_space<vmem>>) dst(%dma_wait3A_348 : memref<10240x128xf32, #tpu.memory_space<vmem_shared>>)
        %add3A_349 = arith.constant 1 : i32
        %add3A_350 = arith.addi %add3A_307, %add3A_349 : i32
        %add3A_351 = arith.addi %mul3A_21, %add3A_350 : i32
        %dma_start3A_352 = arith.constant 0 : i32
        %dma_start3A_353 = arith.constant 0 : i32
        %dma_start3A_354 = tpu.memref_slice %arg5[%add3A_351, %dma_start3A_352, %dma_start3A_353] : memref<3360x1x96xi32, #tpu.memory_space<hbm>> -> memref<1x1x96xi32, #tpu.memory_space<hbm>>
        %dma_start3A_355 = arith.constant 0 : i32
        %dma_start3A_356 = arith.constant 0 : i32
        %dma_start3A_357 = tpu.memref_slice %arg5[%add3A_351, %dma_start3A_355, %dma_start3A_356] : memref<3360x1x96xi32, #tpu.memory_space<hbm>> -> memref<1x1x96xi32, #tpu.memory_space<hbm>>
        tpu.enqueue_dma source(%dma_start3A_357 : memref<1x1x96xi32, #tpu.memory_space<hbm>>) target(%arg13 : memref<1x1x96xi32, #tpu.memory_space<vmem>>) target_semaphore(%arg29 : memref<!tpu.dma_semaphore, #tpu.memory_space<semaphore_mem>>)
        %dma_wait3A_358 = arith.constant 0 : i32
        %dma_wait3A_359 = arith.constant 0 : i32
        %dma_wait3A_360 = tpu.memref_slice %arg4[%mul3A_21, %dma_wait3A_358, %dma_wait3A_359] : memref<3360x1x96xi32, #tpu.memory_space<hbm>> -> memref<1x1x96xi32, #tpu.memory_space<hbm>>
        %dma_wait3A_361 = arith.constant 0 : i32
        %dma_wait3A_362 = arith.constant 0 : i32
        %dma_wait3A_363 = tpu.memref_slice %arg4[%mul3A_21, %dma_wait3A_361, %dma_wait3A_362] : memref<3360x1x96xi32, #tpu.memory_space<hbm>> -> memref<1x1x96xi32, #tpu.memory_space<hbm>>
        tpu.wait_dma2 semaphore(%arg26 : memref<!tpu.dma_semaphore, #tpu.memory_space<semaphore_mem>>) src(%dma_wait3A_363 : memref<1x1x96xi32, #tpu.memory_space<hbm>>) dst(%arg10 : memref<1x1x96xi32, #tpu.memory_space<vmem>>)
        %dma_start3A_364 = arith.constant 0 : i32
        %dma_start3A_365 = arith.constant 0 : i32
        %dma_start3A_366 = arith.constant 0 : i32
        %dma_start3A_367 = tpu.memref_slice %arg10[%dma_start3A_364, %dma_start3A_365, %dma_start3A_366] : memref<1x1x96xi32, #tpu.memory_space<vmem>> -> memref<1x1x96xi32, #tpu.memory_space<vmem>>
        %dma_start3A_368 = tpu.memref_squeeze %dma_start3A_367 : memref<1x1x96xi32, #tpu.memory_space<vmem>> -> memref<96xi32, #tpu.memory_space<vmem>>
        %dma_start3A_369 = arith.constant 0 : i32
        %dma_start3A_370 = arith.constant 0 : i32
        %dma_start3A_371 = tpu.memref_slice %arg3[%dma_start3A_369, %dma_start3A_370] : memref<10240x128xf32, #tpu.memory_space<hbm>> -> memref<10240x128xf32, #tpu.memory_space<hbm>>
        tpu.enqueue_indirect_dma source(%dma_start3A_371 : memref<10240x128xf32, #tpu.memory_space<hbm>>) target(%arg16 : memref<96x128xf32, #tpu.memory_space<vmem>>) offsets(%dma_start3A_368 : memref<96xi32, #tpu.memory_space<vmem>>) semaphore(%arg20 : memref<!tpu.dma_semaphore, #tpu.memory_space<semaphore_mem>>)
        %add3A_372 = arith.constant 2 : i32
        %add3A_373 = arith.addi %add3A_241, %add3A_372 : i32
        %dma_wait3A_374 = arith.constant 0 : i32
        %dma_wait3A_375 = arith.constant 0 : i32
        %dma_wait3A_376 = arith.constant 0 : i32
        %dma_wait3A_377 = tpu.memref_slice %arg9[%dma_wait3A_374, %dma_wait3A_375, %dma_wait3A_376] : memref<1x1x96xi32, #tpu.memory_space<vmem>> -> memref<1x1x96xi32, #tpu.memory_space<vmem>>
        %dma_wait3A_378 = tpu.memref_squeeze %dma_wait3A_377 : memref<1x1x96xi32, #tpu.memory_space<vmem>> -> memref<96xi32, #tpu.memory_space<vmem>>
        %dma_wait3A_379 = arith.constant 0 : i32
        %dma_wait3A_380 = arith.constant 0 : i32
        %dma_wait3A_381 = tpu.memref_slice %arg3[%dma_wait3A_379, %dma_wait3A_380] : memref<10240x128xf32, #tpu.memory_space<hbm>> -> memref<10240x128xf32, #tpu.memory_space<hbm>>
        tpu.wait_indirect_dma semaphore(%arg20 : memref<!tpu.dma_semaphore, #tpu.memory_space<semaphore_mem>>) src(%dma_wait3A_381 : memref<10240x128xf32, #tpu.memory_space<hbm>>) dst(%arg16 : memref<96x128xf32, #tpu.memory_space<vmem>>)
        %dma_wait3A_382 = arith.constant 0 : i32
        %dma_wait3A_383 = arith.constant 0 : i32
        %dma_wait3A_384 = tpu.memref_slice %arg5[%mul3A_21, %dma_wait3A_382, %dma_wait3A_383] : memref<3360x1x96xi32, #tpu.memory_space<hbm>> -> memref<1x1x96xi32, #tpu.memory_space<hbm>>
        %dma_wait3A_385 = arith.constant 0 : i32
        %dma_wait3A_386 = arith.constant 0 : i32
        %dma_wait3A_387 = tpu.memref_slice %arg5[%mul3A_21, %dma_wait3A_385, %dma_wait3A_386] : memref<3360x1x96xi32, #tpu.memory_space<hbm>> -> memref<1x1x96xi32, #tpu.memory_space<hbm>>
        tpu.wait_dma2 semaphore(%arg29 : memref<!tpu.dma_semaphore, #tpu.memory_space<semaphore_mem>>) src(%dma_wait3A_387 : memref<1x1x96xi32, #tpu.memory_space<hbm>>) dst(%arg13 : memref<1x1x96xi32, #tpu.memory_space<vmem>>)
        %dma_start3A_388 = arith.constant 0 : i32
        %dma_start3A_389 = arith.constant 0 : i32
        %dma_start3A_390 = arith.constant 0 : i32
        %dma_start3A_391 = tpu.memref_slice %arg13[%dma_start3A_388, %dma_start3A_389, %dma_start3A_390] : memref<1x1x96xi32, #tpu.memory_space<vmem>> -> memref<1x1x96xi32, #tpu.memory_space<vmem>>
        %dma_start3A_392 = tpu.memref_squeeze %dma_start3A_391 : memref<1x1x96xi32, #tpu.memory_space<vmem>> -> memref<96xi32, #tpu.memory_space<vmem>>
        %dma_start3A_393 = arith.constant 0 : i32
        %dma_start3A_394 = arith.constant 0 : i32
        %dma_start3A_395 = tpu.memref_slice %arg8[%dma_start3A_393, %dma_start3A_394] : memref<10240x128xf32, #tpu.memory_space<vmem_shared>> -> memref<10240x128xf32, #tpu.memory_space<vmem_shared>>
        tpu.enqueue_indirect_dma source(%arg16 : memref<96x128xf32, #tpu.memory_space<vmem>>) target(%dma_start3A_395 : memref<10240x128xf32, #tpu.memory_space<vmem_shared>>) offsets(%dma_start3A_392 : memref<96xi32, #tpu.memory_space<vmem>>) semaphore(%arg23 : memref<!tpu.dma_semaphore, #tpu.memory_space<semaphore_mem>>) {add = true}
        %add3A_396 = arith.constant 3 : i32
        %add3A_397 = arith.addi %add3A_373, %add3A_396 : i32
        %min3A_398 = arith.constant 209 : i32
        %min3A_399 = arith.minsi %add3A_397, %min3A_398 : i32
        %add3A_400 = arith.addi %mul3A_21, %min3A_399 : i32
        %dma_start3A_401 = arith.constant 0 : i32
        %dma_start3A_402 = arith.constant 0 : i32
        %dma_start3A_403 = tpu.memref_slice %arg4[%add3A_400, %dma_start3A_401, %dma_start3A_402] : memref<3360x1x96xi32, #tpu.memory_space<hbm>> -> memref<1x1x96xi32, #tpu.memory_space<hbm>>
        %dma_start3A_404 = arith.constant 0 : i32
        %dma_start3A_405 = arith.constant 0 : i32
        %dma_start3A_406 = tpu.memref_slice %arg4[%add3A_400, %dma_start3A_404, %dma_start3A_405] : memref<3360x1x96xi32, #tpu.memory_space<hbm>> -> memref<1x1x96xi32, #tpu.memory_space<hbm>>
        tpu.enqueue_dma source(%dma_start3A_406 : memref<1x1x96xi32, #tpu.memory_space<hbm>>) target(%arg10 : memref<1x1x96xi32, #tpu.memory_space<vmem>>) target_semaphore(%arg26 : memref<!tpu.dma_semaphore, #tpu.memory_space<semaphore_mem>>)
        %dma_wait3A_407 = arith.constant 0 : i32
        %dma_wait3A_408 = arith.constant 0 : i32
        %dma_wait3A_409 = arith.constant 0 : i32
        %dma_wait3A_410 = tpu.memref_slice %arg12[%dma_wait3A_407, %dma_wait3A_408, %dma_wait3A_409] : memref<1x1x96xi32, #tpu.memory_space<vmem>> -> memref<1x1x96xi32, #tpu.memory_space<vmem>>
        %dma_wait3A_411 = tpu.memref_squeeze %dma_wait3A_410 : memref<1x1x96xi32, #tpu.memory_space<vmem>> -> memref<96xi32, #tpu.memory_space<vmem>>
        %dma_wait3A_412 = arith.constant 0 : i32
        %dma_wait3A_413 = arith.constant 0 : i32
        %dma_wait3A_414 = tpu.memref_slice %arg8[%dma_wait3A_412, %dma_wait3A_413] : memref<10240x128xf32, #tpu.memory_space<vmem_shared>> -> memref<10240x128xf32, #tpu.memory_space<vmem_shared>>
        tpu.wait_indirect_dma semaphore(%arg24 : memref<!tpu.dma_semaphore, #tpu.memory_space<semaphore_mem>>) src(%arg17 : memref<96x128xf32, #tpu.memory_space<vmem>>) dst(%dma_wait3A_414 : memref<10240x128xf32, #tpu.memory_space<vmem_shared>>)
        %add3A_415 = arith.constant 1 : i32
        %add3A_416 = arith.addi %add3A_373, %add3A_415 : i32
        %add3A_417 = arith.addi %mul3A_21, %add3A_416 : i32
        %dma_start3A_418 = arith.constant 0 : i32
        %dma_start3A_419 = arith.constant 0 : i32
        %dma_start3A_420 = tpu.memref_slice %arg5[%add3A_417, %dma_start3A_418, %dma_start3A_419] : memref<3360x1x96xi32, #tpu.memory_space<hbm>> -> memref<1x1x96xi32, #tpu.memory_space<hbm>>
        %dma_start3A_421 = arith.constant 0 : i32
        %dma_start3A_422 = arith.constant 0 : i32
        %dma_start3A_423 = tpu.memref_slice %arg5[%add3A_417, %dma_start3A_421, %dma_start3A_422] : memref<3360x1x96xi32, #tpu.memory_space<hbm>> -> memref<1x1x96xi32, #tpu.memory_space<hbm>>
        tpu.enqueue_dma source(%dma_start3A_423 : memref<1x1x96xi32, #tpu.memory_space<hbm>>) target(%arg14 : memref<1x1x96xi32, #tpu.memory_space<vmem>>) target_semaphore(%arg30 : memref<!tpu.dma_semaphore, #tpu.memory_space<semaphore_mem>>)
        %dma_wait3A_424 = arith.constant 0 : i32
        %dma_wait3A_425 = arith.constant 0 : i32
        %dma_wait3A_426 = tpu.memref_slice %arg4[%mul3A_21, %dma_wait3A_424, %dma_wait3A_425] : memref<3360x1x96xi32, #tpu.memory_space<hbm>> -> memref<1x1x96xi32, #tpu.memory_space<hbm>>
        %dma_wait3A_427 = arith.constant 0 : i32
        %dma_wait3A_428 = arith.constant 0 : i32
        %dma_wait3A_429 = tpu.memref_slice %arg4[%mul3A_21, %dma_wait3A_427, %dma_wait3A_428] : memref<3360x1x96xi32, #tpu.memory_space<hbm>> -> memref<1x1x96xi32, #tpu.memory_space<hbm>>
        tpu.wait_dma2 semaphore(%arg27 : memref<!tpu.dma_semaphore, #tpu.memory_space<semaphore_mem>>) src(%dma_wait3A_429 : memref<1x1x96xi32, #tpu.memory_space<hbm>>) dst(%arg11 : memref<1x1x96xi32, #tpu.memory_space<vmem>>)
        %dma_start3A_430 = arith.constant 0 : i32
        %dma_start3A_431 = arith.constant 0 : i32
        %dma_start3A_432 = arith.constant 0 : i32
        %dma_start3A_433 = tpu.memref_slice %arg11[%dma_start3A_430, %dma_start3A_431, %dma_start3A_432] : memref<1x1x96xi32, #tpu.memory_space<vmem>> -> memref<1x1x96xi32, #tpu.memory_space<vmem>>
        %dma_start3A_434 = tpu.memref_squeeze %dma_start3A_433 : memref<1x1x96xi32, #tpu.memory_space<vmem>> -> memref<96xi32, #tpu.memory_space<vmem>>
        %dma_start3A_435 = arith.constant 0 : i32
        %dma_start3A_436 = arith.constant 0 : i32
        %dma_start3A_437 = tpu.memref_slice %arg3[%dma_start3A_435, %dma_start3A_436] : memref<10240x128xf32, #tpu.memory_space<hbm>> -> memref<10240x128xf32, #tpu.memory_space<hbm>>
        tpu.enqueue_indirect_dma source(%dma_start3A_437 : memref<10240x128xf32, #tpu.memory_space<hbm>>) target(%arg17 : memref<96x128xf32, #tpu.memory_space<vmem>>) offsets(%dma_start3A_434 : memref<96xi32, #tpu.memory_space<vmem>>) semaphore(%arg21 : memref<!tpu.dma_semaphore, #tpu.memory_space<semaphore_mem>>)
      }
      %scan3A_177 = arith.constant 69 : i32
      %dma_wait3A_178 = arith.constant 0 : i32
      %dma_wait3A_179 = arith.constant 0 : i32
      %dma_wait3A_180 = arith.constant 0 : i32
      %dma_wait3A_181 = tpu.memref_slice %arg9[%dma_wait3A_178, %dma_wait3A_179, %dma_wait3A_180] : memref<1x1x96xi32, #tpu.memory_space<vmem>> -> memref<1x1x96xi32, #tpu.memory_space<vmem>>
      %dma_wait3A_182 = tpu.memref_squeeze %dma_wait3A_181 : memref<1x1x96xi32, #tpu.memory_space<vmem>> -> memref<96xi32, #tpu.memory_space<vmem>>
      %dma_wait3A_183 = arith.constant 0 : i32
      %dma_wait3A_184 = arith.constant 0 : i32
      %dma_wait3A_185 = tpu.memref_slice %arg3[%dma_wait3A_183, %dma_wait3A_184] : memref<10240x128xf32, #tpu.memory_space<hbm>> -> memref<10240x128xf32, #tpu.memory_space<hbm>>
      tpu.wait_indirect_dma semaphore(%arg21 : memref<!tpu.dma_semaphore, #tpu.memory_space<semaphore_mem>>) src(%dma_wait3A_185 : memref<10240x128xf32, #tpu.memory_space<hbm>>) dst(%arg17 : memref<96x128xf32, #tpu.memory_space<vmem>>)
      %dma_wait3A_186 = arith.constant 0 : i32
      %dma_wait3A_187 = arith.constant 0 : i32
      %dma_wait3A_188 = tpu.memref_slice %arg5[%mul3A_21, %dma_wait3A_186, %dma_wait3A_187] : memref<3360x1x96xi32, #tpu.memory_space<hbm>> -> memref<1x1x96xi32, #tpu.memory_space<hbm>>
      %dma_wait3A_189 = arith.constant 0 : i32
      %dma_wait3A_190 = arith.constant 0 : i32
      %dma_wait3A_191 = tpu.memref_slice %arg5[%mul3A_21, %dma_wait3A_189, %dma_wait3A_190] : memref<3360x1x96xi32, #tpu.memory_space<hbm>> -> memref<1x1x96xi32, #tpu.memory_space<hbm>>
      tpu.wait_dma2 semaphore(%arg30 : memref<!tpu.dma_semaphore, #tpu.memory_space<semaphore_mem>>) src(%dma_wait3A_191 : memref<1x1x96xi32, #tpu.memory_space<hbm>>) dst(%arg14 : memref<1x1x96xi32, #tpu.memory_space<vmem>>)
      %dma_start3A_192 = arith.constant 0 : i32
      %dma_start3A_193 = arith.constant 0 : i32
      %dma_start3A_194 = arith.constant 0 : i32
      %dma_start3A_195 = tpu.memref_slice %arg14[%dma_start3A_192, %dma_start3A_193, %dma_start3A_194] : memref<1x1x96xi32, #tpu.memory_space<vmem>> -> memref<1x1x96xi32, #tpu.memory_space<vmem>>
      %dma_start3A_196 = tpu.memref_squeeze %dma_start3A_195 : memref<1x1x96xi32, #tpu.memory_space<vmem>> -> memref<96xi32, #tpu.memory_space<vmem>>
      %dma_start3A_197 = arith.constant 0 : i32
      %dma_start3A_198 = arith.constant 0 : i32
      %dma_start3A_199 = tpu.memref_slice %arg8[%dma_start3A_197, %dma_start3A_198] : memref<10240x128xf32, #tpu.memory_space<vmem_shared>> -> memref<10240x128xf32, #tpu.memory_space<vmem_shared>>
      tpu.enqueue_indirect_dma source(%arg17 : memref<96x128xf32, #tpu.memory_space<vmem>>) target(%dma_start3A_199 : memref<10240x128xf32, #tpu.memory_space<vmem_shared>>) offsets(%dma_start3A_196 : memref<96xi32, #tpu.memory_space<vmem>>) semaphore(%arg24 : memref<!tpu.dma_semaphore, #tpu.memory_space<semaphore_mem>>) {add = true}
      %dma_wait3A_200 = arith.constant 0 : i32
      %dma_wait3A_201 = arith.constant 0 : i32
      %dma_wait3A_202 = arith.constant 0 : i32
      %dma_wait3A_203 = tpu.memref_slice %arg12[%dma_wait3A_200, %dma_wait3A_201, %dma_wait3A_202] : memref<1x1x96xi32, #tpu.memory_space<vmem>> -> memref<1x1x96xi32, #tpu.memory_space<vmem>>
      %dma_wait3A_204 = tpu.memref_squeeze %dma_wait3A_203 : memref<1x1x96xi32, #tpu.memory_space<vmem>> -> memref<96xi32, #tpu.memory_space<vmem>>
      %dma_wait3A_205 = arith.constant 0 : i32
      %dma_wait3A_206 = arith.constant 0 : i32
      %dma_wait3A_207 = tpu.memref_slice %arg8[%dma_wait3A_205, %dma_wait3A_206] : memref<10240x128xf32, #tpu.memory_space<vmem_shared>> -> memref<10240x128xf32, #tpu.memory_space<vmem_shared>>
      tpu.wait_indirect_dma semaphore(%arg22 : memref<!tpu.dma_semaphore, #tpu.memory_space<semaphore_mem>>) src(%arg15 : memref<96x128xf32, #tpu.memory_space<vmem>>) dst(%dma_wait3A_207 : memref<10240x128xf32, #tpu.memory_space<vmem_shared>>)
      %dma_wait3A_208 = arith.constant 0 : i32
      %dma_wait3A_209 = arith.constant 0 : i32
      %dma_wait3A_210 = arith.constant 0 : i32
      %dma_wait3A_211 = tpu.memref_slice %arg12[%dma_wait3A_208, %dma_wait3A_209, %dma_wait3A_210] : memref<1x1x96xi32, #tpu.memory_space<vmem>> -> memref<1x1x96xi32, #tpu.memory_space<vmem>>
      %dma_wait3A_212 = tpu.memref_squeeze %dma_wait3A_211 : memref<1x1x96xi32, #tpu.memory_space<vmem>> -> memref<96xi32, #tpu.memory_space<vmem>>
      %dma_wait3A_213 = arith.constant 0 : i32
      %dma_wait3A_214 = arith.constant 0 : i32
      %dma_wait3A_215 = tpu.memref_slice %arg8[%dma_wait3A_213, %dma_wait3A_214] : memref<10240x128xf32, #tpu.memory_space<vmem_shared>> -> memref<10240x128xf32, #tpu.memory_space<vmem_shared>>
      tpu.wait_indirect_dma semaphore(%arg23 : memref<!tpu.dma_semaphore, #tpu.memory_space<semaphore_mem>>) src(%arg16 : memref<96x128xf32, #tpu.memory_space<vmem>>) dst(%dma_wait3A_215 : memref<10240x128xf32, #tpu.memory_space<vmem_shared>>)
      %dma_wait3A_216 = arith.constant 0 : i32
      %dma_wait3A_217 = arith.constant 0 : i32
      %dma_wait3A_218 = arith.constant 0 : i32
      %dma_wait3A_219 = tpu.memref_slice %arg12[%dma_wait3A_216, %dma_wait3A_217, %dma_wait3A_218] : memref<1x1x96xi32, #tpu.memory_space<vmem>> -> memref<1x1x96xi32, #tpu.memory_space<vmem>>
      %dma_wait3A_220 = tpu.memref_squeeze %dma_wait3A_219 : memref<1x1x96xi32, #tpu.memory_space<vmem>> -> memref<96xi32, #tpu.memory_space<vmem>>
      %dma_wait3A_221 = arith.constant 0 : i32
      %dma_wait3A_222 = arith.constant 0 : i32
      %dma_wait3A_223 = tpu.memref_slice %arg8[%dma_wait3A_221, %dma_wait3A_222] : memref<10240x128xf32, #tpu.memory_space<vmem_shared>> -> memref<10240x128xf32, #tpu.memory_space<vmem_shared>>
      tpu.wait_indirect_dma semaphore(%arg24 : memref<!tpu.dma_semaphore, #tpu.memory_space<semaphore_mem>>) src(%arg17 : memref<96x128xf32, #tpu.memory_space<vmem>>) dst(%dma_wait3A_223 : memref<10240x128xf32, #tpu.memory_space<vmem_shared>>)
      %dma_wait3A_224 = arith.constant 0 : i32
      %dma_wait3A_225 = arith.constant 0 : i32
      %dma_wait3A_226 = tpu.memref_slice %arg4[%mul3A_21, %dma_wait3A_224, %dma_wait3A_225] : memref<3360x1x96xi32, #tpu.memory_space<hbm>> -> memref<1x1x96xi32, #tpu.memory_space<hbm>>
      %dma_wait3A_227 = arith.constant 0 : i32
      %dma_wait3A_228 = arith.constant 0 : i32
      %dma_wait3A_229 = tpu.memref_slice %arg4[%mul3A_21, %dma_wait3A_227, %dma_wait3A_228] : memref<3360x1x96xi32, #tpu.memory_space<hbm>> -> memref<1x1x96xi32, #tpu.memory_space<hbm>>
      tpu.wait_dma2 semaphore(%arg25 : memref<!tpu.dma_semaphore, #tpu.memory_space<semaphore_mem>>) src(%dma_wait3A_229 : memref<1x1x96xi32, #tpu.memory_space<hbm>>) dst(%arg9 : memref<1x1x96xi32, #tpu.memory_space<vmem>>)
      %dma_wait3A_230 = arith.constant 0 : i32
      %dma_wait3A_231 = arith.constant 0 : i32
      %dma_wait3A_232 = tpu.memref_slice %arg4[%mul3A_21, %dma_wait3A_230, %dma_wait3A_231] : memref<3360x1x96xi32, #tpu.memory_space<hbm>> -> memref<1x1x96xi32, #tpu.memory_space<hbm>>
      %dma_wait3A_233 = arith.constant 0 : i32
      %dma_wait3A_234 = arith.constant 0 : i32
      %dma_wait3A_235 = tpu.memref_slice %arg4[%mul3A_21, %dma_wait3A_233, %dma_wait3A_234] : memref<3360x1x96xi32, #tpu.memory_space<hbm>> -> memref<1x1x96xi32, #tpu.memory_space<hbm>>
      tpu.wait_dma2 semaphore(%arg26 : memref<!tpu.dma_semaphore, #tpu.memory_space<semaphore_mem>>) src(%dma_wait3A_235 : memref<1x1x96xi32, #tpu.memory_space<hbm>>) dst(%arg10 : memref<1x1x96xi32, #tpu.memory_space<vmem>>)
      %barrier3A_236 = arith.constant 0 : index
      tpu.barrier barrier_id(%barrier3A_236)
      "tpu.region"() ({
        %run_scoped3A = tpu.sem_alloc : memref<!tpu.dma_semaphore, #tpu.memory_space<semaphore_mem>>
        %dma_start3A_237 = arith.constant 0 : i32
        %dma_start3A_238 = tpu.memref_slice %arg7[%mul3A_0, %dma_start3A_237] : memref<10240x128xf32, #tpu.memory_space<hbm>> -> memref<640x128xf32, #tpu.memory_space<hbm>>
        %dma_start3A_239 = arith.constant 0 : i32
        %dma_start3A_240 = tpu.memref_slice %arg8[%mul3A_0, %dma_start3A_239] : memref<10240x128xf32, #tpu.memory_space<vmem_shared>> -> memref<640x128xf32, #tpu.memory_space<vmem_shared>>
        tpu.enqueue_dma source(%dma_start3A_240 : memref<640x128xf32, #tpu.memory_space<vmem_shared>>) target(%dma_start3A_238 : memref<640x128xf32, #tpu.memory_space<hbm>>) target_semaphore(%run_scoped3A : memref<!tpu.dma_semaphore, #tpu.memory_space<semaphore_mem>>)
        %dma_wait3A_241 = arith.constant 0 : i32
        %dma_wait3A_242 = tpu.memref_slice %arg7[%mul3A_0, %dma_wait3A_241] : memref<10240x128xf32, #tpu.memory_space<hbm>> -> memref<640x128xf32, #tpu.memory_space<hbm>>
        %dma_wait3A_243 = arith.constant 0 : i32
        %dma_wait3A_244 = tpu.memref_slice %arg8[%mul3A_0, %dma_wait3A_243] : memref<10240x128xf32, #tpu.memory_space<vmem_shared>> -> memref<640x128xf32, #tpu.memory_space<vmem_shared>>
        tpu.wait_dma2 semaphore(%run_scoped3A : memref<!tpu.dma_semaphore, #tpu.memory_space<semaphore_mem>>) src(%dma_wait3A_244 : memref<640x128xf32, #tpu.memory_space<vmem_shared>>) dst(%dma_wait3A_242 : memref<640x128xf32, #tpu.memory_space<hbm>>)
        tpu.yield
      }) : () -> ()
    } else {
    }
    return
  }
}

module attributes {stable_mosaic.version = 14 : i64} {
  func.func @_prep_body(%arg0: i32, %arg1: memref<64x2048xf32, #tpu.memory_space<vmem>>, %arg2: memref<2048x128xf32, #tpu.memory_space<vmem>>, %arg3: memref<2048x128xf32, #tpu.memory_space<vmem>>, %arg4: memref<2048x1xf32, #tpu.memory_space<vmem>>, %arg5: memref<2048x1xf32, #tpu.memory_space<vmem>>) attributes {dimension_semantics = [#tpu.dimension_semantics<arbitrary>], iteration_bounds = array<i64: 5>, scalar_prefetch = 0 : i64, scratch_operands = 0 : i64, tpu.core_type = #tpu.core_type<tc>, window_params = [{transform_indices = @transform_0, window_bounds = array<i64: 64, 2048>}, {transform_indices = @transform_1, window_bounds = array<i64: 2048, 128>}, {transform_indices = @transform_2, window_bounds = array<i64: 2048, 128>}, {transform_indices = @transform_3, window_bounds = array<i64: 2048, 1>}, {transform_indices = @transform_4, window_bounds = array<i64: 2048, 1>}]} {
    %get3A = arith.constant 0 : index
    %get3A_0 = arith.constant 0 : index
    %get3A_1 = vector.load %arg1[%get3A, %get3A_0] : memref<64x2048xf32, #tpu.memory_space<vmem>>, vector<64x2048xf32>
    %slice3A = vector.extract_strided_slice %get3A_1 {offsets = [0, 0], sizes = [32, 2048], strides = [1, 1]} : vector<64x2048xf32> to vector<32x2048xf32>
    %reduce_sum3A = arith.constant dense<0.000000e+00> : vector<2048xf32>
    %reduce_sum3A_2 = vector.multi_reduction <add>, %slice3A, %reduce_sum3A [0] : vector<32x2048xf32> to vector<2048xf32>
    %slice3A_3 = vector.extract_strided_slice %get3A_1 {offsets = [32, 0], sizes = [32, 2048], strides = [1, 1]} : vector<64x2048xf32> to vector<32x2048xf32>
    %reduce_sum3A_4 = arith.constant dense<0.000000e+00> : vector<2048xf32>
    %reduce_sum3A_5 = vector.multi_reduction <add>, %slice3A_3, %reduce_sum3A_4 [0] : vector<32x2048xf32> to vector<2048xf32>
    %max3A = arith.constant 1.000000e+00 : f32
    %max3A_6 = vector.broadcast %max3A : f32 to vector<2048xf32>
    %max3A_7 = arith.maximumf %reduce_sum3A_2, %max3A_6 : vector<2048xf32>
    %rsqrt3A = math.rsqrt %max3A_7 : vector<2048xf32>
    %broadcast_in_dim3A = vector.shape_cast %rsqrt3A : vector<2048xf32> to vector<2048x1xf32>
    %max3A_8 = arith.constant 1.000000e+00 : f32
    %max3A_9 = vector.broadcast %max3A_8 : f32 to vector<2048xf32>
    %max3A_10 = arith.maximumf %reduce_sum3A_5, %max3A_9 : vector<2048xf32>
    %rsqrt3A_11 = math.rsqrt %max3A_10 : vector<2048xf32>
    %broadcast_in_dim3A_12 = vector.shape_cast %rsqrt3A_11 : vector<2048xf32> to vector<2048x1xf32>
    %swap3A = arith.constant 0 : index
    %swap3A_13 = arith.constant 0 : index
    %swap3A_14 = vector.load %arg4[%swap3A, %swap3A_13] : memref<2048x1xf32, #tpu.memory_space<vmem>>, vector<2048x1xf32>
    tpu.vector_store %arg4[%swap3A, %swap3A_13], %broadcast_in_dim3A {strides = array<i32>} : memref<2048x1xf32, #tpu.memory_space<vmem>>, vector<2048x1xf32>,
    %swap3A_15 = arith.constant 0 : index
    %swap3A_16 = arith.constant 0 : index
    %swap3A_17 = vector.load %arg5[%swap3A_15, %swap3A_16] : memref<2048x1xf32, #tpu.memory_space<vmem>>, vector<2048x1xf32>
    tpu.vector_store %arg5[%swap3A_15, %swap3A_16], %broadcast_in_dim3A_12 {strides = array<i32>} : memref<2048x1xf32, #tpu.memory_space<vmem>>, vector<2048x1xf32>,
    %get3A_18 = arith.constant 0 : index
    %get3A_19 = arith.constant 0 : index
    %get3A_20 = vector.load %arg2[%get3A_18, %get3A_19] : memref<2048x128xf32, #tpu.memory_space<vmem>>, vector<2048x128xf32>
    %mul3A = vector.broadcast %broadcast_in_dim3A : vector<2048x1xf32> to vector<2048x128xf32>
    %mul3A_21 = arith.mulf %get3A_20, %mul3A : vector<2048x128xf32>
    %swap3A_22 = arith.constant 0 : index
    %swap3A_23 = arith.constant 0 : index
    %swap3A_24 = vector.load %arg3[%swap3A_22, %swap3A_23] : memref<2048x128xf32, #tpu.memory_space<vmem>>, vector<2048x128xf32>
    tpu.vector_store %arg3[%swap3A_22, %swap3A_23], %mul3A_21 {strides = array<i32>} : memref<2048x128xf32, #tpu.memory_space<vmem>>, vector<2048x128xf32>,
    return
  }
  func.func @transform_0(%arg0: i32) -> (i32, i32) {
    %c0_i32 = arith.constant 0 : i32
    %c0_i32_0 = arith.constant 0 : i32
    return %c0_i32, %arg0 : i32, i32
  }
  func.func @transform_1(%arg0: i32) -> (i32, i32) {
    %c0_i32 = arith.constant 0 : i32
    %c0_i32_0 = arith.constant 0 : i32
    return %arg0, %c0_i32 : i32, i32
  }
  func.func @transform_2(%arg0: i32) -> (i32, i32) {
    %c0_i32 = arith.constant 0 : i32
    %c0_i32_0 = arith.constant 0 : i32
    return %arg0, %c0_i32 : i32, i32
  }
  func.func @transform_3(%arg0: i32) -> (i32, i32) {
    %c0_i32 = arith.constant 0 : i32
    %c0_i32_0 = arith.constant 0 : i32
    return %arg0, %c0_i32 : i32, i32
  }
  func.func @transform_4(%arg0: i32) -> (i32, i32) {
    %c0_i32 = arith.constant 0 : i32
    %c0_i32_0 = arith.constant 0 : i32
    return %arg0, %c0_i32 : i32, i32
  }
}

module attributes {stable_mosaic.version = 14 : i64} {
  func.func @_mlp_body(%arg0: i32, %arg1: memref<2048x128xf32, #tpu.memory_space<vmem>>, %arg2: memref<2048x128xf32, #tpu.memory_space<vmem>>, %arg3: memref<2048x1xf32, #tpu.memory_space<vmem>>, %arg4: memref<2048x1xf32, #tpu.memory_space<vmem>>, %arg5: memref<128x512xf32, #tpu.memory_space<vmem>>, %arg6: memref<1x512xf32, #tpu.memory_space<vmem>>, %arg7: memref<512x256xf32, #tpu.memory_space<vmem>>, %arg8: memref<2048x128xf32, #tpu.memory_space<vmem>>, %arg9: memref<2048x128xf32, #tpu.memory_space<vmem>>) attributes {dimension_semantics = [#tpu.dimension_semantics<arbitrary>], iteration_bounds = array<i64: 5>, scalar_prefetch = 0 : i64, scratch_operands = 0 : i64, tpu.core_type = #tpu.core_type<tc>, window_params = [{transform_indices = @transform_0, window_bounds = array<i64: 2048, 128>}, {transform_indices = @transform_1, window_bounds = array<i64: 2048, 128>}, {transform_indices = @transform_2, window_bounds = array<i64: 2048, 1>}, {transform_indices = @transform_3, window_bounds = array<i64: 2048, 1>}, {pipeline_mode = #tpu.pipeline_mode<synchronous>, transform_indices = @transform_4, window_bounds = array<i64: 128, 512>}, {pipeline_mode = #tpu.pipeline_mode<synchronous>, transform_indices = @transform_5, window_bounds = array<i64: 1, 512>}, {pipeline_mode = #tpu.pipeline_mode<synchronous>, transform_indices = @transform_6, window_bounds = array<i64: 512, 256>}, {transform_indices = @transform_7, window_bounds = array<i64: 2048, 128>}, {transform_indices = @transform_8, window_bounds = array<i64: 2048, 128>}]} {
    %get3A = arith.constant 0 : index
    %get3A_0 = arith.constant 0 : index
    %get3A_1 = vector.load %arg1[%get3A, %get3A_0] : memref<2048x128xf32, #tpu.memory_space<vmem>>, vector<2048x128xf32>
    %get3A_2 = arith.constant 0 : index
    %get3A_3 = arith.constant 0 : index
    %get3A_4 = vector.load %arg2[%get3A_2, %get3A_3] : memref<2048x128xf32, #tpu.memory_space<vmem>>, vector<2048x128xf32>
    %add3A = arith.addf %get3A_1, %get3A_4 : vector<2048x128xf32>
    %get3A_5 = arith.constant 0 : index
    %get3A_6 = arith.constant 0 : index
    %get3A_7 = vector.load %arg4[%get3A_5, %get3A_6] : memref<2048x1xf32, #tpu.memory_space<vmem>>, vector<2048x1xf32>
    %mul3A = vector.broadcast %get3A_7 : vector<2048x1xf32> to vector<2048x128xf32>
    %mul3A_8 = arith.mulf %add3A, %mul3A : vector<2048x128xf32>
    %get3A_9 = arith.constant 0 : index
    %get3A_10 = arith.constant 0 : index
    %get3A_11 = vector.load %arg5[%get3A_9, %get3A_10] : memref<128x512xf32, #tpu.memory_space<vmem>>, vector<128x512xf32>
    %dot_general3A = arith.constant dense<0.000000e+00> : vector<2048x512xf32>
    %dot_general3A_12 = tpu.matmul %mul3A_8, %get3A_11, %dot_general3A {dimension_numbers = #tpu.dot_dimension_numbers<[1], [0], [0], [1], [0, 0, 1, 1], [], []>, transpose_lhs_hint = false} : vector<2048x128xf32>, vector<128x512xf32>, vector<2048x512xf32> -> vector<2048x512xf32>
    %get3A_13 = arith.constant 0 : index
    %get3A_14 = arith.constant 0 : index
    %get3A_15 = vector.load %arg6[%get3A_13, %get3A_14] : memref<1x512xf32, #tpu.memory_space<vmem>>, vector<1x512xf32>
    %add3A_16 = vector.broadcast %get3A_15 : vector<1x512xf32> to vector<2048x512xf32>
    %add3A_17 = arith.addf %dot_general3A_12, %add3A_16 : vector<2048x512xf32>
    %max3A = arith.constant 0.000000e+00 : f32
    %max3A_18 = vector.broadcast %max3A : f32 to vector<2048x512xf32>
    %max3A_19 = arith.maximumf %add3A_17, %max3A_18 : vector<2048x512xf32>
    %get3A_20 = arith.constant 0 : index
    %get3A_21 = arith.constant 0 : index
    %get3A_22 = vector.load %arg3[%get3A_20, %get3A_21] : memref<2048x1xf32, #tpu.memory_space<vmem>>, vector<2048x1xf32>
    %mul3A_23 = vector.broadcast %get3A_22 : vector<2048x1xf32> to vector<2048x512xf32>
    %mul3A_24 = arith.mulf %max3A_19, %mul3A_23 : vector<2048x512xf32>
    %get3A_25 = arith.constant 0 : index
    %get3A_26 = arith.constant 0 : index
    %get3A_27 = vector.load %arg7[%get3A_25, %get3A_26] : memref<512x256xf32, #tpu.memory_space<vmem>>, vector<512x256xf32>
    %dot_general3A_28 = arith.constant dense<0.000000e+00> : vector<2048x256xf32>
    %dot_general3A_29 = tpu.matmul %mul3A_24, %get3A_27, %dot_general3A_28 {dimension_numbers = #tpu.dot_dimension_numbers<[1], [0], [0], [1], [0, 0, 1, 1], [], []>, transpose_lhs_hint = false} : vector<2048x512xf32>, vector<512x256xf32>, vector<2048x256xf32> -> vector<2048x256xf32>
    %slice3A = vector.extract_strided_slice %dot_general3A_29 {offsets = [0, 0], sizes = [2048, 128], strides = [1, 1]} : vector<2048x256xf32> to vector<2048x128xf32>
    %swap3A = arith.constant 0 : index
    %swap3A_30 = arith.constant 0 : index
    %swap3A_31 = vector.load %arg8[%swap3A, %swap3A_30] : memref<2048x128xf32, #tpu.memory_space<vmem>>, vector<2048x128xf32>
    tpu.vector_store %arg8[%swap3A, %swap3A_30], %slice3A {strides = array<i32>} : memref<2048x128xf32, #tpu.memory_space<vmem>>, vector<2048x128xf32>,
    %slice3A_32 = vector.extract_strided_slice %dot_general3A_29 {offsets = [0, 128], sizes = [2048, 128], strides = [1, 1]} : vector<2048x256xf32> to vector<2048x128xf32>
    %swap3A_33 = arith.constant 0 : index
    %swap3A_34 = arith.constant 0 : index
    %swap3A_35 = vector.load %arg9[%swap3A_33, %swap3A_34] : memref<2048x128xf32, #tpu.memory_space<vmem>>, vector<2048x128xf32>
    tpu.vector_store %arg9[%swap3A_33, %swap3A_34], %slice3A_32 {strides = array<i32>} : memref<2048x128xf32, #tpu.memory_space<vmem>>, vector<2048x128xf32>,
    return
  }
  func.func @transform_0(%arg0: i32) -> (i32, i32) {
    %c0_i32 = arith.constant 0 : i32
    %c0_i32_0 = arith.constant 0 : i32
    return %arg0, %c0_i32 : i32, i32
  }
  func.func @transform_1(%arg0: i32) -> (i32, i32) {
    %c0_i32 = arith.constant 0 : i32
    %c0_i32_0 = arith.constant 0 : i32
    return %arg0, %c0_i32 : i32, i32
  }
  func.func @transform_2(%arg0: i32) -> (i32, i32) {
    %c0_i32 = arith.constant 0 : i32
    %c0_i32_0 = arith.constant 0 : i32
    return %arg0, %c0_i32 : i32, i32
  }
  func.func @transform_3(%arg0: i32) -> (i32, i32) {
    %c0_i32 = arith.constant 0 : i32
    %c0_i32_0 = arith.constant 0 : i32
    return %arg0, %c0_i32 : i32, i32
  }
  func.func @transform_4(%arg0: i32) -> (i32, i32) {
    %c0_i32 = arith.constant 0 : i32
    %c0_i32_0 = arith.constant 0 : i32
    %c0_i32_1 = arith.constant 0 : i32
    return %c0_i32, %c0_i32_0 : i32, i32
  }
  func.func @transform_5(%arg0: i32) -> (i32, i32) {
    %c0_i32 = arith.constant 0 : i32
    %c0_i32_0 = arith.constant 0 : i32
    %c0_i32_1 = arith.constant 0 : i32
    return %c0_i32, %c0_i32_0 : i32, i32
  }
  func.func @transform_6(%arg0: i32) -> (i32, i32) {
    %c0_i32 = arith.constant 0 : i32
    %c0_i32_0 = arith.constant 0 : i32
    %c0_i32_1 = arith.constant 0 : i32
    return %c0_i32, %c0_i32_0 : i32, i32
  }
  func.func @transform_7(%arg0: i32) -> (i32, i32) {
    %c0_i32 = arith.constant 0 : i32
    %c0_i32_0 = arith.constant 0 : i32
    return %arg0, %c0_i32 : i32, i32
  }
  func.func @transform_8(%arg0: i32) -> (i32, i32) {
    %c0_i32 = arith.constant 0 : i32
    %c0_i32_0 = arith.constant 0 : i32
    return %arg0, %c0_i32 : i32, i32
  }
}

module attributes {stable_mosaic.version = 14 : i64} {
  func.func @_fin_body(%arg0: i32, %arg1: memref<2000x128xf32, #tpu.memory_space<vmem>>, %arg2: memref<2000x128xf32, #tpu.memory_space<vmem>>, %arg3: memref<2000x1xf32, #tpu.memory_space<vmem>>, %arg4: memref<1x256xf32, #tpu.memory_space<vmem>>, %arg5: memref<2000x256xf32, #tpu.memory_space<vmem>>) attributes {dimension_semantics = [#tpu.dimension_semantics<arbitrary>], iteration_bounds = array<i64: 5>, scalar_prefetch = 0 : i64, scratch_operands = 0 : i64, tpu.core_type = #tpu.core_type<tc>, window_params = [{transform_indices = @transform_0, window_bounds = array<i64: 2000, 128>}, {transform_indices = @transform_1, window_bounds = array<i64: 2000, 128>}, {transform_indices = @transform_2, window_bounds = array<i64: 2000, 1>}, {pipeline_mode = #tpu.pipeline_mode<synchronous>, transform_indices = @transform_3, window_bounds = array<i64: 1, 256>}, {transform_indices = @transform_4, window_bounds = array<i64: 2000, 256>}]} {
    %get3A = arith.constant 0 : index
    %get3A_0 = arith.constant 0 : index
    %get3A_1 = vector.load %arg1[%get3A, %get3A_0] : memref<2000x128xf32, #tpu.memory_space<vmem>>, vector<2000x128xf32>
    %get3A_2 = arith.constant 0 : index
    %get3A_3 = arith.constant 0 : index
    %get3A_4 = vector.load %arg2[%get3A_2, %get3A_3] : memref<2000x128xf32, #tpu.memory_space<vmem>>, vector<2000x128xf32>
    %concatenate3A = tpu.concatenate %get3A_1, %get3A_4 in 1 : vector<2000x128xf32>, vector<2000x128xf32> -> vector<2000x256xf32>
    %get3A_5 = arith.constant 0 : index
    %get3A_6 = arith.constant 0 : index
    %get3A_7 = vector.load %arg3[%get3A_5, %get3A_6] : memref<2000x1xf32, #tpu.memory_space<vmem>>, vector<2000x1xf32>
    %mul3A = vector.broadcast %get3A_7 : vector<2000x1xf32> to vector<2000x256xf32>
    %mul3A_8 = arith.mulf %concatenate3A, %mul3A : vector<2000x256xf32>
    %get3A_9 = arith.constant 0 : index
    %get3A_10 = arith.constant 0 : index
    %get3A_11 = vector.load %arg4[%get3A_9, %get3A_10] : memref<1x256xf32, #tpu.memory_space<vmem>>, vector<1x256xf32>
    %add3A = vector.broadcast %get3A_11 : vector<1x256xf32> to vector<2000x256xf32>
    %add3A_12 = arith.addf %mul3A_8, %add3A : vector<2000x256xf32>
    %swap3A = arith.constant 0 : index
    %swap3A_13 = arith.constant 0 : index
    %swap3A_14 = vector.load %arg5[%swap3A, %swap3A_13] : memref<2000x256xf32, #tpu.memory_space<vmem>>, vector<2000x256xf32>
    tpu.vector_store %arg5[%swap3A, %swap3A_13], %add3A_12 {strides = array<i32>} : memref<2000x256xf32, #tpu.memory_space<vmem>>, vector<2000x256xf32>,
    return
  }
  func.func @transform_0(%arg0: i32) -> (i32, i32) {
    %c0_i32 = arith.constant 0 : i32
    %c0_i32_0 = arith.constant 0 : i32
    return %arg0, %c0_i32 : i32, i32
  }
  func.func @transform_1(%arg0: i32) -> (i32, i32) {
    %c0_i32 = arith.constant 0 : i32
    %c0_i32_0 = arith.constant 0 : i32
    return %arg0, %c0_i32 : i32, i32
  }
  func.func @transform_2(%arg0: i32) -> (i32, i32) {
    %c0_i32 = arith.constant 0 : i32
    %c0_i32_0 = arith.constant 0 : i32
    return %arg0, %c0_i32 : i32, i32
  }
  func.func @transform_3(%arg0: i32) -> (i32, i32) {
    %c0_i32 = arith.constant 0 : i32
    %c0_i32_0 = arith.constant 0 : i32
    %c0_i32_1 = arith.constant 0 : i32
    return %c0_i32, %c0_i32_0 : i32, i32
  }
  func.func @transform_4(%arg0: i32) -> (i32, i32) {
    %c0_i32 = arith.constant 0 : i32
    %c0_i32_0 = arith.constant 0 : i32
    return %arg0, %c0_i32 : i32, i32
  }
}

</mosaic_0001>

<sc_bundles>
// kernel: kernel.11.cloned.1.call-start
scs
__scs_entry_jumppad:
0x0: {  	(pc) =	sbr.rel $0x88, $3  }
0x1: {  	(tag) =	ssettag $0x0;
	lr =	simm.s32 $0x1  }
0x2: {  	[smem:$0x3F9B] =	sst lr;
	_ =	strace $0xD0000000  }
0x3: {  	_ = 	snop  }
0x4: {  	_ = 	snop  }
0x5: {  	_ = 	snop  }
0x6: {  	_ = 	snop  }
0x7: {  	_ = 	snop  }
__scs_overlays_trampoline_lowered:
0x8: {  	[smem:$0x3FAA] =	sst s0  }
0x9: {  	[smem:$0x3FAB] =	sst s1  }
0xa: {  	[smem:$0x3FAC] =	sst s2  }
0xb: {  	[smem:$0x3FAD] =	sst s3  }
0xc: {  	[smem:$0x3FAE] =	sst s4  }
0xd: {  	[smem:$0x3FAF] =	sst s5  }
0xe: {  	[smem:$0x3FB0] =	sst s6  }
0xf: {  	[smem:$0x3FB1] =	sst s7  }
0x10: {  	[smem:$0x3FB2] =	sst s8  }
0x11: {  	[smem:$0x3FB3] =	sst s9;
	s0 =	simm.s32 @!p0 $0x0  }
0x12: {  	s1 =	sld [smem:$0x3F99];
	s0 =	simm.s32 @p0 $0x1  }
0x13: {  	[smem:$0x3FB4] =	sst s0;
	s0 =	simm.s32 @!p1 $0x0  }
0x14: {  	s2 =	sld [smem:$0x3F98];
	s0 =	simm.s32 @p1 $0x1  }
0x15: {  	[smem:$0x3FB5] =	sst s0;
	s0 =	simm.s32 @!p2 $0x0  }
0x16: {  	s3 =	sld [smem:$0x3FDB];
	s0 =	simm.s32 @p2 $0x1  }
0x17: {  	s4 =	simm.s32 $0x1BF5;
	[smem:$0x3FB7] =	sst s0  }
0x18: {  	s0 =	sld [smem:$0x3F9A];
	_ =	swait.ge [sflag:s4], $0x0  }
0x19: {  	s7 =	sld [smem:$0x3F9B]  }
0x1a: {  	s8 =	sadd.s32 $0xFFFFE003, lr  }
0x1b: {  	s9 =	sadd.s32 $0xFFFFFEF7, lr;
	s5 =	simm.s32 $0xFFFFFFFF;
	p2 =	slt.u32 s8, $0xFFFFF086  }
0x1c: {  	p1 =	slt.u32 s9, $0xF7A;
	s5 =	simm.s32 @!p2 $0x0  }
0x1d: {  	s5 =	simm.s32 @p1 $0x1;
	p0 =	seq.s32 s7, s2  }
0x1e: {  	s7 =	smul.u32 @!p0 $0xF7A, s2;
	p2 =	seq.s32 @!p0 s5, $0x0  }
0x1f: {  	s9 =	smul.u32 $0xF7A, s1;
	s8 =	simm.s32 @!p0 $0x1BF5;
	p2 =	por !p2, p0  }
0x20: {  	[sflag:s8] =	ssyncset.s32 @!p0 $0xFFFFF086;
	s6 =	sadd.s32 @!p0 s3, s7;
	s7 =	simm.s32 @!p0 $0x108  }
0x21: {  	s3 =	sadd.s32 s3, s9;
	s6 =	sadd.s32 @!p0 $0x88, s6;
	s7 =	simm.s32 @p2 $0x1082  }
0x22: {  	[simem:s7], [sflag:s8] =	dma.local @!p0 [hbm:s6], $0xF7A  }
0x23: {  	s9 =	sor.u32 $0xD0000000, s2;
	s6 =	simm.s32 $0x108;
	_ =	swait.ge @!p0 [sflag:s8], $0x0  }
0x24: {  	s3 =	sadd.s32 $0x88, s3;
	s6 =	simm.s32 @!p1 $0x1082;
	[sflag:s4] =	ssyncset.s32 $0xFFFFF086  }
0x25: {  	[simem:s6], [sflag:s4] =	dma.local [hbm:s3], $0xF7A  }
0x26: {  	[smem:$0x3F9B] =	sst s1;
	(tag) =	ssettag s2;
	_ =	strace s9  }
0x27: {  	s1 =	sld [smem:$0x3FAB]  }
0x28: {  	s2 =	sld [smem:$0x3FAC]  }
0x29: {  	s4 =	sld [smem:$0x3FAE]  }
0x2a: {  	p0 =	seq.s32 s5, $0x0;
	s5 =	sld [smem:$0x3FAF]  }
0x2b: {  	s6 =	sld [smem:$0x3FB0]  }
0x2c: {  	s7 =	sld [smem:$0x3FB1]  }
0x2d: {  	s3 =	simm.s32 $0x108;
	s8 =	sld [smem:$0x3FB2]  }
0x2e: {  	s3 =	simm.s32 @!p0 $0x1082;
	s9 =	sld [smem:$0x3FB3]  }
0x2f: {  	lr =	sadd.s32 s0, s3;
	s0 =	sld [smem:$0x3FAA]  }
0x30: {  	s3 =	sld [smem:$0x3FAD]  }
0x31: {  	[smem:$0x3FB6] =	sst s10  }
0x32: {  	s10 =	sld [smem:$0x3FB4];
	_ =	sdelay $0x3  }
0x33: {  	p0 =	seq.s32 s10, $0x1;
	s10 =	sld [smem:$0x3FB6];
	_ =	sdelay $0x3  }
0x34: {  	[smem:$0x3FB6] =	sst s10  }
0x35: {  	s10 =	sld [smem:$0x3FB5];
	_ =	sdelay $0x3  }
0x36: {  	p1 =	seq.s32 s10, $0x1;
	s10 =	sld [smem:$0x3FB6];
	_ =	sdelay $0x3  }
0x37: {  	[smem:$0x3FB6] =	sst s10  }
0x38: {  	s10 =	sld [smem:$0x3FB7]  }
0x39: {  	_ = 	snop;
	(pc) =	sbr.ind lr, $3  }
0x3a: {  	_ = 	snop  }
0x3b: {  	_ = 	snop  }
0x3c: {  	p2 =	seq.s32 s10, $0x1;
	s10 =	sld [smem:$0x3FB6]  }
0x3d: {  	_ =	shalt  }
0x3e: {  	_ =	shalt  }
0x3f: {  	_ =	shalt  }
0x40: {  	_ =	shalt  }
0x41: {  	_ =	shalt  }
0x42: {  	_ =	shalt  }
0x43: {  	_ =	shalt  }
0x44: {  	_ =	shalt  }
0x45: {  	_ =	shalt  }
0x46: {  	_ =	shalt  }
0x47: {  	_ =	shalt  }
0x48: {  	_ =	shalt  }
0x49: {  	_ =	shalt  }
0x4a: {  	_ =	shalt  }
0x4b: {  	_ =	shalt  }
0x4c: {  	_ =	shalt  }
0x4d: {  	_ =	shalt  }
0x4e: {  	_ =	shalt  }
0x4f: {  	_ =	shalt  }
0x50: {  	_ =	shalt  }
0x51: {  	_ =	shalt  }
0x52: {  	_ =	shalt  }
0x53: {  	_ =	shalt  }
0x54: {  	_ =	shalt  }
0x55: {  	_ =	shalt  }
0x56: {  	_ =	shalt  }
0x57: {  	_ =	shalt  }
0x58: {  	_ =	shalt  }
0x59: {  	_ =	shalt  }
0x5a: {  	_ =	shalt  }
0x5b: {  	_ =	shalt  }
0x5c: {  	_ =	shalt  }
0x5d: {  	_ =	shalt  }
0x5e: {  	_ =	shalt  }
0x5f: {  	_ =	shalt  }
0x60: {  	_ =	shalt  }
0x61: {  	_ =	shalt  }
0x62: {  	_ =	shalt  }
0x63: {  	_ =	shalt  }
0x64: {  	_ =	shalt  }
0x65: {  	_ =	shalt  }
0x66: {  	_ =	shalt  }
0x67: {  	_ =	shalt  }
0x68: {  	_ =	shalt  }
0x69: {  	_ =	shalt  }
0x6a: {  	_ =	shalt  }
0x6b: {  	_ =	shalt  }
0x6c: {  	_ =	shalt  }
0x6d: {  	_ =	shalt  }
0x6e: {  	_ =	shalt  }
0x6f: {  	_ =	shalt  }
0x70: {  	_ =	shalt  }
0x71: {  	_ =	shalt  }
0x72: {  	_ =	shalt  }
0x73: {  	_ =	shalt  }
0x74: {  	_ =	shalt  }
0x75: {  	_ =	shalt  }
0x76: {  	_ =	shalt  }
0x77: {  	_ =	shalt  }
0x78: {  	_ =	shalt  }
0x79: {  	_ =	shalt  }
0x7a: {  	_ =	shalt  }
0x7b: {  	_ =	shalt  }
0x7c: {  	_ =	shalt  }
0x7d: {  	_ =	shalt  }
0x7e: {  	_ =	shalt  }
0x7f: {  	_ =	shalt  }
0x80: {  	_ =	shalt  }
0x81: {  	_ =	shalt  }
0x82: {  	_ =	shalt  }
0x83: {  	_ =	shalt  }
0x84: {  	_ =	shalt  }
0x85: {  	_ =	shalt  }
0x86: {  	_ =	shalt  }
0x87: {  	_ =	shalt  }
.Lfunc_end0:
.L_simem_size_0:
called_computation.1_lowered:
.L_overlay_start_0:
0x88: {  	s2 =	sld [smem:$0x3FD9]  }
0x89: {  	s3 =	sld [smem:$0x3FFE];
	_ =	sdelay $0x1  }
0x8a: {  	s1 =	srdreg.scid  }
0x8b: {  	s0 =	sand.u32 $0x1, s1  }
0x8c: {  	s17 =	sshll.u32 s0, $0xA;
	s2 =	sadd.s32 s3, s2  }
0x8d: {  	s2 =	sadd.s32 s2, s17  }
0x8e: {  	[smem:$0x3FC2] =	sst s2  }
0x8f: {  	_ = 	snop  }
0x90: {  	s2 =	sld [smem:$0x3FD0];
	(tm) =	ssettm $0x1  }
0x91: {  	s18 =	sld [smem:$0x3FFB];
	_ =	sdelay $0x3  }
0x92: {  	_ =	strace s18  }
0x93: {  	s3 =	sld [smem:$0x3FFC];
	_ =	sdelay $0x3  }
0x94: {  	_ =	strace s3  }
0x95: {  	s3 =	sld [smem:$0x3FFD];
	_ =	sdelay $0x3  }
0x96: {  	_ =	strace s3  }
0x97: {  	_ =	strace $0x8FFFFFFF  }
0x98: {  	s19 =	sld [smem:$0x3FDB];
	_ =	sdelay $0x1  }
0x99: {  	s4 =	simm.s32 $_scs_section_size  }
0x9a: {  	s5 =	simm.s32 $_size__tile_overlayer_lowered;
	s6 =	simm.s32 $_tile_overlayer_lowered  }
0x9b: {  	s22 =	simm.s32 $0x1BFF;
	s21 =	sshll.u32 s6, $0x1;
	s3 =	sadd.s32 s4, s19  }
0x9c: {  	s7 =	simm.s32 $0x0;
	s20 =	sshll.u32 s5, $0x1;
	s5 =	sadd.s32 s21, s3  }
0x9d: {  	[timem:s7], [sflag:s22] =	dma.local [hbm:s5], s20  }
0x9e: {  	_ =	swait.ge [sflag:s22], s20  }
0x9f: {  	s4 =	ssub.s32 $0x0, s20;
	[sflag:s22] =	ssyncset.done $0x0  }
0xa0: {  	[sflag:s22] =	ssyncadd.s32 s4;
	_ =	sdelay $0x1  }
0xa1: {  	s23 =	simm.s32 $0x1B8B  }
0xa2: {  	_ =	swait.ge [sflag:s23], $0x1  }
0xa3: {  	[sflag:s23] =	ssyncset.done $0x0  }
0xa4: {  	s25 =	simm.s32 $0x1B8E;
	s24 =	sld [smem:$0x3FFE];
	[sflag:s23] =	ssyncadd.s32 $0xFFFFFFFF  }
0xa5: {  	s26 =	simm.s32 $execute0_lowered;
	[smem:$0x3FD2] =	sst s25  }
0xa6: {  	s5 =	sshll.u32 s26, $0x1;
	_ =	strace $0x80000049;
	[dreg:$0x1] =	wrdreg $0xFFFFFFFF  }
0xa7: {  	s28 =	simm.s32 $_size_execute0_lowered;
	s3 =	sadd.s32 s3, s5;
	[dreg:$0x0] =	wrdreg $0x0  }
0xa8: {  	s5 =	sshll.u32 s28, $0x1;
	[dreg:$0x2] =	wrdreg s3  }
0xa9: {  	[dreg:$0x3] =	wrdreg s5  }
0xaa: {  	[dreg:$0x4] =	wrdreg $0xC0  }
0xab: {  	_ =	task [dreg:s7], $0x5FFFF  }
0xac: {  	[dreg:$0x1] =	wrdreg $0xFFFFFFFF  }
0xad: {  	[dreg:$0x0] =	wrdreg $0x60  }
0xae: {  	[dreg:$0x2] =	wrdreg s2  }
0xaf: {  	[dreg:$0x3] =	wrdreg s24  }
0xb0: {  	[dreg:$0x4] =	wrdreg $0x0  }
0xb1: {  	[dreg:$0x5] =	wrdreg $0x9  }
0xb2: {  	_ =	task.clear_ibuf [dreg:s7], $0x6FFFF;
	_ =	strace $0x90000049  }
0xb3: {  	s29 =	simm.s32 $0x9;
	_ =	strace $0x8000004B  }
0xb4: {  	_ =	swait.ge [sflag:s29], $0x1  }
0xb5: {  	[sflag:s29] =	ssyncadd.s32 $0xFFFFFFFF  }
0xb6: {  	_ =	strace $0x9000004B  }
0xb7: {  	_ =	sfence  }
0xb8: {  	s30 =	sld [smem:$0x0];
	_ =	sdelay $0x2  }
0xb9: {  	s31 =	sshll.u32 s1, $0xD;
	s1 =	sshrl.u32 s1, $0x2  }
0xba: {  	s3 =	sand.u32 $0x4000, s31;
	s1 =	sadd.s32 s1, s30  }
0xbb: {  	s0 =	sor.u32 s3, s0;
	s1 =	sshll.u32 s1, $0x11  }
0xbc: {  	s0 =	sor.u32 s1, s0  }
0xbd: {  	s0 =	sadd.s32 $0x8F2B, s0  }
0xbe: {  	[sflag:s0] =	ssyncadd.remote.s32 $0x1  }
0xbf: {  	_ =	sfence.sel $0xFFFF  }
0xc0: {  	[dreg:$0x0] =	wrdreg $0xFFFFFFFF;
	(pc) =	sbr.abs _section_cstart, $3  }
0xc1: {  	[dreg:$0x1] =	wrdreg $0xFFFFFFFF  }
0xc2: {  	_ =	task.clear_ibuf [dreg:s7], $0x2FFFF;
	_ =	strace $0x9FFFFFFF  }
0xc3: {  	(tm) =	ssettm $0x7FFFFFFF  }
tec
execute0_lowered:
.L_overlay_start_1:
0x0: {  	(tag) =	ssettag $0x1  }
0x1: {  	s1 =	rddreg [dreg:$0x0]  }
0x2: {  	s0 =	rddreg [dreg:$0x1]  }
0x3: {  	s2 =	rddreg [dreg:$0x2]  }
0x4: {  	s4 =	simm.s32 $0x0;
	s3 =	srdreg.scid;
	s12 =	stileid.u32  }
0x5: {  	s31 =	simm.s32 $0x14000;
	s30 =	simm.s32 $0x1A300;
	s28 =	simm.s32 $0xC  }
0x6: {  	[smem:$0x7FF] =	sst s4;
	s29 =	sadd.s32 $0x38E00, s0;
	s3 =	sand.u32 $0x1, s3  }
0x7: {  	s6 =	sshll.u32 s12, $0x1;
	s8 =	smul.u32 $0x50000, s12;
	s7 =	ssub.s32 $0x2, s3  }
0x8: {  	s6 =	sor.u32 s3, s6;
	p0 =	seq.s32 s3, $0x1;
	s3 =	smul.u32 $0x69, s3  }
0x9: {  	s9 =	sadd.s32 $0x2BC00, s0;
	_ =	strace $0x8000004A;
	s11 =	smul.u32 $0x3480, s6  }
0xa: {  	s10 =	sshrl.u32 s7, $0x1;
	s8 =	sshrl.u32 s8, $0x2;
	s19 =	smul.u32 $0x690, s6  }
0xb: {  	s6 =	smul.u32 $0x69, s6;
	s7 =	ssub.s32 s7, s10;
	s24 =	sadd.s32 s8, s2  }
0xc: {  	s20 =	sshrl.u32 s11, $0x3;
	s21 =	sadd.s32 s29, s19;
	[dreg:$0x6] =	wrdreg s24  }
0xd: {  	s10 =	sadd.s32 s9, s19;
	s11 =	smul.u32 $0x2800, s12;
	[dreg:$0x7] =	wrdreg s21  }
0xe: {  	s12 =	smul.u32 $0xD2, s12;
	s7 =	smax.u32 s7, $0x1;
	[dreg:$0x8] =	wrdreg s10  }
0xf: {  	s14 =	sadd.s32 $0x4000, s24;
	s15 =	sadd.s32 $0x6000, s24;
	[dreg:$0xf] =	wrdreg s7  }
0x10: {  	s16 =	sadd.s32 $0x8000, s24;
	s17 =	sadd.s32 $0xA000, s24;
	[dreg:$0x11] =	wrdreg s14  }
0x11: {  	s22 =	sadd.s32 $0x10, s20;
	s25 =	sadd.s32 $0x20, s20;
	[dreg:$0x12] =	wrdreg s15  }
0x12: {  	s8 =	sadd.s32 s29, s20;
	s7 =	simm.s32 $0xBE000;
	[dreg:$0x13] =	wrdreg s16  }
0x13: {  	[dreg:$0x14] =	wrdreg s17;
	s15 =	simm.s32 $0x14300;
	s14 =	simm.s32 $0xA  }
0x14: {  	s16 =	simm.s32 $0x8;
	s17 =	simm.s32 $0x9;
	s23 =	sadd.s32 s29, s22  }
0x15: {  	s13 =	sadd.s32 s29, s25;
	s26 =	sadd.s32 $0x30, s8;
	[dreg:$0x9] =	wrdreg s23  }
0x16: {  	s10 =	sadd.s32 s9, s22;
	s8 =	sadd.s32 $0x40, s8;
	[dreg:$0xa] =	wrdreg s13  }
0x17: {  	s5 =	sadd.s32 s9, s25;
	s7 =	simm.s32 @!p0 $0x96000;
	[dreg:$0xb] =	wrdreg s26  }
0x18: {  	s3 =	sadd.s32 s3, s12;
	s22 =	sadd.s32 $0xC000, s24;
	[dreg:$0xc] =	wrdreg s10  }
0x19: {  	s25 =	sadd.s32 $0x10000, s24;
	s12 =	simm.s32 $0x14080;
	[dreg:$0xd] =	wrdreg s8  }
0x1a: {  	[dreg:$0xe] =	wrdreg s5;
	s10 =	sadd.s32 $0x6, s6;
	s6 =	sadd.s32 $0x7, s6  }
0x1b: {  	s13 =	sadd.s32 $0x2000, s24;
	s0 =	sadd.s32 s7, s0;
	[dreg:$0x1a] =	wrdreg s22  }
0x1c: {  	s3 =	sshll.u32 s3, $0x4;
	s23 =	sadd.s32 $0xE000, s24;
	[dreg:$0x1c] =	wrdreg s25  }
0x1d: {  	s26 =	sadd.s32 $0x12000, s24;
	s7 =	simm.s32 $0xD;
	[dreg:$0x4] =	wrdreg s10  }
0x1e: {  	s8 =	simm.s32 $0x14100;
	s25 =	simm.s32 $0x14280;
	[dreg:$0x5] =	wrdreg s6  }
0x1f: {  	s22 =	simm.s32 $0x4;
	s5 =	simm.s32 $0x5;
	[dreg:$0x10] =	wrdreg s13  }
0x20: {  	s0 =	sadd.s32 s0, s11;
	s18 =	sadd.s32 $0x50, s3;
	[dreg:$0x1b] =	wrdreg s23  }
0x21: {  	s3 =	sadd.s32 s3, s9;
	[dreg:$0x1d] =	wrdreg s26;
	s10 =	simm.s32 $0x7  }
0x22: {  	s11 =	simm.s32 $0x60;
	[dreg:$0x15] =	wrdreg s0;
	s19 =	sadd.s32 s18, s9  }
0x23: {  	s13 =	simm.s32 $0x1;
	s0 =	sadd.s32 s18, s29;
	[dreg:$0x16] =	wrdreg s19  }
0x24: {  	s26 =	simm.s32 $0x17300;
	s20 =	sadd.s32 $0x40, s3;
	[dreg:$0x17] =	wrdreg s0  }
0x25: {  	s21 =	sadd.s32 $0x30, s3;
	s9 =	simm.s32 $0x14180;
	[dreg:$0x18] =	wrdreg s20  }
0x26: {  	s18 =	simm.s32 $0x2;
	s3 =	simm.s32 $0x0;
	[dreg:$0x19] =	wrdreg s21  }
0x27: {  	v0 =	vimm.f32 $0.0e+00;
	s20 =	simm.s32 $0x14200;
	s19 =	simm.s32 $0xB;
	s21 =	simm.s32 $0x3  }
.LBB2_1:
0x28: {  	s0 =	sand.u32 $0x7E00, s4  }
0x29: {  	[dreg:$0x1e] =	wrdreg s3;
	s23 =	sand.u32 $0x70, s4;
	s6 =	sshrl.u32 s0, $0x2  }
0x2a: {  	s3 =	simm.s32 $0x0;
	s0 =	simm.s32 $0x40;
	s6 =	sor.u32 s23, s6  }
.LBB2_2:
0x2b: {  	p0 =	sne.s32 s0, $0x7FC0  }
0x2c: {  	[tilespmem:s6+$0x1D300] =	vst v0;
	s3 =	sadd.s32 $0x10, s3;
	s6 =	smov.u32 s0;
	s0 =	sadd.s32 $0x40, s0  }
.Ltmp0:
0x2d: {  	(pc) =	sbr.rel @p0 .LBB2_2-.Ltmp0, $4  }
0x2e: {  	_ = 	snop  }
0x2f: {  	s6 =	sand.u32 $0x7E00, s6  }
0x30: {  	s23 =	sand.u32 $0x70, s3;
	s6 =	sshrl.u32 s6, $0x2  }
0x31: {  	s6 =	sor.u32 s23, s6  }
0x32: {  	[tilespmem:s6+$0x1D300] =	vst v0;
	s3 =	simm.s32 $0x1D300  }
0x33: {  	[spmem:s24] =	stream.linear.scatter [tilespmem:s3], [sflag:$0xD], $0x2000, $0x38;
	[tilespmem:$0x1F300] =	vst v63  }
0x34: {  	_ =	swait.ge [sflag:s7], $0x2000  }
0x35: {  	[sflag:s7] =	ssyncset.done $0x0  }
0x36: {  	s0 =	rddreg [dreg:$0x10];
	[sflag:s7] =	ssyncadd.s32 $0xFFFFE000  }
0x37: {  	[spmem:s0] =	stream.linear.scatter [tilespmem:s3], [sflag:$0xD], $0x2000, $0x38;
	[tilespmem:$0x1F300] =	vst v63  }
0x38: {  	_ =	swait.ge [sflag:s7], $0x2000  }
0x39: {  	[sflag:s7] =	ssyncset.done $0x0  }
0x3a: {  	s24 =	rddreg [dreg:$0x11];
	[sflag:s7] =	ssyncadd.s32 $0xFFFFE000  }
0x3b: {  	[spmem:s24] =	stream.linear.scatter [tilespmem:s3], [sflag:$0xD], $0x2000, $0x38;
	[tilespmem:$0x1F300] =	vst v63  }
0x3c: {  	_ =	swait.ge [sflag:s7], $0x2000  }
0x3d: {  	[sflag:s7] =	ssyncset.done $0x0  }
0x3e: {  	s6 =	rddreg [dreg:$0x12];
	[sflag:s7] =	ssyncadd.s32 $0xFFFFE000  }
0x3f: {  	[spmem:s6] =	stream.linear.scatter [tilespmem:s3], [sflag:$0xD], $0x2000, $0x38;
	[tilespmem:$0x1F300] =	vst v63  }
0x40: {  	_ =	swait.ge [sflag:s7], $0x2000  }
0x41: {  	[sflag:s7] =	ssyncset.done $0x0  }
0x42: {  	s23 =	rddreg [dreg:$0x13];
	[sflag:s7] =	ssyncadd.s32 $0xFFFFE000  }
0x43: {  	[spmem:s23] =	stream.linear.scatter [tilespmem:s3], [sflag:$0xD], $0x2000, $0x38;
	[tilespmem:$0x1F300] =	vst v63  }
0x44: {  	_ =	swait.ge [sflag:s7], $0x2000  }
0x45: {  	[sflag:s7] =	ssyncset.done $0x0  }
0x46: {  	s24 =	rddreg [dreg:$0x14];
	[sflag:s7] =	ssyncadd.s32 $0xFFFFE000  }
0x47: {  	[spmem:s24] =	stream.linear.scatter [tilespmem:s3], [sflag:$0xD], $0x2000, $0x38;
	[tilespmem:$0x1F300] =	vst v63  }
0x48: {  	_ =	swait.ge [sflag:s7], $0x2000  }
0x49: {  	[sflag:s7] =	ssyncset.done $0x0  }
0x4a: {  	s6 =	rddreg [dreg:$0x1a];
	[sflag:s7] =	ssyncadd.s32 $0xFFFFE000  }
0x4b: {  	[spmem:s6] =	stream.linear.scatter [tilespmem:s3], [sflag:$0xD], $0x2000, $0x38;
	[tilespmem:$0x1F300] =	vst v63  }
0x4c: {  	_ =	swait.ge [sflag:s7], $0x2000  }
0x4d: {  	[sflag:s7] =	ssyncset.done $0x0  }
0x4e: {  	s23 =	rddreg [dreg:$0x1b];
	[sflag:s7] =	ssyncadd.s32 $0xFFFFE000  }
0x4f: {  	[spmem:s23] =	stream.linear.scatter [tilespmem:s3], [sflag:$0xD], $0x2000, $0x38;
	[tilespmem:$0x1F300] =	vst v63  }
0x50: {  	_ =	swait.ge [sflag:s7], $0x2000  }
0x51: {  	[sflag:s7] =	ssyncset.done $0x0  }
0x52: {  	s24 =	rddreg [dreg:$0x1c];
	[sflag:s7] =	ssyncadd.s32 $0xFFFFE000  }
0x53: {  	[spmem:s24] =	stream.linear.scatter [tilespmem:s3], [sflag:$0xD], $0x2000, $0x38;
	[tilespmem:$0x1F300] =	vst v63  }
0x54: {  	_ =	swait.ge [sflag:s7], $0x2000  }
0x55: {  	[sflag:s7] =	ssyncset.done $0x0  }
0x56: {  	s6 =	rddreg [dreg:$0x1d];
	[sflag:s7] =	ssyncadd.s32 $0xFFFFE000  }
0x57: {  	[spmem:s6] =	stream.linear.scatter [tilespmem:s3], [sflag:$0xD], $0x2000, $0x38;
	[tilespmem:$0x1F300] =	vst v63  }
0x58: {  	_ =	swait.ge [sflag:s7], $0x2000  }
0x59: {  	[sflag:s7] =	ssyncset.done $0x0  }
0x5a: {  	[sflag:s7] =	ssyncadd.s32 $0xFFFFE000  }
0x5b: {  	[bflag:$0x0] =	sbarrier.arrive $0xFFFF  }
0x5c: {  	s0 =	simm.s32 $0x0;
	s7 =	rddreg [dreg:$0x7]  }
0x5d: {  	[tilespmem:s31], [sflag:$0x7] =	stream.linear.gather [hbm4b:s7+s0], $0x80, $0x38;
	[tilespmem:$0x1F300] =	vst v63  }
0x5e: {  	s23 =	rddreg [dreg:$0x8]  }
0x5f: {  	[tilespmem:s9], [sflag:$0xA] =	stream.linear.gather [hbm4b:s23+s0], $0x80, $0x38;
	[tilespmem:$0x1F300] =	vst v63  }
0x60: {  	s24 =	rddreg [dreg:$0x9]  }
0x61: {  	[tilespmem:s12], [sflag:$0x8] =	stream.linear.gather [hbm4b:s24+s0], $0x80, $0x38;
	[tilespmem:$0x1F300] =	vst v63  }
0x62: {  	s6 =	rddreg [dreg:$0xa]  }
0x63: {  	[tilespmem:s8], [sflag:$0x9] =	stream.linear.gather [hbm4b:s6+s0], $0x80, $0x38;
	[tilespmem:$0x1F300] =	vst v63  }
0x64: {  	_ =	swait.ge [sflag:s10], $0x80  }
0x65: {  	[sflag:s10] =	ssyncset.done $0x0  }
0x66: {  	[sflag:s10] =	ssyncadd.s32 $0xFFFFFF80  }
0x67: {  	[tilespmem:s15], [sflag:$0x1] =	stream.indirect.gather [hbm4b:s1+s11], $0x80, s31, s11, $0xb8;
	[tilespmem:$0x1F300] =	vst v63  }
0x68: {  	_ =	swait.ge [sflag:s13], $0x3000  }
0x69: {  	[sflag:s13] =	ssyncset.done $0x0  }
0x6a: {  	[sflag:s13] =	ssyncadd.s32 $0xFFFFD000  }
0x6b: {  	_ =	swait.ge [sflag:s14], $0x80  }
0x6c: {  	[sflag:s14] =	ssyncset.done $0x0  }
0x6d: {  	[sflag:s14] =	ssyncadd.s32 $0xFFFFFF80  }
0x6e: {  	[spmem:s2] =	stream.indirect.scatter.add.f32 [tilespmem:s15], [sflag:$0x4], $0x80, s9, s11, $0xb8;
	[tilespmem:$0x1F300] =	vst v63  }
0x6f: {  	s7 =	rddreg [dreg:$0xb]  }
0x70: {  	[tilespmem:s31], [sflag:$0x7] =	stream.linear.gather [hbm4b:s7+s0], $0x80, $0x38;
	[tilespmem:$0x1F300] =	vst v63  }
0x71: {  	s23 =	rddreg [dreg:$0xc]  }
0x72: {  	[tilespmem:s20], [sflag:$0xB] =	stream.linear.gather [hbm4b:s23+s0], $0x80, $0x38;
	[tilespmem:$0x1F300] =	vst v63  }
0x73: {  	_ =	swait.ge [sflag:s16], $0x80  }
0x74: {  	[sflag:s16] =	ssyncset.done $0x0  }
0x75: {  	[sflag:s16] =	ssyncadd.s32 $0xFFFFFF80  }
0x76: {  	[tilespmem:s26], [sflag:$0x2] =	stream.indirect.gather [hbm4b:s1+s11], $0x80, s12, s11, $0xb8;
	[tilespmem:$0x1F300] =	vst v63  }
0x77: {  	_ =	swait.ge [sflag:s18], $0x3000  }
0x78: {  	[sflag:s18] =	ssyncset.done $0x0  }
0x79: {  	[sflag:s18] =	ssyncadd.s32 $0xFFFFD000  }
0x7a: {  	_ =	swait.ge [sflag:s19], $0x80  }
0x7b: {  	[sflag:s19] =	ssyncset.done $0x0  }
0x7c: {  	[sflag:s19] =	ssyncadd.s32 $0xFFFFFF80  }
0x7d: {  	[spmem:s2] =	stream.indirect.scatter.add.f32 [tilespmem:s26], [sflag:$0x5], $0x80, s20, s11, $0xb8;
	[tilespmem:$0x1F300] =	vst v63  }
0x7e: {  	s24 =	rddreg [dreg:$0xd]  }
0x7f: {  	[tilespmem:s12], [sflag:$0x8] =	stream.linear.gather [hbm4b:s24+s0], $0x80, $0x38;
	[tilespmem:$0x1F300] =	vst v63  }
0x80: {  	s6 =	rddreg [dreg:$0xe]  }
0x81: {  	[tilespmem:s25], [sflag:$0xC] =	stream.linear.gather [hbm4b:s6+s0], $0x80, $0x38;
	[tilespmem:$0x1F300] =	vst v63  }
0x82: {  	_ =	swait.ge [sflag:s17], $0x80  }
0x83: {  	[sflag:s17] =	ssyncset.done $0x0  }
0x84: {  	[sflag:s17] =	ssyncadd.s32 $0xFFFFFF80  }
0x85: {  	[tilespmem:s30], [sflag:$0x3] =	stream.indirect.gather [hbm4b:s1+s11], $0x80, s8, s11, $0xb8;
	[tilespmem:$0x1F300] =	vst v63  }
0x86: {  	_ =	swait.ge [sflag:s21], $0x3000  }
0x87: {  	[sflag:s21] =	ssyncset.done $0x0  }
0x88: {  	[sflag:s21] =	ssyncadd.s32 $0xFFFFD000  }
0x89: {  	_ =	swait.ge [sflag:s28], $0x80  }
0x8a: {  	[sflag:s28] =	ssyncset.done $0x0  }
0x8b: {  	[sflag:s28] =	ssyncadd.s32 $0xFFFFFF80  }
0x8c: {  	[spmem:s2] =	stream.indirect.scatter.add.f32 [tilespmem:s30], [sflag:$0x6], $0x80, s25, s11, $0xb8;
	[tilespmem:$0x1F300] =	vst v63  }
0x8d: {  	s23 =	rddreg [dreg:$0x17]  }
0x8e: {  	[tilespmem:s8], [sflag:$0x9] =	stream.linear.gather [hbm4b:s23+s4], $0x80, $0x38;
	[tilespmem:$0x1F300] =	vst v63  }
0x8f: {  	_ =	swait.ge [sflag:s22], $0x3000  }
0x90: {  	[sflag:s22] =	ssyncset.done $0x0  }
0x91: {  	s7 =	rddreg [dreg:$0x19];
	[sflag:s22] =	ssyncadd.s32 $0xFFFFD000  }
0x92: {  	[tilespmem:s9], [sflag:$0xA] =	stream.linear.gather [hbm4b:s7+s4], $0x80, $0x38;
	[tilespmem:$0x1F300] =	vst v63  }
0x93: {  	_ =	swait.ge [sflag:s10], $0x80  }
0x94: {  	[sflag:s10] =	ssyncset.done $0x0  }
0x95: {  	[sflag:s10] =	ssyncadd.s32 $0xFFFFFF80  }
0x96: {  	[tilespmem:s15], [sflag:$0x1] =	stream.indirect.gather [hbm4b:s1+s11], $0x80, s31, s11, $0xb8;
	[tilespmem:$0x1F300] =	vst v63  }
0x97: {  	_ =	swait.ge [sflag:s13], $0x3000  }
0x98: {  	[sflag:s13] =	ssyncset.done $0x0  }
0x99: {  	[sflag:s13] =	ssyncadd.s32 $0xFFFFD000  }
0x9a: {  	_ =	swait.ge [sflag:s14], $0x80  }
0x9b: {  	[sflag:s14] =	ssyncset.done $0x0  }
0x9c: {  	s13 =	rddreg [dreg:$0x4];
	[sflag:s14] =	ssyncadd.s32 $0xFFFFFF80;
	s14 =	smin.u32 s0, $0x62  }
0x9d: {  	[spmem:s2] =	stream.indirect.scatter.add.f32 [tilespmem:s15], [sflag:$0x4], $0x80, s9, s11, $0xb8;
	[tilespmem:$0x1F300] =	vst v63  }
0x9e: {  	s3 =	sadd.s32 s14, s13  }
0x9f: {  	s3 =	sshll.u32 s3, $0x4  }
0xa0: {  	s3 =	sadd.s32 s29, s3  }
0xa1: {  	[tilespmem:s31], [sflag:$0x7] =	stream.linear.gather [hbm4b:s3+s4], $0x80, $0x38;
	[tilespmem:$0x1F300] =	vst v63  }
0xa2: {  	_ =	swait.ge [sflag:s5], $0x3000  }
0xa3: {  	[sflag:s5] =	ssyncset.done $0x0  }
0xa4: {  	s15 =	rddreg [dreg:$0x18];
	[sflag:s5] =	ssyncadd.s32 $0xFFFFD000  }
0xa5: {  	[tilespmem:s20], [sflag:$0xB] =	stream.linear.gather [hbm4b:s15+s4], $0x80, $0x38;
	[tilespmem:$0x1F300] =	vst v63  }
0xa6: {  	_ =	swait.ge [sflag:s16], $0x80  }
0xa7: {  	[sflag:s16] =	ssyncset.done $0x0  }
0xa8: {  	[sflag:s16] =	ssyncadd.s32 $0xFFFFFF80  }
0xa9: {  	[tilespmem:s26], [sflag:$0x2] =	stream.indirect.gather [hbm4b:s1+s11], $0x80, s12, s11, $0xb8;
	[tilespmem:$0x1F300] =	vst v63  }
0xaa: {  	s24 =	simm.s32 $0x6;
	s17 =	simm.s32 $0x3;
	_ =	swait.ge [sflag:s18], $0x3000  }
0xab: {  	s21 =	simm.s32 $0xB;
	s28 =	simm.s32 $0x9;
	[sflag:s18] =	ssyncset.done $0x0  }
0xac: {  	s30 =	simm.s32 $0xC;
	s25 =	simm.s32 $0x14280;
	[sflag:s18] =	ssyncadd.s32 $0xFFFFD000  }
0xad: {  	s6 =	sadd.s32 $0x30, s7;
	s10 =	simm.s32 $0x17300;
	_ =	swait.ge [sflag:s19], $0x80  }
0xae: {  	s0 =	smin.u32 s0, $0x61;
	[sflag:s19] =	ssyncset.done $0x0;
	s22 =	rddreg [dreg:$0x5]  }
0xaf: {  	s14 =	simm.s32 $0x1;
	[sflag:s19] =	ssyncadd.s32 $0xFFFFFF80;
	s0 =	sadd.s32 s0, s22  }
0xb0: {  	[spmem:s2] =	stream.indirect.scatter.add.f32 [tilespmem:s26], [sflag:$0x5], $0x80, s20, s11, $0xb8;
	[tilespmem:$0x1F300] =	vst v63  }
0xb1: {  	s13 =	simm.s32 $0x7;
	s5 =	simm.s32 $0x5;
	s0 =	sshll.u32 s0, $0x4  }
0xb2: {  	s16 =	simm.s32 $0xA;
	s18 =	simm.s32 $0x8;
	s0 =	sadd.s32 s29, s0  }
0xb3: {  	[tilespmem:s12], [sflag:$0x8] =	stream.linear.gather [hbm4b:s0+s4], $0x80, $0x38;
	[tilespmem:$0x1F300] =	vst v63  }
0xb4: {  	s22 =	simm.s32 $0x4;
	s19 =	simm.s32 $0x2;
	_ =	swait.ge [sflag:s24], $0x3000  }
0xb5: {  	s26 =	simm.s32 $0x14200;
	s20 =	simm.s32 $0x14300;
	[sflag:s24] =	ssyncset.done $0x0  }
0xb6: {  	s12 =	simm.s32 $0x14180;
	s31 =	rddreg [dreg:$0x16];
	[sflag:s24] =	ssyncadd.s32 $0xFFFFD000  }
0xb7: {  	[tilespmem:s25], [sflag:$0xC] =	stream.linear.gather [hbm4b:s31+s4], $0x80, $0x38;
	[tilespmem:$0x1F300] =	vst v63  }
0xb8: {  	s0 =	smov.u32 s15;
	s24 =	simm.s32 $0x3;
	_ =	swait.ge [sflag:s28], $0x80  }
.LBB2_4:
0xb9: {  	[sflag:s28] =	ssyncset.done $0x0  }
0xba: {  	s7 =	simm.s32 $0x14100;
	s8 =	simm.s32 $0x1A300;
	[sflag:s28] =	ssyncadd.s32 $0xFFFFFF80  }
0xbb: {  	[tilespmem:s8], [sflag:$0x3] =	stream.indirect.gather [hbm4b:s1+s11], $0x80, s7, s11, $0xb8;
	[tilespmem:$0x1F300] =	vst v63  }
0xbc: {  	_ =	swait.ge [sflag:s17], $0x3000  }
0xbd: {  	[sflag:s17] =	ssyncset.done $0x0  }
0xbe: {  	[sflag:s17] =	ssyncadd.s32 $0xFFFFD000  }
0xbf: {  	_ =	swait.ge [sflag:s30], $0x80  }
0xc0: {  	[sflag:s30] =	ssyncset.done $0x0  }
0xc1: {  	s9 =	simm.s32 $0x14280;
	[sflag:s30] =	ssyncadd.s32 $0xFFFFFF80  }
0xc2: {  	[spmem:s2] =	stream.indirect.scatter.add.f32 [tilespmem:s8], [sflag:$0x6], $0x80, s9, s11, $0xb8;
	[tilespmem:$0x1F300] =	vst v63  }
0xc3: {  	s23 =	sadd.s32 $0x30, s23  }
0xc4: {  	[tilespmem:s7], [sflag:$0x9] =	stream.linear.gather [hbm4b:s23+s4], $0x80, $0x38;
	[tilespmem:$0x1F300] =	vst v63  }
0xc5: {  	_ =	swait.ge [sflag:s22], $0x3000  }
0xc6: {  	[sflag:s22] =	ssyncset.done $0x0  }
0xc7: {  	[sflag:s22] =	ssyncadd.s32 $0xFFFFD000  }
0xc8: {  	[tilespmem:s12], [sflag:$0xA] =	stream.linear.gather [hbm4b:s6+s4], $0x80, $0x38;
	[tilespmem:$0x1F300] =	vst v63  }
0xc9: {  	_ =	swait.ge [sflag:s13], $0x80  }
0xca: {  	[sflag:s13] =	ssyncset.done $0x0  }
0xcb: {  	s15 =	simm.s32 $0x14000;
	[sflag:s13] =	ssyncadd.s32 $0xFFFFFF80  }
0xcc: {  	[tilespmem:s20], [sflag:$0x1] =	stream.indirect.gather [hbm4b:s1+s11], $0x80, s15, s11, $0xb8;
	[tilespmem:$0x1F300] =	vst v63  }
0xcd: {  	_ =	swait.ge [sflag:s14], $0x3000  }
0xce: {  	[sflag:s14] =	ssyncset.done $0x0  }
0xcf: {  	[sflag:s14] =	ssyncadd.s32 $0xFFFFD000  }
0xd0: {  	s3 =	smov.u32 s24;
	_ =	swait.ge [sflag:s16], $0x80  }
0xd1: {  	s8 =	smin.u32 s3, $0x62;
	[sflag:s16] =	ssyncset.done $0x0;
	s7 =	rddreg [dreg:$0x4]  }
0xd2: {  	[sflag:s16] =	ssyncadd.s32 $0xFFFFFF80;
	s7 =	sadd.s32 s8, s7  }
0xd3: {  	[spmem:s2] =	stream.indirect.scatter.add.f32 [tilespmem:s20], [sflag:$0x4], $0x80, s12, s11, $0xb8;
	[tilespmem:$0x1F300] =	vst v63  }
0xd4: {  	s7 =	sshll.u32 s7, $0x4  }
0xd5: {  	s7 =	sadd.s32 s29, s7  }
0xd6: {  	[tilespmem:s15], [sflag:$0x7] =	stream.linear.gather [hbm4b:s7+s4], $0x80, $0x38;
	[tilespmem:$0x1F300] =	vst v63  }
0xd7: {  	_ =	swait.ge [sflag:s5], $0x3000  }
0xd8: {  	[sflag:s5] =	ssyncset.done $0x0  }
0xd9: {  	s0 =	sadd.s32 $0x30, s0;
	[sflag:s5] =	ssyncadd.s32 $0xFFFFD000  }
0xda: {  	[tilespmem:s26], [sflag:$0xB] =	stream.linear.gather [hbm4b:s0+s4], $0x80, $0x38;
	[tilespmem:$0x1F300] =	vst v63  }
0xdb: {  	_ =	swait.ge [sflag:s18], $0x80  }
0xdc: {  	[sflag:s18] =	ssyncset.done $0x0  }
0xdd: {  	s8 =	simm.s32 $0x14080;
	[sflag:s18] =	ssyncadd.s32 $0xFFFFFF80  }
0xde: {  	[tilespmem:s10], [sflag:$0x2] =	stream.indirect.gather [hbm4b:s1+s11], $0x80, s8, s11, $0xb8;
	[tilespmem:$0x1F300] =	vst v63  }
0xdf: {  	_ =	swait.ge [sflag:s19], $0x3000  }
0xe0: {  	[sflag:s19] =	ssyncset.done $0x0  }
0xe1: {  	[sflag:s19] =	ssyncadd.s32 $0xFFFFD000  }
0xe2: {  	_ =	swait.ge [sflag:s21], $0x80  }
0xe3: {  	s3 =	smin.u32 s3, $0x61;
	[sflag:s21] =	ssyncset.done $0x0;
	s15 =	rddreg [dreg:$0x5]  }
0xe4: {  	[sflag:s21] =	ssyncadd.s32 $0xFFFFFF80;
	s3 =	sadd.s32 s3, s15  }
0xe5: {  	[spmem:s2] =	stream.indirect.scatter.add.f32 [tilespmem:s10], [sflag:$0x5], $0x80, s26, s11, $0xb8;
	[tilespmem:$0x1F300] =	vst v63  }
0xe6: {  	s3 =	sshll.u32 s3, $0x4  }
0xe7: {  	s3 =	sadd.s32 s29, s3  }
0xe8: {  	[tilespmem:s8], [sflag:$0x8] =	stream.linear.gather [hbm4b:s3+s4], $0x80, $0x38;
	[tilespmem:$0x1F300] =	vst v63  }
0xe9: {  	p0 =	sne.s32 s24, $0x63;
	s3 =	simm.s32 $0x6  }
.Ltmp1:
0xea: {  	_ =	swait.ge [sflag:s3], $0x3000;
	(pc) =	sbr.rel @p0 .LBB2_4-.Ltmp1, $4  }
0xeb: {  	s31 =	sadd.s32 $0x30, s31;
	[sflag:s3] =	ssyncset.done $0x0  }
0xec: {  	s24 =	sadd.s32 $0x3, s24;
	s25 =	simm.s32 $0x14100;
	[sflag:s3] =	ssyncadd.s32 $0xFFFFD000  }
0xed: {  	[tilespmem:s9], [sflag:$0xC] =	stream.linear.gather [hbm4b:s31+s4], $0x80, $0x38;
	[tilespmem:$0x1F300] =	vst v63  }
0xee: {  	s6 =	sadd.s32 $0x30, s6;
	s7 =	simm.s32 $0x14280;
	_ =	swait.ge [sflag:s28], $0x80  }
0xef: {  	[sflag:s28] =	ssyncset.done $0x0  }
0xf0: {  	s0 =	simm.s32 $0x1A300;
	[sflag:s28] =	ssyncadd.s32 $0xFFFFFF80  }
0xf1: {  	[tilespmem:s0], [sflag:$0x3] =	stream.indirect.gather [hbm4b:s1+s11], $0x80, s25, s11, $0xb8;
	[tilespmem:$0x1F300] =	vst v63  }
0xf2: {  	_ =	swait.ge [sflag:s17], $0x3000  }
0xf3: {  	[sflag:s17] =	ssyncset.done $0x0  }
0xf4: {  	[sflag:s17] =	ssyncadd.s32 $0xFFFFD000  }
0xf5: {  	_ =	swait.ge [sflag:s30], $0x80  }
0xf6: {  	[sflag:s30] =	ssyncset.done $0x0  }
0xf7: {  	[sflag:s30] =	ssyncadd.s32 $0xFFFFFF80  }
0xf8: {  	[spmem:s2] =	stream.indirect.scatter.add.f32 [tilespmem:s0], [sflag:$0x6], $0x80, s7, s11, $0xb8;
	[tilespmem:$0x1F300] =	vst v63  }
0xf9: {  	_ =	swait.ge [sflag:s22], $0x3000  }
0xfa: {  	[sflag:s22] =	ssyncset.done $0x0  }
0xfb: {  	[sflag:s22] =	ssyncadd.s32 $0xFFFFD000  }
0xfc: {  	_ =	swait.ge [sflag:s5], $0x3000  }
0xfd: {  	[sflag:s5] =	ssyncset.done $0x0  }
0xfe: {  	[sflag:s5] =	ssyncadd.s32 $0xFFFFD000  }
0xff: {  	_ =	swait.ge [sflag:s3], $0x3000  }
0x100: {  	[sflag:s3] =	ssyncset.done $0x0  }
0x101: {  	[sflag:s3] =	ssyncadd.s32 $0xFFFFD000  }
0x102: {  	_ =	swait.ge [sflag:s13], $0x80  }
0x103: {  	[sflag:s13] =	ssyncset.done $0x0  }
0x104: {  	[sflag:s13] =	ssyncadd.s32 $0xFFFFFF80  }
0x105: {  	_ =	swait.ge [sflag:s18], $0x80  }
0x106: {  	[sflag:s18] =	ssyncset.done $0x0  }
0x107: {  	[sflag:s18] =	ssyncadd.s32 $0xFFFFFF80  }
0x108: {  	s31 =	simm.s32 $0x14000;
	s22 =	stileid.u32;
	[bflag:$0x0] =	sbarrier.arrive $0xFFFF  }
0x109: {  	s7 =	simm.s32 $0xD;
	s0 =	sshll.u32 s22, $0x6;
	s24 =	rddreg [dreg:$0x6]  }
0x10a: {  	s0 =	sor.u32 $0x1C0D, s0;
	s6 =	rddreg [dreg:$0x15];
	s23 =	sshrl.u32 s24, $0x3  }
0x10b: {  	[hbm:s6], [sflag:s0] =	dma.local [spmem:s23], $0x2800  }
0x10c: {  	s9 =	simm.s32 $0x14180;
	s12 =	simm.s32 $0x14080;
	_ =	swait.ge [sflag:s7], $0x2800  }
0x10d: {  	s8 =	simm.s32 $0x14100;
	s15 =	simm.s32 $0x14300;
	s25 =	rddreg [dreg:$0x1e]  }
0x10e: {  	s20 =	simm.s32 $0x14200;
	s26 =	rddreg [dreg:$0xf];
	s3 =	sadd.s32 $0x1, s25  }
0x10f: {  	s10 =	simm.s32 $0x7;
	s14 =	simm.s32 $0xA;
	p0 =	sne.s32 s3, s26  }
.Ltmp2:
0x110: {  	s16 =	simm.s32 $0x8;
	s19 =	simm.s32 $0xB;
	(pc) =	sbr.rel @p0 .LBB2_1-.Ltmp2, $4  }
0x111: {  	s21 =	simm.s32 $0x3;
	s28 =	simm.s32 $0xC;
	s17 =	simm.s32 $0x9  }
0x112: {  	s30 =	simm.s32 $0x1A300;
	s22 =	simm.s32 $0x4;
	s5 =	simm.s32 $0x5  }
0x113: {  	s13 =	simm.s32 $0x1;
	s18 =	simm.s32 $0x2;
	[sflag:s7] =	ssyncset.done $0x0  }
0x114: {  	[sflag:s7] =	ssyncadd.s32 $0xFFFFD800;
	s25 =	simm.s32 $0x14280;
	s26 =	simm.s32 $0x17300  }
0x115: {  	_ =	sfence.sel $0x180000  }
0x116: {  	[bflag:$0x0] =	sbarrier.arrive $0xFFFF  }
0x117: {  	_ =	strace $0x9000004A  }
0x118: {  	s0 =	stileid.u32;
	[bflag:$0x2] =	sbarrier.arrive $0xFFFF  }
0x119: {  	p0 =	sne.s32 s0, $0x0;
	s0 =	rddreg [dreg:$0x3]  }
0x11a: {  	s0 =	sadd.s32 @!p0 $0x100000, s0  }
0x11b: {  	[sflag:s0] =	ssyncadd.tile.s32 @!p0 $0x1;
	_ =	shalt  }
.Lfunc_end2:
_tile_overlayer_lowered:
.L_overlay_start_2:
0x11c: {  	(tag) =	ssettag $0x2  }
0x11d: {  	s0 =	rddreg [dreg:$0x0];
	s2 =	stileid.u32  }
0x11e: {  	s1 =	rddreg [dreg:$0x1];
	p0 =	sne.s32 s2, $0x0  }
0x11f: {  	s3 =	rddreg [dreg:$0x2];
	[bflag:$0x3] =	sbarrier.arrive $0xFFFF;
	s2 =	simm.s32 @!p0 $0x1C0D  }
0x120: {  	[timem:s3], [sflag:s2] =	dma.local @!p0 [hbm:s0], s1  }
0x121: {  	s0 =	simm.s32 @!p0 $0xD  }
0x122: {  	_ =	swait.ge @!p0 [sflag:s0], s1  }
0x123: {  	s1 =	ssub.s32 @!p0 $0x0, s1;
	[sflag:s0] =	ssyncset.done @!p0 $0x0  }
0x124: {  	[sflag:s0] =	ssyncadd.s32 @!p0 s1  }
0x125: {  	[bflag:$0x3] =	sbarrier.arrive $0xFFFF  }
0x126: {  	_ =	shalt  }

// kernel: kernel.14.cloned.1.call-start
scs
__scs_entry_jumppad:
0x0: {  	(pc) =	sbr.rel $0x88, $3  }
0x1: {  	(tag) =	ssettag $0x0;
	lr =	simm.s32 $0x1  }
0x2: {  	[smem:$0x3F9B] =	sst lr;
	_ =	strace $0xD0000000  }
0x3: {  	_ = 	snop  }
0x4: {  	_ = 	snop  }
0x5: {  	_ = 	snop  }
0x6: {  	_ = 	snop  }
0x7: {  	_ = 	snop  }
__scs_overlays_trampoline_lowered:
0x8: {  	[smem:$0x3FAA] =	sst s0  }
0x9: {  	[smem:$0x3FAB] =	sst s1  }
0xa: {  	[smem:$0x3FAC] =	sst s2  }
0xb: {  	[smem:$0x3FAD] =	sst s3  }
0xc: {  	[smem:$0x3FAE] =	sst s4  }
0xd: {  	[smem:$0x3FAF] =	sst s5  }
0xe: {  	[smem:$0x3FB0] =	sst s6  }
0xf: {  	[smem:$0x3FB1] =	sst s7  }
0x10: {  	[smem:$0x3FB2] =	sst s8  }
0x11: {  	[smem:$0x3FB3] =	sst s9;
	s0 =	simm.s32 @!p0 $0x0  }
0x12: {  	s1 =	sld [smem:$0x3F99];
	s0 =	simm.s32 @p0 $0x1  }
0x13: {  	[smem:$0x3FB4] =	sst s0;
	s0 =	simm.s32 @!p1 $0x0  }
0x14: {  	s2 =	sld [smem:$0x3F98];
	s0 =	simm.s32 @p1 $0x1  }
0x15: {  	[smem:$0x3FB5] =	sst s0;
	s0 =	simm.s32 @!p2 $0x0  }
0x16: {  	s3 =	sld [smem:$0x3FDB];
	s0 =	simm.s32 @p2 $0x1  }
0x17: {  	s4 =	simm.s32 $0x1BF5;
	[smem:$0x3FB7] =	sst s0  }
0x18: {  	s0 =	sld [smem:$0x3F9A];
	_ =	swait.ge [sflag:s4], $0x0  }
0x19: {  	s7 =	sld [smem:$0x3F9B]  }
0x1a: {  	s8 =	sadd.s32 $0xFFFFE003, lr  }
0x1b: {  	s9 =	sadd.s32 $0xFFFFFEF7, lr;
	s5 =	simm.s32 $0xFFFFFFFF;
	p2 =	slt.u32 s8, $0xFFFFF086  }
0x1c: {  	p1 =	slt.u32 s9, $0xF7A;
	s5 =	simm.s32 @!p2 $0x0  }
0x1d: {  	s5 =	simm.s32 @p1 $0x1;
	p0 =	seq.s32 s7, s2  }
0x1e: {  	s7 =	smul.u32 @!p0 $0xF7A, s2;
	p2 =	seq.s32 @!p0 s5, $0x0  }
0x1f: {  	s9 =	smul.u32 $0xF7A, s1;
	s8 =	simm.s32 @!p0 $0x1BF5;
	p2 =	por !p2, p0  }
0x20: {  	[sflag:s8] =	ssyncset.s32 @!p0 $0xFFFFF086;
	s6 =	sadd.s32 @!p0 s3, s7;
	s7 =	simm.s32 @!p0 $0x108  }
0x21: {  	s3 =	sadd.s32 s3, s9;
	s6 =	sadd.s32 @!p0 $0x88, s6;
	s7 =	simm.s32 @p2 $0x1082  }
0x22: {  	[simem:s7], [sflag:s8] =	dma.local @!p0 [hbm:s6], $0xF7A  }
0x23: {  	s9 =	sor.u32 $0xD0000000, s2;
	s6 =	simm.s32 $0x108;
	_ =	swait.ge @!p0 [sflag:s8], $0x0  }
0x24: {  	s3 =	sadd.s32 $0x88, s3;
	s6 =	simm.s32 @!p1 $0x1082;
	[sflag:s4] =	ssyncset.s32 $0xFFFFF086  }
0x25: {  	[simem:s6], [sflag:s4] =	dma.local [hbm:s3], $0xF7A  }
0x26: {  	[smem:$0x3F9B] =	sst s1;
	(tag) =	ssettag s2;
	_ =	strace s9  }
0x27: {  	s1 =	sld [smem:$0x3FAB]  }
0x28: {  	s2 =	sld [smem:$0x3FAC]  }
0x29: {  	s4 =	sld [smem:$0x3FAE]  }
0x2a: {  	p0 =	seq.s32 s5, $0x0;
	s5 =	sld [smem:$0x3FAF]  }
0x2b: {  	s6 =	sld [smem:$0x3FB0]  }
0x2c: {  	s7 =	sld [smem:$0x3FB1]  }
0x2d: {  	s3 =	simm.s32 $0x108;
	s8 =	sld [smem:$0x3FB2]  }
0x2e: {  	s3 =	simm.s32 @!p0 $0x1082;
	s9 =	sld [smem:$0x3FB3]  }
0x2f: {  	lr =	sadd.s32 s0, s3;
	s0 =	sld [smem:$0x3FAA]  }
0x30: {  	s3 =	sld [smem:$0x3FAD]  }
0x31: {  	[smem:$0x3FB6] =	sst s10  }
0x32: {  	s10 =	sld [smem:$0x3FB4];
	_ =	sdelay $0x3  }
0x33: {  	p0 =	seq.s32 s10, $0x1;
	s10 =	sld [smem:$0x3FB6];
	_ =	sdelay $0x3  }
0x34: {  	[smem:$0x3FB6] =	sst s10  }
0x35: {  	s10 =	sld [smem:$0x3FB5];
	_ =	sdelay $0x3  }
0x36: {  	p1 =	seq.s32 s10, $0x1;
	s10 =	sld [smem:$0x3FB6];
	_ =	sdelay $0x3  }
0x37: {  	[smem:$0x3FB6] =	sst s10  }
0x38: {  	s10 =	sld [smem:$0x3FB7]  }
0x39: {  	_ = 	snop;
	(pc) =	sbr.ind lr, $3  }
0x3a: {  	_ = 	snop  }
0x3b: {  	_ = 	snop  }
0x3c: {  	p2 =	seq.s32 s10, $0x1;
	s10 =	sld [smem:$0x3FB6]  }
0x3d: {  	_ =	shalt  }
0x3e: {  	_ =	shalt  }
0x3f: {  	_ =	shalt  }
0x40: {  	_ =	shalt  }
0x41: {  	_ =	shalt  }
0x42: {  	_ =	shalt  }
0x43: {  	_ =	shalt  }
0x44: {  	_ =	shalt  }
0x45: {  	_ =	shalt  }
0x46: {  	_ =	shalt  }
0x47: {  	_ =	shalt  }
0x48: {  	_ =	shalt  }
0x49: {  	_ =	shalt  }
0x4a: {  	_ =	shalt  }
0x4b: {  	_ =	shalt  }
0x4c: {  	_ =	shalt  }
0x4d: {  	_ =	shalt  }
0x4e: {  	_ =	shalt  }
0x4f: {  	_ =	shalt  }
0x50: {  	_ =	shalt  }
0x51: {  	_ =	shalt  }
0x52: {  	_ =	shalt  }
0x53: {  	_ =	shalt  }
0x54: {  	_ =	shalt  }
0x55: {  	_ =	shalt  }
0x56: {  	_ =	shalt  }
0x57: {  	_ =	shalt  }
0x58: {  	_ =	shalt  }
0x59: {  	_ =	shalt  }
0x5a: {  	_ =	shalt  }
0x5b: {  	_ =	shalt  }
0x5c: {  	_ =	shalt  }
0x5d: {  	_ =	shalt  }
0x5e: {  	_ =	shalt  }
0x5f: {  	_ =	shalt  }
0x60: {  	_ =	shalt  }
0x61: {  	_ =	shalt  }
0x62: {  	_ =	shalt  }
0x63: {  	_ =	shalt  }
0x64: {  	_ =	shalt  }
0x65: {  	_ =	shalt  }
0x66: {  	_ =	shalt  }
0x67: {  	_ =	shalt  }
0x68: {  	_ =	shalt  }
0x69: {  	_ =	shalt  }
0x6a: {  	_ =	shalt  }
0x6b: {  	_ =	shalt  }
0x6c: {  	_ =	shalt  }
0x6d: {  	_ =	shalt  }
0x6e: {  	_ =	shalt  }
0x6f: {  	_ =	shalt  }
0x70: {  	_ =	shalt  }
0x71: {  	_ =	shalt  }
0x72: {  	_ =	shalt  }
0x73: {  	_ =	shalt  }
0x74: {  	_ =	shalt  }
0x75: {  	_ =	shalt  }
0x76: {  	_ =	shalt  }
0x77: {  	_ =	shalt  }
0x78: {  	_ =	shalt  }
0x79: {  	_ =	shalt  }
0x7a: {  	_ =	shalt  }
0x7b: {  	_ =	shalt  }
0x7c: {  	_ =	shalt  }
0x7d: {  	_ =	shalt  }
0x7e: {  	_ =	shalt  }
0x7f: {  	_ =	shalt  }
0x80: {  	_ =	shalt  }
0x81: {  	_ =	shalt  }
0x82: {  	_ =	shalt  }
0x83: {  	_ =	shalt  }
0x84: {  	_ =	shalt  }
0x85: {  	_ =	shalt  }
0x86: {  	_ =	shalt  }
0x87: {  	_ =	shalt  }
.Lfunc_end0:
.L_simem_size_0:
called_computation.2_lowered:
.L_overlay_start_0:
0x88: {  	s2 =	sld [smem:$0x3FD9]  }
0x89: {  	s3 =	sld [smem:$0x3FFE];
	_ =	sdelay $0x1  }
0x8a: {  	s1 =	srdreg.scid  }
0x8b: {  	s0 =	sand.u32 $0x1, s1  }
0x8c: {  	s17 =	sshll.u32 s0, $0xA;
	s2 =	sadd.s32 s3, s2  }
0x8d: {  	s2 =	sadd.s32 s2, s17  }
0x8e: {  	[smem:$0x3FC2] =	sst s2  }
0x8f: {  	_ = 	snop  }
0x90: {  	s2 =	sld [smem:$0x3FD0];
	(tm) =	ssettm $0x1  }
0x91: {  	s18 =	sld [smem:$0x3FFB];
	_ =	sdelay $0x3  }
0x92: {  	_ =	strace s18  }
0x93: {  	s3 =	sld [smem:$0x3FFC];
	_ =	sdelay $0x3  }
0x94: {  	_ =	strace s3  }
0x95: {  	s3 =	sld [smem:$0x3FFD];
	_ =	sdelay $0x3  }
0x96: {  	_ =	strace s3  }
0x97: {  	_ =	strace $0x8FFFFFFF  }
0x98: {  	s19 =	sld [smem:$0x3FDB];
	_ =	sdelay $0x1  }
0x99: {  	s4 =	simm.s32 $_scs_section_size  }
0x9a: {  	s5 =	simm.s32 $_size__tile_overlayer_lowered;
	s6 =	simm.s32 $_tile_overlayer_lowered  }
0x9b: {  	s22 =	simm.s32 $0x1BFF;
	s21 =	sshll.u32 s6, $0x1;
	s3 =	sadd.s32 s4, s19  }
0x9c: {  	s7 =	simm.s32 $0x0;
	s20 =	sshll.u32 s5, $0x1;
	s5 =	sadd.s32 s21, s3  }
0x9d: {  	[timem:s7], [sflag:s22] =	dma.local [hbm:s5], s20  }
0x9e: {  	_ =	swait.ge [sflag:s22], s20  }
0x9f: {  	s4 =	ssub.s32 $0x0, s20;
	[sflag:s22] =	ssyncset.done $0x0  }
0xa0: {  	[sflag:s22] =	ssyncadd.s32 s4;
	_ =	sdelay $0x1  }
0xa1: {  	s23 =	simm.s32 $0x1B8B  }
0xa2: {  	_ =	swait.ge [sflag:s23], $0x1  }
0xa3: {  	[sflag:s23] =	ssyncset.done $0x0  }
0xa4: {  	s25 =	simm.s32 $0x1B8E;
	s24 =	sld [smem:$0x3FFE];
	[sflag:s23] =	ssyncadd.s32 $0xFFFFFFFF  }
0xa5: {  	s26 =	simm.s32 $execute0_lowered;
	[smem:$0x3FD2] =	sst s25  }
0xa6: {  	s5 =	sshll.u32 s26, $0x1;
	_ =	strace $0x8000004C;
	[dreg:$0x1] =	wrdreg $0xFFFFFFFF  }
0xa7: {  	s28 =	simm.s32 $_size_execute0_lowered;
	s3 =	sadd.s32 s3, s5;
	[dreg:$0x0] =	wrdreg $0x0  }
0xa8: {  	s5 =	sshll.u32 s28, $0x1;
	[dreg:$0x2] =	wrdreg s3  }
0xa9: {  	[dreg:$0x3] =	wrdreg s5  }
0xaa: {  	[dreg:$0x4] =	wrdreg $0xC0  }
0xab: {  	_ =	task [dreg:s7], $0x5FFFF  }
0xac: {  	[dreg:$0x1] =	wrdreg $0xFFFFFFFF  }
0xad: {  	[dreg:$0x0] =	wrdreg $0x60  }
0xae: {  	[dreg:$0x2] =	wrdreg s2  }
0xaf: {  	[dreg:$0x3] =	wrdreg s24  }
0xb0: {  	[dreg:$0x4] =	wrdreg $0x0  }
0xb1: {  	[dreg:$0x5] =	wrdreg $0x9  }
0xb2: {  	_ =	task.clear_ibuf [dreg:s7], $0x6FFFF;
	_ =	strace $0x9000004C  }
0xb3: {  	s29 =	simm.s32 $0x9;
	_ =	strace $0x8000004E  }
0xb4: {  	_ =	swait.ge [sflag:s29], $0x1  }
0xb5: {  	[sflag:s29] =	ssyncadd.s32 $0xFFFFFFFF  }
0xb6: {  	_ =	strace $0x9000004E  }
0xb7: {  	_ =	sfence  }
0xb8: {  	s30 =	sld [smem:$0x0];
	_ =	sdelay $0x2  }
0xb9: {  	s31 =	sshll.u32 s1, $0xD;
	s1 =	sshrl.u32 s1, $0x2  }
0xba: {  	s3 =	sand.u32 $0x4000, s31;
	s1 =	sadd.s32 s1, s30  }
0xbb: {  	s0 =	sor.u32 s3, s0;
	s1 =	sshll.u32 s1, $0x11  }
0xbc: {  	s0 =	sor.u32 s1, s0  }
0xbd: {  	s0 =	sadd.s32 $0x8F2B, s0  }
0xbe: {  	[sflag:s0] =	ssyncadd.remote.s32 $0x1  }
0xbf: {  	_ =	sfence.sel $0xFFFF  }
0xc0: {  	[dreg:$0x0] =	wrdreg $0xFFFFFFFF;
	(pc) =	sbr.abs _section_cstart, $3  }
0xc1: {  	[dreg:$0x1] =	wrdreg $0xFFFFFFFF  }
0xc2: {  	_ =	task.clear_ibuf [dreg:s7], $0x2FFFF;
	_ =	strace $0x9FFFFFFF  }
0xc3: {  	(tm) =	ssettm $0x7FFFFFFF  }
tec
execute0_lowered:
.L_overlay_start_1:
0x0: {  	(tag) =	ssettag $0x1  }
0x1: {  	s19 =	rddreg [dreg:$0x0]  }
0x2: {  	s0 =	rddreg [dreg:$0x1]  }
0x3: {  	s24 =	rddreg [dreg:$0x2];
	s3 =	simm.s32 $0x0;
	s1 =	srdreg.scid  }
0x4: {  	s10 =	stileid.u32;
	[smem:$0x7FF] =	sst s3  }
0x5: {  	s29 =	sadd.s32 $0x46000, s0;
	s6 =	sadd.s32 $0x38E00, s0;
	s4 =	sadd.s32 $0x2BC00, s0  }
0x6: {  	s7 =	sadd.s32 $0x96000, s0;
	s8 =	smul.u32 $0x50000, s10;
	s0 =	sadd.s32 $0xBE000, s0  }
0x7: {  	s9 =	smul.u32 $0xD20, s10;
	_ =	strace $0x8000004D;
	[dreg:$0x7] =	wrdreg s7  }
0x8: {  	s28 =	simm.s32 $0xB;
	s15 =	smul.u32 $0x2800, s10;
	[dreg:$0x8] =	wrdreg s0  }
0x9: {  	s1 =	sand.u32 $0x1, s1;
	s22 =	smul.u32 $0xD2, s10;
	[dreg:$0x1d] =	wrdreg s29  }
0xa: {  	s17 =	ssub.s32 $0x2, s1;
	s23 =	sadd.s32 s4, s9;
	[dreg:$0x12] =	wrdreg s15  }
0xb: {  	p0 =	seq.s32 s1, $0x1;
	s1 =	sadd.s32 $0x7, s22;
	[dreg:$0x4] =	wrdreg s23  }
0xc: {  	s12 =	sadd.s32 s6, s9;
	s26 =	sor.u32 $0x10, s9;
	[dreg:$0x11] =	wrdreg s1  }
0xd: {  	s21 =	smul.u32 $0x6900, s10;
	s13 =	sadd.s32 s6, s26;
	[dreg:$0xa] =	wrdreg s12  }
0xe: {  	s20 =	sshrl.u32 s8, $0x2;
	s8 =	sadd.s32 s4, s26;
	[dreg:$0xb] =	wrdreg s13  }
0xf: {  	s25 =	sshrl.u32 s21, $0x3;
	s11 =	sadd.s32 s20, s24;
	[dreg:$0xe] =	wrdreg s8  }
0x10: {  	s2 =	sadd.s32 $0x20, s25;
	s12 =	sadd.s32 $0x50, s12;
	[dreg:$0x9] =	wrdreg s11  }
0x11: {  	s7 =	sadd.s32 s6, s25;
	s5 =	sadd.s32 s6, s2;
	[dreg:$0x6] =	wrdreg s12  }
0x12: {  	s31 =	simm.s32 $0xC;
	s14 =	sadd.s32 $0x30, s7;
	[dreg:$0xc] =	wrdreg s5  }
0x13: {  	s18 =	sshrl.u32 s17, $0x1;
	s7 =	sadd.s32 $0x40, s7;
	[dreg:$0xd] =	wrdreg s14  }
0x14: {  	s0 =	ssub.s32 s17, s18;
	s4 =	sadd.s32 s4, s2;
	[dreg:$0xf] =	wrdreg s7  }
0x15: {  	s30 =	simm.s32 $0x0;
	s0 =	smax.u32 s0, $0x1;
	[dreg:$0x10] =	wrdreg s4  }
0x16: {  	s10 =	simm.s32 $0x1A300;
	s16 =	sadd.s32 $0x2000, s11;
	[dreg:$0x13] =	wrdreg s0  }
0x17: {  	s15 =	simm.s32 $0x7;
	s17 =	sadd.s32 $0x4000, s11;
	[dreg:$0x14] =	wrdreg s16  }
0x18: {  	s9 =	simm.s32 $0x4;
	s18 =	sadd.s32 $0x6000, s11;
	[dreg:$0x15] =	wrdreg s17  }
0x19: {  	s20 =	sadd.s32 $0x8000, s11;
	s21 =	sadd.s32 $0xA000, s11;
	[dreg:$0x16] =	wrdreg s18  }
0x1a: {  	s23 =	sadd.s32 $0xE000, s11;
	s25 =	sadd.s32 $0x10000, s11;
	[dreg:$0x17] =	wrdreg s20  }
0x1b: {  	s26 =	sadd.s32 $0x12000, s11;
	s13 =	simm.s32 $0xD;
	[dreg:$0x18] =	wrdreg s21  }
0x1c: {  	s2 =	simm.s32 $0x14200;
	s8 =	simm.s32 $0x6;
	[dreg:$0x1a] =	wrdreg s23  }
0x1d: {  	s5 =	sadd.s32 $0x6, s22;
	s22 =	sadd.s32 $0xC000, s11;
	[dreg:$0x1b] =	wrdreg s25  }
.Ltmp0:
0x1e: {  	[dreg:$0x1c] =	wrdreg s26;
	s17 =	simm.s32 $0x14180;
	(pc) =	sbr.rel .LBB2_1-.Ltmp0, $4  }
0x1f: {  	s14 =	simm.s32 $0x14080;
	s16 =	simm.s32 $0x60;
	s26 =	simm.s32 $0x14300  }
0x20: {  	s20 =	simm.s32 $0x1;
	s21 =	simm.s32 $0xA;
	s23 =	simm.s32 $0x8  }
0x21: {  	s25 =	simm.s32 $0x2;
	s4 =	simm.s32 $0x3;
	[dreg:$0x19] =	wrdreg s22  }
0x22: {  	v0 =	vimm.f32 $0.0e+00;
	s7 =	simm.s32 $0x5;
	s22 =	simm.s32 $0x14100;
	[dreg:$0x5] =	wrdreg s5  }
.LBB2_6:
0x23: {  	s1 =	rddreg [dreg:$0x7]  }
0x24: {  	[sflag:s10] =	ssyncadd.s32 $0xFFFFFF80;
	s29 =	rddreg [dreg:$0x1d]  }
0x25: {  	[tilespmem:s30], [sflag:$0x3] =	stream.indirect.gather [hbm4b:s19+s16], $0x80, s26, s16, $0xb8;
	[tilespmem:$0x1F300] =	vst v63  }
0x26: {  	s22 =	simm.s32 $0x14100;
	s10 =	simm.s32 $0x1A300;
	s30 =	rddreg [dreg:$0x1e]  }
.LBB2_10:
0x27: {  	_ =	swait.ge [sflag:s4], $0x3000  }
0x28: {  	[sflag:s4] =	ssyncset.done $0x0  }
0x29: {  	[sflag:s4] =	ssyncadd.s32 $0xFFFFD000  }
0x2a: {  	_ =	swait.ge [sflag:s31], $0x80  }
0x2b: {  	[sflag:s31] =	ssyncset.done $0x0  }
0x2c: {  	[sflag:s31] =	ssyncadd.s32 $0xFFFFFF80  }
0x2d: {  	s0 =	simm.s32 $0x14280;
	s24 =	rddreg [dreg:$0x2]  }
0x2e: {  	[spmem:s24] =	stream.indirect.scatter.add.f32 [tilespmem:s10], [sflag:$0x6], $0x80, s0, s16, $0xb8;
	[tilespmem:$0x1F300] =	vst v63  }
0x2f: {  	_ =	swait.ge [sflag:s9], $0x3000  }
0x30: {  	[sflag:s9] =	ssyncset.done $0x0  }
0x31: {  	[sflag:s9] =	ssyncadd.s32 $0xFFFFD000  }
0x32: {  	_ =	swait.ge [sflag:s7], $0x3000  }
0x33: {  	[sflag:s7] =	ssyncset.done $0x0  }
0x34: {  	[sflag:s7] =	ssyncadd.s32 $0xFFFFD000  }
0x35: {  	_ =	swait.ge [sflag:s8], $0x3000  }
0x36: {  	[sflag:s8] =	ssyncset.done $0x0  }
0x37: {  	[sflag:s8] =	ssyncadd.s32 $0xFFFFD000  }
0x38: {  	_ =	swait.ge [sflag:s15], $0x80  }
0x39: {  	[sflag:s15] =	ssyncset.done $0x0  }
0x3a: {  	[sflag:s15] =	ssyncadd.s32 $0xFFFFFF80  }
0x3b: {  	_ =	swait.ge [sflag:s23], $0x80  }
0x3c: {  	[sflag:s23] =	ssyncset.done $0x0  }
0x3d: {  	[sflag:s23] =	ssyncadd.s32 $0xFFFFFF80  }
0x3e: {  	s17 =	stileid.u32;
	s14 =	rddreg [dreg:$0x12];
	[bflag:$0x0] =	sbarrier.arrive $0xFFFF  }
0x3f: {  	s13 =	simm.s32 $0xD;
	s11 =	sshll.u32 s17, $0x6;
	s18 =	rddreg [dreg:$0x9]  }
0x40: {  	s11 =	sor.u32 $0x1C0D, s11;
	s1 =	sadd.s32 s1, s14;
	s18 =	sshrl.u32 s18, $0x3  }
0x41: {  	[hbm:s1], [sflag:s11] =	dma.local [spmem:s18], $0x2800  }
0x42: {  	_ =	swait.ge [sflag:s13], $0x2800  }
0x43: {  	s30 =	sadd.s32 $0x1, s30;
	s26 =	rddreg [dreg:$0x13]  }
0x44: {  	p1 =	sne.s32 s30, s26  }
.Ltmp1:
0x45: {  	_ = 	snop;
	(pc) =	sbr.rel @!p1 .LBB2_11-.Ltmp1, $4  }
0x46: {  	_ = 	snop  }
0x47: {  	s2 =	simm.s32 $0x14200  }
0x48: {  	s17 =	simm.s32 $0x14180;
	s14 =	simm.s32 $0x14080;
	[sflag:s13] =	ssyncset.done $0x0  }
0x49: {  	s12 =	rddreg [dreg:$0x6];
	[sflag:s13] =	ssyncadd.s32 $0xFFFFD800;
	s26 =	simm.s32 $0x14300  }
.LBB2_1:
0x4a: {  	[dreg:$0x1e] =	wrdreg s30;
	s1 =	sand.u32 $0x7E00, s3  }
0x4b: {  	s0 =	smov.u32 s19;
	s11 =	sand.u32 $0x70, s3;
	s18 =	sshrl.u32 s1, $0x2  }
0x4c: {  	s1 =	simm.s32 $0x40;
	s18 =	sor.u32 s11, s18;
	s11 =	simm.s32 $0x0  }
.LBB2_2:
0x4d: {  	p1 =	sne.s32 s1, $0x7FC0  }
0x4e: {  	[tilespmem:s18+$0x1D300] =	vst v0;
	s11 =	sadd.s32 $0x10, s11;
	s18 =	smov.u32 s1;
	s1 =	sadd.s32 $0x40, s1  }
.Ltmp2:
0x4f: {  	(pc) =	sbr.rel @p1 .LBB2_2-.Ltmp2, $4  }
0x50: {  	_ = 	snop  }
0x51: {  	s18 =	sand.u32 $0x7E00, s18  }
0x52: {  	s19 =	sand.u32 $0x70, s11;
	s18 =	sshrl.u32 s18, $0x2  }
0x53: {  	s18 =	sor.u32 s19, s18  }
0x54: {  	[tilespmem:s18+$0x1D300] =	vst v0;
	s1 =	rddreg [dreg:$0x9];
	s5 =	simm.s32 $0x1D300  }
0x55: {  	[spmem:s1] =	stream.linear.scatter [tilespmem:s5], [sflag:$0xD], $0x2000, $0x38;
	[tilespmem:$0x1F300] =	vst v63  }
0x56: {  	_ =	swait.ge [sflag:s13], $0x2000  }
0x57: {  	[sflag:s13] =	ssyncset.done $0x0  }
0x58: {  	s11 =	rddreg [dreg:$0x14];
	[sflag:s13] =	ssyncadd.s32 $0xFFFFE000  }
0x59: {  	[spmem:s11] =	stream.linear.scatter [tilespmem:s5], [sflag:$0xD], $0x2000, $0x38;
	[tilespmem:$0x1F300] =	vst v63  }
0x5a: {  	_ =	swait.ge [sflag:s13], $0x2000  }
0x5b: {  	[sflag:s13] =	ssyncset.done $0x0  }
0x5c: {  	s18 =	rddreg [dreg:$0x15];
	[sflag:s13] =	ssyncadd.s32 $0xFFFFE000  }
0x5d: {  	[spmem:s18] =	stream.linear.scatter [tilespmem:s5], [sflag:$0xD], $0x2000, $0x38;
	[tilespmem:$0x1F300] =	vst v63  }
0x5e: {  	_ =	swait.ge [sflag:s13], $0x2000  }
0x5f: {  	[sflag:s13] =	ssyncset.done $0x0  }
0x60: {  	s19 =	rddreg [dreg:$0x16];
	[sflag:s13] =	ssyncadd.s32 $0xFFFFE000  }
0x61: {  	[spmem:s19] =	stream.linear.scatter [tilespmem:s5], [sflag:$0xD], $0x2000, $0x38;
	[tilespmem:$0x1F300] =	vst v63  }
0x62: {  	_ =	swait.ge [sflag:s13], $0x2000  }
0x63: {  	[sflag:s13] =	ssyncset.done $0x0  }
0x64: {  	s11 =	rddreg [dreg:$0x17];
	[sflag:s13] =	ssyncadd.s32 $0xFFFFE000  }
0x65: {  	[spmem:s11] =	stream.linear.scatter [tilespmem:s5], [sflag:$0xD], $0x2000, $0x38;
	[tilespmem:$0x1F300] =	vst v63  }
0x66: {  	_ =	swait.ge [sflag:s13], $0x2000  }
0x67: {  	[sflag:s13] =	ssyncset.done $0x0  }
0x68: {  	s18 =	rddreg [dreg:$0x18];
	[sflag:s13] =	ssyncadd.s32 $0xFFFFE000  }
0x69: {  	[spmem:s18] =	stream.linear.scatter [tilespmem:s5], [sflag:$0xD], $0x2000, $0x38;
	[tilespmem:$0x1F300] =	vst v63  }
0x6a: {  	_ =	swait.ge [sflag:s13], $0x2000  }
0x6b: {  	[sflag:s13] =	ssyncset.done $0x0  }
0x6c: {  	s19 =	rddreg [dreg:$0x19];
	[sflag:s13] =	ssyncadd.s32 $0xFFFFE000  }
0x6d: {  	[spmem:s19] =	stream.linear.scatter [tilespmem:s5], [sflag:$0xD], $0x2000, $0x38;
	[tilespmem:$0x1F300] =	vst v63  }
0x6e: {  	_ =	swait.ge [sflag:s13], $0x2000  }
0x6f: {  	[sflag:s13] =	ssyncset.done $0x0  }
0x70: {  	s11 =	rddreg [dreg:$0x1a];
	[sflag:s13] =	ssyncadd.s32 $0xFFFFE000  }
0x71: {  	[spmem:s11] =	stream.linear.scatter [tilespmem:s5], [sflag:$0xD], $0x2000, $0x38;
	[tilespmem:$0x1F300] =	vst v63  }
0x72: {  	_ =	swait.ge [sflag:s13], $0x2000  }
0x73: {  	[sflag:s13] =	ssyncset.done $0x0  }
0x74: {  	s18 =	rddreg [dreg:$0x1b];
	[sflag:s13] =	ssyncadd.s32 $0xFFFFE000  }
0x75: {  	[spmem:s18] =	stream.linear.scatter [tilespmem:s5], [sflag:$0xD], $0x2000, $0x38;
	[tilespmem:$0x1F300] =	vst v63  }
0x76: {  	_ =	swait.ge [sflag:s13], $0x2000  }
0x77: {  	[sflag:s13] =	ssyncset.done $0x0  }
0x78: {  	s19 =	rddreg [dreg:$0x1c];
	[sflag:s13] =	ssyncadd.s32 $0xFFFFE000  }
0x79: {  	[spmem:s19] =	stream.linear.scatter [tilespmem:s5], [sflag:$0xD], $0x2000, $0x38;
	[tilespmem:$0x1F300] =	vst v63  }
0x7a: {  	_ =	swait.ge [sflag:s13], $0x2000  }
0x7b: {  	[sflag:s13] =	ssyncset.done $0x0  }
0x7c: {  	[sflag:s13] =	ssyncadd.s32 $0xFFFFE000  }
0x7d: {  	[bflag:$0x0] =	sbarrier.arrive $0xFFFF  }
0x7e: {  	s13 =	simm.s32 $0x14000;
	s11 =	rddreg [dreg:$0xa]  }
0x7f: {  	[tilespmem:s13], [sflag:$0x7] =	stream.linear.gather [hbm4b:s11+s3], $0x80, $0x38;
	[tilespmem:$0x1F300] =	vst v63  }
0x80: {  	s30 =	rddreg [dreg:$0x4]  }
0x81: {  	[tilespmem:s17], [sflag:$0xA] =	stream.linear.gather [hbm4b:s30+s3], $0x80, $0x38;
	[tilespmem:$0x1F300] =	vst v63  }
0x82: {  	s18 =	rddreg [dreg:$0xb]  }
0x83: {  	[tilespmem:s14], [sflag:$0x8] =	stream.linear.gather [hbm4b:s18+s3], $0x80, $0x38;
	[tilespmem:$0x1F300] =	vst v63  }
.Ltmp3:
0x84: {  	s19 =	rddreg [dreg:$0xc];
	(pc) =	sbr.rel @!p0 .LBB2_4-.Ltmp3, $4  }
0x85: {  	[tilespmem:s22], [sflag:$0x9] =	stream.linear.gather [hbm4b:s19+s3], $0x80, $0x38;
	[tilespmem:$0x1F300] =	vst v63  }
0x86: {  	_ =	swait.ge [sflag:s15], $0x80  }
0x87: {  	[sflag:s15] =	ssyncset.done $0x0  }
0x88: {  	[sflag:s15] =	ssyncadd.s32 $0xFFFFFF80  }
0x89: {  	[tilespmem:s26], [sflag:$0x1] =	stream.indirect.gather [hbm4b:s29+s16], $0x80, s13, s16, $0xb8;
	[tilespmem:$0x1F300] =	vst v63  }
0x8a: {  	_ =	swait.ge [sflag:s20], $0x3000  }
0x8b: {  	[sflag:s20] =	ssyncset.done $0x0  }
0x8c: {  	[sflag:s20] =	ssyncadd.s32 $0xFFFFD000  }
0x8d: {  	_ =	swait.ge [sflag:s21], $0x80  }
0x8e: {  	[sflag:s21] =	ssyncset.done $0x0  }
0x8f: {  	[sflag:s21] =	ssyncadd.s32 $0xFFFFFF80  }
0x90: {  	[spmem:s24] =	stream.indirect.scatter.add.f32 [tilespmem:s26], [sflag:$0x4], $0x80, s17, s16, $0xb8;
	[tilespmem:$0x1F300] =	vst v63  }
0x91: {  	s1 =	simm.s32 $0x0;
	s11 =	rddreg [dreg:$0xd]  }
0x92: {  	[tilespmem:s13], [sflag:$0x7] =	stream.linear.gather [hbm4b:s11+s1], $0x80, $0x38;
	[tilespmem:$0x1F300] =	vst v63  }
0x93: {  	s19 =	rddreg [dreg:$0xe]  }
0x94: {  	[tilespmem:s2], [sflag:$0xB] =	stream.linear.gather [hbm4b:s19+s1], $0x80, $0x38;
	[tilespmem:$0x1F300] =	vst v63  }
0x95: {  	_ =	swait.ge [sflag:s23], $0x80  }
0x96: {  	[sflag:s23] =	ssyncset.done $0x0  }
0x97: {  	s8 =	simm.s32 $0x17300;
	[sflag:s23] =	ssyncadd.s32 $0xFFFFFF80  }
0x98: {  	[tilespmem:s8], [sflag:$0x2] =	stream.indirect.gather [hbm4b:s29+s16], $0x80, s14, s16, $0xb8;
	[tilespmem:$0x1F300] =	vst v63  }
0x99: {  	_ =	swait.ge [sflag:s25], $0x3000  }
0x9a: {  	[sflag:s25] =	ssyncset.done $0x0  }
0x9b: {  	[sflag:s25] =	ssyncadd.s32 $0xFFFFD000  }
0x9c: {  	_ =	swait.ge [sflag:s28], $0x80  }
0x9d: {  	[sflag:s28] =	ssyncset.done $0x0  }
0x9e: {  	[sflag:s28] =	ssyncadd.s32 $0xFFFFFF80  }
0x9f: {  	[spmem:s24] =	stream.indirect.scatter.add.f32 [tilespmem:s8], [sflag:$0x5], $0x80, s2, s16, $0xb8;
	[tilespmem:$0x1F300] =	vst v63  }
0xa0: {  	s2 =	rddreg [dreg:$0xf]  }
0xa1: {  	[tilespmem:s14], [sflag:$0x8] =	stream.linear.gather [hbm4b:s2+s1], $0x80, $0x38;
	[tilespmem:$0x1F300] =	vst v63  }
0xa2: {  	s19 =	simm.s32 $0x9;
	s5 =	rddreg [dreg:$0x10];
	s14 =	simm.s32 $0x14280  }
0xa3: {  	[tilespmem:s14], [sflag:$0xC] =	stream.linear.gather [hbm4b:s5+s1], $0x80, $0x38;
	[tilespmem:$0x1F300] =	vst v63  }
0xa4: {  	_ =	swait.ge [sflag:s19], $0x80  }
0xa5: {  	[sflag:s19] =	ssyncset.done $0x0  }
0xa6: {  	[sflag:s19] =	ssyncadd.s32 $0xFFFFFF80  }
0xa7: {  	[tilespmem:s10], [sflag:$0x3] =	stream.indirect.gather [hbm4b:s29+s16], $0x80, s22, s16, $0xb8;
	[tilespmem:$0x1F300] =	vst v63  }
0xa8: {  	_ =	swait.ge [sflag:s4], $0x3000  }
0xa9: {  	[sflag:s4] =	ssyncset.done $0x0  }
0xaa: {  	[sflag:s4] =	ssyncadd.s32 $0xFFFFD000  }
0xab: {  	_ =	swait.ge [sflag:s31], $0x80  }
0xac: {  	[sflag:s31] =	ssyncset.done $0x0  }
0xad: {  	s18 =	simm.s32 $0x14280;
	[sflag:s31] =	ssyncadd.s32 $0xFFFFFF80  }
0xae: {  	[spmem:s24] =	stream.indirect.scatter.add.f32 [tilespmem:s10], [sflag:$0x6], $0x80, s18, s16, $0xb8;
	[tilespmem:$0x1F300] =	vst v63  }
0xaf: {  	s2 =	sadd.s32 $0x0, s12  }
0xb0: {  	[tilespmem:s22], [sflag:$0x9] =	stream.linear.gather [hbm4b:s2+s3], $0x80, $0x38;
	[tilespmem:$0x1F300] =	vst v63  }
0xb1: {  	_ =	swait.ge [sflag:s9], $0x3000  }
0xb2: {  	s11 =	sadd.s32 $0x0, s30;
	[sflag:s9] =	ssyncset.done $0x0  }
0xb3: {  	s18 =	sadd.s32 $0x30, s11;
	[sflag:s9] =	ssyncadd.s32 $0xFFFFD000  }
0xb4: {  	[tilespmem:s17], [sflag:$0xA] =	stream.linear.gather [hbm4b:s18+s3], $0x80, $0x38;
	[tilespmem:$0x1F300] =	vst v63  }
0xb5: {  	_ =	swait.ge [sflag:s15], $0x80  }
0xb6: {  	[sflag:s15] =	ssyncset.done $0x0  }
0xb7: {  	[sflag:s15] =	ssyncadd.s32 $0xFFFFFF80  }
0xb8: {  	[tilespmem:s26], [sflag:$0x1] =	stream.indirect.gather [hbm4b:s29+s16], $0x80, s13, s16, $0xb8;
	[tilespmem:$0x1F300] =	vst v63  }
0xb9: {  	_ =	swait.ge [sflag:s20], $0x3000  }
0xba: {  	[sflag:s20] =	ssyncset.done $0x0  }
0xbb: {  	[sflag:s20] =	ssyncadd.s32 $0xFFFFD000  }
0xbc: {  	_ =	swait.ge [sflag:s21], $0x80  }
0xbd: {  	s4 =	smin.u32 s1, $0xCB;
	s9 =	rddreg [dreg:$0x5]  }
0xbe: {  	[sflag:s21] =	ssyncset.done $0x0;
	s18 =	sadd.s32 s4, s9  }
0xbf: {  	[sflag:s21] =	ssyncadd.s32 $0xFFFFFF80;
	s18 =	sshll.u32 s18, $0x4  }
0xc0: {  	[spmem:s24] =	stream.indirect.scatter.add.f32 [tilespmem:s26], [sflag:$0x4], $0x80, s17, s16, $0xb8;
	[tilespmem:$0x1F300] =	vst v63  }
0xc1: {  	s18 =	sadd.s32 s6, s18  }
0xc2: {  	[tilespmem:s13], [sflag:$0x7] =	stream.linear.gather [hbm4b:s18+s3], $0x80, $0x38;
	[tilespmem:$0x1F300] =	vst v63  }
0xc3: {  	_ =	swait.ge [sflag:s7], $0x3000  }
0xc4: {  	[sflag:s7] =	ssyncset.done $0x0  }
0xc5: {  	s5 =	simm.s32 $0x14200;
	s10 =	sadd.s32 $0x40, s11;
	[sflag:s7] =	ssyncadd.s32 $0xFFFFD000  }
0xc6: {  	[tilespmem:s5], [sflag:$0xB] =	stream.linear.gather [hbm4b:s10+s3], $0x80, $0x38;
	[tilespmem:$0x1F300] =	vst v63  }
0xc7: {  	_ =	swait.ge [sflag:s23], $0x80  }
0xc8: {  	[sflag:s23] =	ssyncset.done $0x0  }
0xc9: {  	s14 =	simm.s32 $0x14080;
	[sflag:s23] =	ssyncadd.s32 $0xFFFFFF80  }
0xca: {  	[tilespmem:s8], [sflag:$0x2] =	stream.indirect.gather [hbm4b:s29+s16], $0x80, s14, s16, $0xb8;
	[tilespmem:$0x1F300] =	vst v63  }
0xcb: {  	_ =	swait.ge [sflag:s25], $0x3000  }
0xcc: {  	s30 =	simm.s32 $0xB;
	[sflag:s25] =	ssyncset.done $0x0  }
0xcd: {  	s12 =	smin.u32 s1, $0xCA;
	s31 =	simm.s32 $0x3;
	[sflag:s25] =	ssyncadd.s32 $0xFFFFD000  }
0xce: {  	s11 =	sadd.s32 $0x50, s11;
	s2 =	simm.s32 $0x6;
	_ =	swait.ge [sflag:s28], $0x80  }
0xcf: {  	s22 =	simm.s32 $0x14180;
	s15 =	simm.s32 $0x14300;
	s13 =	rddreg [dreg:$0x11]  }
0xd0: {  	s20 =	simm.s32 $0x7;
	[sflag:s28] =	ssyncset.done $0x0;
	s18 =	sadd.s32 s12, s13  }
0xd1: {  	s25 =	simm.s32 $0x17300;
	[sflag:s30] =	ssyncadd.s32 $0xFFFFFF80;
	s18 =	sshll.u32 s18, $0x4  }
0xd2: {  	[spmem:s24] =	stream.indirect.scatter.add.f32 [tilespmem:s25], [sflag:$0x5], $0x80, s5, s16, $0xb8;
	[tilespmem:$0x1F300] =	vst v63  }
0xd3: {  	s9 =	simm.s32 $0xC;
	s4 =	simm.s32 $0x1A300;
	s18 =	sadd.s32 s6, s18  }
0xd4: {  	[tilespmem:s14], [sflag:$0x8] =	stream.linear.gather [hbm4b:s18+s3], $0x80, $0x38;
	[tilespmem:$0x1F300] =	vst v63  }
0xd5: {  	s21 =	simm.s32 $0x1;
	s26 =	simm.s32 $0x14100;
	_ =	swait.ge [sflag:s2], $0x3000  }
0xd6: {  	s17 =	simm.s32 $0x14000;
	s7 =	simm.s32 $0x4;
	[sflag:s2] =	ssyncset.done $0x0  }
0xd7: {  	s10 =	simm.s32 $0x8;
	s18 =	simm.s32 $0x14280;
	[sflag:s2] =	ssyncadd.s32 $0xFFFFD000  }
0xd8: {  	[tilespmem:s18], [sflag:$0xC] =	stream.linear.gather [hbm4b:s11+s3], $0x80, $0x38;
	[tilespmem:$0x1F300] =	vst v63  }
0xd9: {  	s23 =	simm.s32 $0xA;
	s8 =	simm.s32 $0x5;
	_ =	swait.ge [sflag:s19], $0x80  }
0xda: {  	s28 =	simm.s32 $0x2;
	s11 =	simm.s32 $0x30;
	[sflag:s19] =	ssyncset.done $0x0  }
.LBB2_8:
0xdb: {  	[sflag:s19] =	ssyncadd.s32 $0xFFFFFF80  }
0xdc: {  	[tilespmem:s4], [sflag:$0x3] =	stream.indirect.gather [hbm4b:s29+s16], $0x80, s26, s16, $0xb8;
	[tilespmem:$0x1F300] =	vst v63  }
0xdd: {  	_ =	swait.ge [sflag:s31], $0x3000  }
0xde: {  	[sflag:s31] =	ssyncset.done $0x0  }
0xdf: {  	[sflag:s31] =	ssyncadd.s32 $0xFFFFD000  }
0xe0: {  	_ =	swait.ge [sflag:s9], $0x80  }
0xe1: {  	s18 =	smov.u32 s11;
	[sflag:s9] =	ssyncset.done $0x0  }
0xe2: {  	s5 =	simm.s32 $0x14280;
	s12 =	rddreg [dreg:$0x6];
	[sflag:s9] =	ssyncadd.s32 $0xFFFFFF80  }
0xe3: {  	[spmem:s24] =	stream.indirect.scatter.add.f32 [tilespmem:s4], [sflag:$0x6], $0x80, s5, s16, $0xb8;
	[tilespmem:$0x1F300] =	vst v63  }
0xe4: {  	s12 =	sadd.s32 s18, s12  }
0xe5: {  	[tilespmem:s26], [sflag:$0x9] =	stream.linear.gather [hbm4b:s12+s3], $0x80, $0x38;
	[tilespmem:$0x1F300] =	vst v63  }
0xe6: {  	_ =	swait.ge [sflag:s7], $0x3000  }
0xe7: {  	s14 =	rddreg [dreg:$0x4]  }
0xe8: {  	[sflag:s7] =	ssyncset.done $0x0;
	s18 =	sadd.s32 s18, s14  }
0xe9: {  	[sflag:s7] =	ssyncadd.s32 $0xFFFFD000;
	s19 =	sadd.s32 $0x30, s18  }
0xea: {  	[tilespmem:s22], [sflag:$0xA] =	stream.linear.gather [hbm4b:s19+s3], $0x80, $0x38;
	[tilespmem:$0x1F300] =	vst v63  }
0xeb: {  	_ =	swait.ge [sflag:s20], $0x80  }
0xec: {  	[sflag:s20] =	ssyncset.done $0x0  }
0xed: {  	[sflag:s20] =	ssyncadd.s32 $0xFFFFFF80  }
0xee: {  	[tilespmem:s15], [sflag:$0x1] =	stream.indirect.gather [hbm4b:s29+s16], $0x80, s17, s16, $0xb8;
	[tilespmem:$0x1F300] =	vst v63  }
0xef: {  	_ =	swait.ge [sflag:s21], $0x3000  }
0xf0: {  	[sflag:s21] =	ssyncset.done $0x0  }
0xf1: {  	[sflag:s21] =	ssyncadd.s32 $0xFFFFD000  }
0xf2: {  	s1 =	sadd.s32 $0x3, s1;
	_ =	swait.ge [sflag:s23], $0x80  }
0xf3: {  	s12 =	smin.u32 s1, $0xCB;
	s14 =	rddreg [dreg:$0x5]  }
0xf4: {  	[sflag:s23] =	ssyncset.done $0x0;
	s19 =	sadd.s32 s12, s14  }
0xf5: {  	[sflag:s23] =	ssyncadd.s32 $0xFFFFFF80;
	s19 =	sshll.u32 s19, $0x4  }
0xf6: {  	[spmem:s24] =	stream.indirect.scatter.add.f32 [tilespmem:s15], [sflag:$0x4], $0x80, s22, s16, $0xb8;
	[tilespmem:$0x1F300] =	vst v63  }
0xf7: {  	s19 =	sadd.s32 s6, s19  }
0xf8: {  	[tilespmem:s17], [sflag:$0x7] =	stream.linear.gather [hbm4b:s19+s3], $0x80, $0x38;
	[tilespmem:$0x1F300] =	vst v63  }
0xf9: {  	_ =	swait.ge [sflag:s8], $0x3000  }
0xfa: {  	[sflag:s8] =	ssyncset.done $0x0  }
0xfb: {  	s12 =	sadd.s32 $0x40, s18;
	s14 =	simm.s32 $0x14200;
	[sflag:s8] =	ssyncadd.s32 $0xFFFFD000  }
0xfc: {  	[tilespmem:s14], [sflag:$0xB] =	stream.linear.gather [hbm4b:s12+s3], $0x80, $0x38;
	[tilespmem:$0x1F300] =	vst v63  }
0xfd: {  	_ =	swait.ge [sflag:s10], $0x80  }
0xfe: {  	[sflag:s10] =	ssyncset.done $0x0  }
0xff: {  	s12 =	simm.s32 $0x14080;
	[sflag:s10] =	ssyncadd.s32 $0xFFFFFF80  }
0x100: {  	[tilespmem:s25], [sflag:$0x2] =	stream.indirect.gather [hbm4b:s29+s16], $0x80, s12, s16, $0xb8;
	[tilespmem:$0x1F300] =	vst v63  }
0x101: {  	_ =	swait.ge [sflag:s28], $0x3000  }
0x102: {  	[sflag:s28] =	ssyncset.done $0x0  }
0x103: {  	[sflag:s28] =	ssyncadd.s32 $0xFFFFD000  }
0x104: {  	s19 =	smin.u32 s1, $0xCA;
	_ =	swait.ge [sflag:s30], $0x80  }
0x105: {  	s19 =	sadd.s32 s19, s13;
	[sflag:s30] =	ssyncset.done $0x0  }
0x106: {  	s19 =	sshll.u32 s19, $0x4;
	[sflag:s30] =	ssyncadd.s32 $0xFFFFFF80  }
0x107: {  	[spmem:s24] =	stream.indirect.scatter.add.f32 [tilespmem:s25], [sflag:$0x5], $0x80, s14, s16, $0xb8;
	[tilespmem:$0x1F300] =	vst v63  }
0x108: {  	s19 =	sadd.s32 s6, s19  }
0x109: {  	[tilespmem:s12], [sflag:$0x8] =	stream.linear.gather [hbm4b:s19+s3], $0x80, $0x38;
	[tilespmem:$0x1F300] =	vst v63  }
0x10a: {  	p1 =	sne.s32 s11, $0xCC0;
	_ =	swait.ge [sflag:s2], $0x3000  }
.Ltmp4:
0x10b: {  	[sflag:s2] =	ssyncset.done $0x0;
	(pc) =	sbr.rel @p1 .LBB2_8-.Ltmp4, $4  }
0x10c: {  	s18 =	sadd.s32 $0x50, s18;
	s19 =	simm.s32 $0x9;
	[sflag:s2] =	ssyncadd.s32 $0xFFFFD000  }
0x10d: {  	[tilespmem:s5], [sflag:$0xC] =	stream.linear.gather [hbm4b:s18+s3], $0x80, $0x38;
	[tilespmem:$0x1F300] =	vst v63  }
0x10e: {  	_ =	swait.ge [sflag:s19], $0x80  }
0x10f: {  	s11 =	sadd.s32 $0x30, s11;
	[sflag:s19] =	ssyncset.done $0x0  }
0x110: {  	[sflag:s19] =	ssyncadd.s32 $0xFFFFFF80;
	s1 =	rddreg [dreg:$0x8];
	s19 =	smov.u32 s0  }
0x111: {  	s22 =	simm.s32 $0x14100;
	s15 =	simm.s32 $0x7;
	s20 =	simm.s32 $0x1  }
.Ltmp5:
0x112: {  	s21 =	simm.s32 $0xA;
	s23 =	simm.s32 $0x8;
	(pc) =	sbr.rel .LBB2_10-.Ltmp5, $4  }
0x113: {  	s25 =	simm.s32 $0x2;
	s28 =	simm.s32 $0xB;
	s10 =	simm.s32 $0x1A300  }
0x114: {  	s31 =	simm.s32 $0xC;
	s9 =	simm.s32 $0x4;
	s7 =	simm.s32 $0x5  }
0x115: {  	[tilespmem:s4], [sflag:$0x3] =	stream.indirect.gather [hbm4b:s29+s16], $0x80, s26, s16, $0xb8;
	[tilespmem:$0x1F300] =	vst v63  }
0x116: {  	s8 =	simm.s32 $0x6;
	s30 =	rddreg [dreg:$0x1e];
	s4 =	simm.s32 $0x3  }
.LBB2_4:
0x117: {  	[tilespmem:s26], [sflag:$0x1] =	stream.indirect.gather [hbm4b:s0+s16], $0x80, s13, s16, $0xb8;
	[tilespmem:$0x1F300] =	vst v63  }
0x118: {  	_ =	swait.ge [sflag:s20], $0x3000  }
0x119: {  	[sflag:s20] =	ssyncset.done $0x0  }
0x11a: {  	[sflag:s20] =	ssyncadd.s32 $0xFFFFD000  }
0x11b: {  	_ =	swait.ge [sflag:s21], $0x80  }
0x11c: {  	[sflag:s21] =	ssyncset.done $0x0  }
0x11d: {  	[sflag:s21] =	ssyncadd.s32 $0xFFFFFF80  }
0x11e: {  	[spmem:s24] =	stream.indirect.scatter.add.f32 [tilespmem:s26], [sflag:$0x4], $0x80, s17, s16, $0xb8;
	[tilespmem:$0x1F300] =	vst v63  }
0x11f: {  	s1 =	simm.s32 $0x0;
	s11 =	rddreg [dreg:$0xd]  }
0x120: {  	[tilespmem:s13], [sflag:$0x7] =	stream.linear.gather [hbm4b:s11+s1], $0x80, $0x38;
	[tilespmem:$0x1F300] =	vst v63  }
0x121: {  	s5 =	rddreg [dreg:$0xe]  }
0x122: {  	[tilespmem:s2], [sflag:$0xB] =	stream.linear.gather [hbm4b:s5+s1], $0x80, $0x38;
	[tilespmem:$0x1F300] =	vst v63  }
0x123: {  	_ =	swait.ge [sflag:s23], $0x80  }
0x124: {  	[sflag:s23] =	ssyncset.done $0x0  }
0x125: {  	s5 =	simm.s32 $0x17300;
	[sflag:s23] =	ssyncadd.s32 $0xFFFFFF80  }
0x126: {  	[tilespmem:s5], [sflag:$0x2] =	stream.indirect.gather [hbm4b:s0+s16], $0x80, s14, s16, $0xb8;
	[tilespmem:$0x1F300] =	vst v63  }
0x127: {  	_ =	swait.ge [sflag:s25], $0x3000  }
0x128: {  	[sflag:s25] =	ssyncset.done $0x0  }
0x129: {  	[sflag:s25] =	ssyncadd.s32 $0xFFFFD000  }
0x12a: {  	_ =	swait.ge [sflag:s28], $0x80  }
0x12b: {  	[sflag:s28] =	ssyncset.done $0x0  }
0x12c: {  	[sflag:s28] =	ssyncadd.s32 $0xFFFFFF80  }
0x12d: {  	[spmem:s24] =	stream.indirect.scatter.add.f32 [tilespmem:s5], [sflag:$0x5], $0x80, s2, s16, $0xb8;
	[tilespmem:$0x1F300] =	vst v63  }
0x12e: {  	s10 =	rddreg [dreg:$0xf]  }
0x12f: {  	[tilespmem:s14], [sflag:$0x8] =	stream.linear.gather [hbm4b:s10+s1], $0x80, $0x38;
	[tilespmem:$0x1F300] =	vst v63  }
0x130: {  	s5 =	simm.s32 $0x14280;
	s14 =	rddreg [dreg:$0x10];
	s10 =	simm.s32 $0x9  }
0x131: {  	[tilespmem:s5], [sflag:$0xC] =	stream.linear.gather [hbm4b:s14+s1], $0x80, $0x38;
	[tilespmem:$0x1F300] =	vst v63  }
0x132: {  	_ =	swait.ge [sflag:s10], $0x80  }
0x133: {  	[sflag:s10] =	ssyncset.done $0x0  }
0x134: {  	s18 =	simm.s32 $0x1A300;
	[sflag:s10] =	ssyncadd.s32 $0xFFFFFF80  }
0x135: {  	[tilespmem:s18], [sflag:$0x3] =	stream.indirect.gather [hbm4b:s0+s16], $0x80, s22, s16, $0xb8;
	[tilespmem:$0x1F300] =	vst v63  }
0x136: {  	_ =	swait.ge [sflag:s4], $0x3000  }
0x137: {  	[sflag:s4] =	ssyncset.done $0x0  }
0x138: {  	[sflag:s4] =	ssyncadd.s32 $0xFFFFD000  }
0x139: {  	_ =	swait.ge [sflag:s31], $0x80  }
0x13a: {  	[sflag:s31] =	ssyncset.done $0x0  }
0x13b: {  	[sflag:s31] =	ssyncadd.s32 $0xFFFFFF80  }
0x13c: {  	[spmem:s24] =	stream.indirect.scatter.add.f32 [tilespmem:s18], [sflag:$0x6], $0x80, s5, s16, $0xb8;
	[tilespmem:$0x1F300] =	vst v63  }
0x13d: {  	s2 =	sadd.s32 $0x0, s12  }
0x13e: {  	[tilespmem:s22], [sflag:$0x9] =	stream.linear.gather [hbm4b:s2+s3], $0x80, $0x38;
	[tilespmem:$0x1F300] =	vst v63  }
0x13f: {  	_ =	swait.ge [sflag:s9], $0x3000  }
0x140: {  	s11 =	sadd.s32 $0x0, s30;
	[sflag:s9] =	ssyncset.done $0x0  }
0x141: {  	s18 =	sadd.s32 $0x30, s11;
	[sflag:s9] =	ssyncadd.s32 $0xFFFFD000  }
0x142: {  	[tilespmem:s17], [sflag:$0xA] =	stream.linear.gather [hbm4b:s18+s3], $0x80, $0x38;
	[tilespmem:$0x1F300] =	vst v63  }
0x143: {  	_ =	swait.ge [sflag:s15], $0x80  }
0x144: {  	[sflag:s15] =	ssyncset.done $0x0  }
0x145: {  	[sflag:s15] =	ssyncadd.s32 $0xFFFFFF80  }
0x146: {  	[tilespmem:s26], [sflag:$0x1] =	stream.indirect.gather [hbm4b:s0+s16], $0x80, s13, s16, $0xb8;
	[tilespmem:$0x1F300] =	vst v63  }
0x147: {  	_ =	swait.ge [sflag:s20], $0x3000  }
0x148: {  	[sflag:s20] =	ssyncset.done $0x0  }
0x149: {  	[sflag:s20] =	ssyncadd.s32 $0xFFFFD000  }
0x14a: {  	_ =	swait.ge [sflag:s21], $0x80  }
0x14b: {  	s12 =	smin.u32 s1, $0xCB;
	s22 =	rddreg [dreg:$0x5]  }
0x14c: {  	[sflag:s21] =	ssyncset.done $0x0;
	s18 =	sadd.s32 s12, s22  }
0x14d: {  	[sflag:s21] =	ssyncadd.s32 $0xFFFFFF80;
	s18 =	sshll.u32 s18, $0x4  }
0x14e: {  	[spmem:s24] =	stream.indirect.scatter.add.f32 [tilespmem:s26], [sflag:$0x4], $0x80, s17, s16, $0xb8;
	[tilespmem:$0x1F300] =	vst v63  }
0x14f: {  	s18 =	sadd.s32 s6, s18  }
0x150: {  	[tilespmem:s13], [sflag:$0x7] =	stream.linear.gather [hbm4b:s18+s3], $0x80, $0x38;
	[tilespmem:$0x1F300] =	vst v63  }
0x151: {  	_ =	swait.ge [sflag:s7], $0x3000  }
0x152: {  	[sflag:s7] =	ssyncset.done $0x0  }
0x153: {  	s2 =	simm.s32 $0x14200;
	s26 =	sadd.s32 $0x40, s11;
	[sflag:s7] =	ssyncadd.s32 $0xFFFFD000  }
0x154: {  	[tilespmem:s2], [sflag:$0xB] =	stream.linear.gather [hbm4b:s26+s3], $0x80, $0x38;
	[tilespmem:$0x1F300] =	vst v63  }
0x155: {  	_ =	swait.ge [sflag:s23], $0x80  }
0x156: {  	[sflag:s23] =	ssyncset.done $0x0  }
0x157: {  	s14 =	simm.s32 $0x14080;
	s12 =	simm.s32 $0x17300;
	[sflag:s23] =	ssyncadd.s32 $0xFFFFFF80  }
0x158: {  	[tilespmem:s12], [sflag:$0x2] =	stream.indirect.gather [hbm4b:s0+s16], $0x80, s14, s16, $0xb8;
	[tilespmem:$0x1F300] =	vst v63  }
0x159: {  	_ =	swait.ge [sflag:s25], $0x3000  }
0x15a: {  	[sflag:s25] =	ssyncset.done $0x0  }
0x15b: {  	[sflag:s25] =	ssyncadd.s32 $0xFFFFD000  }
0x15c: {  	_ =	swait.ge [sflag:s28], $0x80  }
0x15d: {  	s30 =	smin.u32 s1, $0xCA;
	s13 =	rddreg [dreg:$0x11]  }
0x15e: {  	[sflag:s28] =	ssyncset.done $0x0;
	s18 =	sadd.s32 s30, s13  }
0x15f: {  	[sflag:s28] =	ssyncadd.s32 $0xFFFFFF80;
	s18 =	sshll.u32 s18, $0x4  }
0x160: {  	[spmem:s24] =	stream.indirect.scatter.add.f32 [tilespmem:s12], [sflag:$0x5], $0x80, s2, s16, $0xb8;
	[tilespmem:$0x1F300] =	vst v63  }
0x161: {  	s18 =	sadd.s32 s6, s18  }
0x162: {  	[tilespmem:s14], [sflag:$0x8] =	stream.linear.gather [hbm4b:s18+s3], $0x80, $0x38;
	[tilespmem:$0x1F300] =	vst v63  }
0x163: {  	_ =	swait.ge [sflag:s8], $0x3000  }
0x164: {  	s19 =	smov.u32 s0;
	[sflag:s8] =	ssyncset.done $0x0  }
0x165: {  	s29 =	simm.s32 $0x14300;
	s11 =	sadd.s32 $0x50, s11;
	[sflag:s8] =	ssyncadd.s32 $0xFFFFD000  }
0x166: {  	[tilespmem:s5], [sflag:$0xC] =	stream.linear.gather [hbm4b:s11+s3], $0x80, $0x38;
	[tilespmem:$0x1F300] =	vst v63  }
0x167: {  	s22 =	simm.s32 $0x14180;
	s17 =	simm.s32 $0x14000;
	_ =	swait.ge [sflag:s10], $0x80  }
0x168: {  	s26 =	simm.s32 $0x14100;
	s11 =	simm.s32 $0x30;
	[sflag:s10] =	ssyncset.done $0x0  }
.LBB2_5:
0x169: {  	[sflag:s10] =	ssyncadd.s32 $0xFFFFFF80;
	s2 =	simm.s32 $0x1A300  }
0x16a: {  	[tilespmem:s2], [sflag:$0x3] =	stream.indirect.gather [hbm4b:s19+s16], $0x80, s26, s16, $0xb8;
	[tilespmem:$0x1F300] =	vst v63  }
0x16b: {  	_ =	swait.ge [sflag:s4], $0x3000  }
0x16c: {  	[sflag:s4] =	ssyncset.done $0x0  }
0x16d: {  	[sflag:s4] =	ssyncadd.s32 $0xFFFFD000  }
0x16e: {  	_ =	swait.ge [sflag:s31], $0x80  }
0x16f: {  	s18 =	smov.u32 s11;
	[sflag:s31] =	ssyncset.done $0x0  }
0x170: {  	s5 =	simm.s32 $0x14280;
	s12 =	rddreg [dreg:$0x6];
	[sflag:s31] =	ssyncadd.s32 $0xFFFFFF80  }
0x171: {  	[spmem:s24] =	stream.indirect.scatter.add.f32 [tilespmem:s2], [sflag:$0x6], $0x80, s5, s16, $0xb8;
	[tilespmem:$0x1F300] =	vst v63  }
0x172: {  	s14 =	sadd.s32 s18, s12  }
0x173: {  	[tilespmem:s26], [sflag:$0x9] =	stream.linear.gather [hbm4b:s14+s3], $0x80, $0x38;
	[tilespmem:$0x1F300] =	vst v63  }
0x174: {  	_ =	swait.ge [sflag:s9], $0x3000  }
0x175: {  	s19 =	rddreg [dreg:$0x4]  }
0x176: {  	[sflag:s9] =	ssyncset.done $0x0;
	s18 =	sadd.s32 s18, s19  }
0x177: {  	[sflag:s9] =	ssyncadd.s32 $0xFFFFD000;
	s2 =	sadd.s32 $0x30, s18  }
0x178: {  	[tilespmem:s22], [sflag:$0xA] =	stream.linear.gather [hbm4b:s2+s3], $0x80, $0x38;
	[tilespmem:$0x1F300] =	vst v63  }
0x179: {  	_ =	swait.ge [sflag:s15], $0x80  }
0x17a: {  	[sflag:s15] =	ssyncset.done $0x0  }
0x17b: {  	[sflag:s15] =	ssyncadd.s32 $0xFFFFFF80  }
0x17c: {  	[tilespmem:s29], [sflag:$0x1] =	stream.indirect.gather [hbm4b:s0+s16], $0x80, s17, s16, $0xb8;
	[tilespmem:$0x1F300] =	vst v63  }
0x17d: {  	_ =	swait.ge [sflag:s20], $0x3000  }
0x17e: {  	[sflag:s20] =	ssyncset.done $0x0  }
0x17f: {  	[sflag:s20] =	ssyncadd.s32 $0xFFFFD000  }
0x180: {  	s1 =	sadd.s32 $0x3, s1;
	_ =	swait.ge [sflag:s21], $0x80  }
0x181: {  	s12 =	smin.u32 s1, $0xCB;
	s14 =	rddreg [dreg:$0x5]  }
0x182: {  	[sflag:s21] =	ssyncset.done $0x0;
	s19 =	sadd.s32 s12, s14  }
0x183: {  	[sflag:s21] =	ssyncadd.s32 $0xFFFFFF80;
	s19 =	sshll.u32 s19, $0x4  }
0x184: {  	[spmem:s24] =	stream.indirect.scatter.add.f32 [tilespmem:s29], [sflag:$0x4], $0x80, s22, s16, $0xb8;
	[tilespmem:$0x1F300] =	vst v63  }
0x185: {  	s19 =	sadd.s32 s6, s19  }
0x186: {  	[tilespmem:s17], [sflag:$0x7] =	stream.linear.gather [hbm4b:s19+s3], $0x80, $0x38;
	[tilespmem:$0x1F300] =	vst v63  }
0x187: {  	_ =	swait.ge [sflag:s7], $0x3000  }
0x188: {  	[sflag:s7] =	ssyncset.done $0x0  }
0x189: {  	s12 =	sadd.s32 $0x40, s18;
	s14 =	simm.s32 $0x14200;
	[sflag:s7] =	ssyncadd.s32 $0xFFFFD000  }
0x18a: {  	[tilespmem:s14], [sflag:$0xB] =	stream.linear.gather [hbm4b:s12+s3], $0x80, $0x38;
	[tilespmem:$0x1F300] =	vst v63  }
0x18b: {  	_ =	swait.ge [sflag:s23], $0x80  }
0x18c: {  	[sflag:s23] =	ssyncset.done $0x0  }
0x18d: {  	s2 =	simm.s32 $0x17300;
	s12 =	simm.s32 $0x14080;
	[sflag:s23] =	ssyncadd.s32 $0xFFFFFF80  }
0x18e: {  	[tilespmem:s2], [sflag:$0x2] =	stream.indirect.gather [hbm4b:s0+s16], $0x80, s12, s16, $0xb8;
	[tilespmem:$0x1F300] =	vst v63  }
0x18f: {  	_ =	swait.ge [sflag:s25], $0x3000  }
0x190: {  	[sflag:s25] =	ssyncset.done $0x0  }
0x191: {  	[sflag:s25] =	ssyncadd.s32 $0xFFFFD000  }
0x192: {  	s19 =	smin.u32 s1, $0xCA;
	_ =	swait.ge [sflag:s28], $0x80  }
0x193: {  	s19 =	sadd.s32 s19, s13;
	[sflag:s28] =	ssyncset.done $0x0  }
0x194: {  	s19 =	sshll.u32 s19, $0x4;
	[sflag:s28] =	ssyncadd.s32 $0xFFFFFF80  }
0x195: {  	[spmem:s24] =	stream.indirect.scatter.add.f32 [tilespmem:s2], [sflag:$0x5], $0x80, s14, s16, $0xb8;
	[tilespmem:$0x1F300] =	vst v63  }
0x196: {  	s19 =	sadd.s32 s6, s19  }
0x197: {  	[tilespmem:s12], [sflag:$0x8] =	stream.linear.gather [hbm4b:s19+s3], $0x80, $0x38;
	[tilespmem:$0x1F300] =	vst v63  }
0x198: {  	p1 =	seq.s32 s11, $0xCC0;
	_ =	swait.ge [sflag:s8], $0x3000  }
.Ltmp6:
0x199: {  	[sflag:s8] =	ssyncset.done $0x0;
	(pc) =	sbr.rel @!p1 .LBB2_5-.Ltmp6, $4  }
0x19a: {  	s18 =	sadd.s32 $0x50, s18;
	[sflag:s8] =	ssyncadd.s32 $0xFFFFD000  }
0x19b: {  	[tilespmem:s5], [sflag:$0xC] =	stream.linear.gather [hbm4b:s18+s3], $0x80, $0x38;
	[tilespmem:$0x1F300] =	vst v63  }
0x19c: {  	s11 =	sadd.s32 $0x30, s11;
	_ =	swait.ge [sflag:s10], $0x80  }
0x19d: {  	s30 =	simm.s32 $0x1A300;
	s19 =	smov.u32 s0;
	[sflag:s10] =	ssyncset.done $0x0  }
.Ltmp7:
0x19e: {  	_ = 	snop;
	(pc) =	sbr.rel .LBB2_6-.Ltmp7, $1  }
0x19f: {  	_ =	sdelay $0x3  }
.LBB2_11:
0x1a0: {  	_ =	sfence.sel $0x180000  }
0x1a1: {  	[bflag:$0x0] =	sbarrier.arrive $0xFFFF  }
0x1a2: {  	_ =	strace $0x9000004D  }
0x1a3: {  	s0 =	stileid.u32;
	[bflag:$0x2] =	sbarrier.arrive $0xFFFF  }
0x1a4: {  	p0 =	sne.s32 s0, $0x0;
	s0 =	rddreg [dreg:$0x3]  }
0x1a5: {  	s0 =	sadd.s32 @!p0 $0x100000, s0  }
0x1a6: {  	[sflag:s0] =	ssyncadd.tile.s32 @!p0 $0x1;
	_ =	shalt  }
.Lfunc_end2:
_tile_overlayer_lowered:
.L_overlay_start_2:
0x1a7: {  	(tag) =	ssettag $0x2  }
0x1a8: {  	s0 =	rddreg [dreg:$0x0];
	s2 =	stileid.u32  }
0x1a9: {  	s1 =	rddreg [dreg:$0x1];
	p0 =	sne.s32 s2, $0x0  }
0x1aa: {  	s3 =	rddreg [dreg:$0x2];
	[bflag:$0x3] =	sbarrier.arrive $0xFFFF;
	s2 =	simm.s32 @!p0 $0x1C0D  }
0x1ab: {  	[timem:s3], [sflag:s2] =	dma.local @!p0 [hbm:s0], s1  }
0x1ac: {  	s0 =	simm.s32 @!p0 $0xD  }
0x1ad: {  	_ =	swait.ge @!p0 [sflag:s0], s1  }
0x1ae: {  	s1 =	ssub.s32 @!p0 $0x0, s1;
	[sflag:s0] =	ssyncset.done @!p0 $0x0  }
0x1af: {  	[sflag:s0] =	ssyncadd.s32 @!p0 s1  }
0x1b0: {  	[bflag:$0x3] =	sbarrier.arrive $0xFFFF  }
0x1b1: {  	_ =	shalt  }

// kernel: kernel.8.cloned.1.call-start
scs
__scs_entry_jumppad:
0x0: {  	(pc) =	sbr.rel $0x88, $3  }
0x1: {  	(tag) =	ssettag $0x0;
	lr =	simm.s32 $0x1  }
0x2: {  	[smem:$0x3F9B] =	sst lr;
	_ =	strace $0xD0000000  }
0x3: {  	_ = 	snop  }
0x4: {  	_ = 	snop  }
0x5: {  	_ = 	snop  }
0x6: {  	_ = 	snop  }
0x7: {  	_ = 	snop  }
__scs_overlays_trampoline_lowered:
0x8: {  	[smem:$0x3FAA] =	sst s0  }
0x9: {  	[smem:$0x3FAB] =	sst s1  }
0xa: {  	[smem:$0x3FAC] =	sst s2  }
0xb: {  	[smem:$0x3FAD] =	sst s3  }
0xc: {  	[smem:$0x3FAE] =	sst s4  }
0xd: {  	[smem:$0x3FAF] =	sst s5  }
0xe: {  	[smem:$0x3FB0] =	sst s6  }
0xf: {  	[smem:$0x3FB1] =	sst s7  }
0x10: {  	[smem:$0x3FB2] =	sst s8  }
0x11: {  	[smem:$0x3FB3] =	sst s9;
	s0 =	simm.s32 @!p0 $0x0  }
0x12: {  	s1 =	sld [smem:$0x3F99];
	s0 =	simm.s32 @p0 $0x1  }
0x13: {  	[smem:$0x3FB4] =	sst s0;
	s0 =	simm.s32 @!p1 $0x0  }
0x14: {  	s2 =	sld [smem:$0x3F98];
	s0 =	simm.s32 @p1 $0x1  }
0x15: {  	[smem:$0x3FB5] =	sst s0;
	s0 =	simm.s32 @!p2 $0x0  }
0x16: {  	s3 =	sld [smem:$0x3FDB];
	s0 =	simm.s32 @p2 $0x1  }
0x17: {  	s4 =	simm.s32 $0x1BF5;
	[smem:$0x3FB7] =	sst s0  }
0x18: {  	s0 =	sld [smem:$0x3F9A];
	_ =	swait.ge [sflag:s4], $0x0  }
0x19: {  	s7 =	sld [smem:$0x3F9B]  }
0x1a: {  	s8 =	sadd.s32 $0xFFFFE003, lr  }
0x1b: {  	s9 =	sadd.s32 $0xFFFFFEF7, lr;
	s5 =	simm.s32 $0xFFFFFFFF;
	p2 =	slt.u32 s8, $0xFFFFF086  }
0x1c: {  	p1 =	slt.u32 s9, $0xF7A;
	s5 =	simm.s32 @!p2 $0x0  }
0x1d: {  	s5 =	simm.s32 @p1 $0x1;
	p0 =	seq.s32 s7, s2  }
0x1e: {  	s7 =	smul.u32 @!p0 $0xF7A, s2;
	p2 =	seq.s32 @!p0 s5, $0x0  }
0x1f: {  	s9 =	smul.u32 $0xF7A, s1;
	s8 =	simm.s32 @!p0 $0x1BF5;
	p2 =	por !p2, p0  }
0x20: {  	[sflag:s8] =	ssyncset.s32 @!p0 $0xFFFFF086;
	s6 =	sadd.s32 @!p0 s3, s7;
	s7 =	simm.s32 @!p0 $0x108  }
0x21: {  	s3 =	sadd.s32 s3, s9;
	s6 =	sadd.s32 @!p0 $0x88, s6;
	s7 =	simm.s32 @p2 $0x1082  }
0x22: {  	[simem:s7], [sflag:s8] =	dma.local @!p0 [hbm:s6], $0xF7A  }
0x23: {  	s9 =	sor.u32 $0xD0000000, s2;
	s6 =	simm.s32 $0x108;
	_ =	swait.ge @!p0 [sflag:s8], $0x0  }
0x24: {  	s3 =	sadd.s32 $0x88, s3;
	s6 =	simm.s32 @!p1 $0x1082;
	[sflag:s4] =	ssyncset.s32 $0xFFFFF086  }
0x25: {  	[simem:s6], [sflag:s4] =	dma.local [hbm:s3], $0xF7A  }
0x26: {  	[smem:$0x3F9B] =	sst s1;
	(tag) =	ssettag s2;
	_ =	strace s9  }
0x27: {  	s1 =	sld [smem:$0x3FAB]  }
0x28: {  	s2 =	sld [smem:$0x3FAC]  }
0x29: {  	s4 =	sld [smem:$0x3FAE]  }
0x2a: {  	p0 =	seq.s32 s5, $0x0;
	s5 =	sld [smem:$0x3FAF]  }
0x2b: {  	s6 =	sld [smem:$0x3FB0]  }
0x2c: {  	s7 =	sld [smem:$0x3FB1]  }
0x2d: {  	s3 =	simm.s32 $0x108;
	s8 =	sld [smem:$0x3FB2]  }
0x2e: {  	s3 =	simm.s32 @!p0 $0x1082;
	s9 =	sld [smem:$0x3FB3]  }
0x2f: {  	lr =	sadd.s32 s0, s3;
	s0 =	sld [smem:$0x3FAA]  }
0x30: {  	s3 =	sld [smem:$0x3FAD]  }
0x31: {  	[smem:$0x3FB6] =	sst s10  }
0x32: {  	s10 =	sld [smem:$0x3FB4];
	_ =	sdelay $0x3  }
0x33: {  	p0 =	seq.s32 s10, $0x1;
	s10 =	sld [smem:$0x3FB6];
	_ =	sdelay $0x3  }
0x34: {  	[smem:$0x3FB6] =	sst s10  }
0x35: {  	s10 =	sld [smem:$0x3FB5];
	_ =	sdelay $0x3  }
0x36: {  	p1 =	seq.s32 s10, $0x1;
	s10 =	sld [smem:$0x3FB6];
	_ =	sdelay $0x3  }
0x37: {  	[smem:$0x3FB6] =	sst s10  }
0x38: {  	s10 =	sld [smem:$0x3FB7]  }
0x39: {  	_ = 	snop;
	(pc) =	sbr.ind lr, $3  }
0x3a: {  	_ = 	snop  }
0x3b: {  	_ = 	snop  }
0x3c: {  	p2 =	seq.s32 s10, $0x1;
	s10 =	sld [smem:$0x3FB6]  }
0x3d: {  	_ =	shalt  }
0x3e: {  	_ =	shalt  }
0x3f: {  	_ =	shalt  }
0x40: {  	_ =	shalt  }
0x41: {  	_ =	shalt  }
0x42: {  	_ =	shalt  }
0x43: {  	_ =	shalt  }
0x44: {  	_ =	shalt  }
0x45: {  	_ =	shalt  }
0x46: {  	_ =	shalt  }
0x47: {  	_ =	shalt  }
0x48: {  	_ =	shalt  }
0x49: {  	_ =	shalt  }
0x4a: {  	_ =	shalt  }
0x4b: {  	_ =	shalt  }
0x4c: {  	_ =	shalt  }
0x4d: {  	_ =	shalt  }
0x4e: {  	_ =	shalt  }
0x4f: {  	_ =	shalt  }
0x50: {  	_ =	shalt  }
0x51: {  	_ =	shalt  }
0x52: {  	_ =	shalt  }
0x53: {  	_ =	shalt  }
0x54: {  	_ =	shalt  }
0x55: {  	_ =	shalt  }
0x56: {  	_ =	shalt  }
0x57: {  	_ =	shalt  }
0x58: {  	_ =	shalt  }
0x59: {  	_ =	shalt  }
0x5a: {  	_ =	shalt  }
0x5b: {  	_ =	shalt  }
0x5c: {  	_ =	shalt  }
0x5d: {  	_ =	shalt  }
0x5e: {  	_ =	shalt  }
0x5f: {  	_ =	shalt  }
0x60: {  	_ =	shalt  }
0x61: {  	_ =	shalt  }
0x62: {  	_ =	shalt  }
0x63: {  	_ =	shalt  }
0x64: {  	_ =	shalt  }
0x65: {  	_ =	shalt  }
0x66: {  	_ =	shalt  }
0x67: {  	_ =	shalt  }
0x68: {  	_ =	shalt  }
0x69: {  	_ =	shalt  }
0x6a: {  	_ =	shalt  }
0x6b: {  	_ =	shalt  }
0x6c: {  	_ =	shalt  }
0x6d: {  	_ =	shalt  }
0x6e: {  	_ =	shalt  }
0x6f: {  	_ =	shalt  }
0x70: {  	_ =	shalt  }
0x71: {  	_ =	shalt  }
0x72: {  	_ =	shalt  }
0x73: {  	_ =	shalt  }
0x74: {  	_ =	shalt  }
0x75: {  	_ =	shalt  }
0x76: {  	_ =	shalt  }
0x77: {  	_ =	shalt  }
0x78: {  	_ =	shalt  }
0x79: {  	_ =	shalt  }
0x7a: {  	_ =	shalt  }
0x7b: {  	_ =	shalt  }
0x7c: {  	_ =	shalt  }
0x7d: {  	_ =	shalt  }
0x7e: {  	_ =	shalt  }
0x7f: {  	_ =	shalt  }
0x80: {  	_ =	shalt  }
0x81: {  	_ =	shalt  }
0x82: {  	_ =	shalt  }
0x83: {  	_ =	shalt  }
0x84: {  	_ =	shalt  }
0x85: {  	_ =	shalt  }
0x86: {  	_ =	shalt  }
0x87: {  	_ =	shalt  }
.Lfunc_end0:
.L_simem_size_0:
called_computation_lowered:
.L_overlay_start_0:
0x88: {  	s2 =	sld [smem:$0x3FD9]  }
0x89: {  	s3 =	sld [smem:$0x3FFE];
	_ =	sdelay $0x1  }
0x8a: {  	s1 =	srdreg.scid  }
0x8b: {  	s0 =	sand.u32 $0x1, s1  }
0x8c: {  	s16 =	sshll.u32 s0, $0xA;
	s2 =	sadd.s32 s3, s2  }
0x8d: {  	s2 =	sadd.s32 s2, s16  }
0x8e: {  	[smem:$0x3FC2] =	sst s2  }
0x8f: {  	_ = 	snop  }
0x90: {  	(tm) =	ssettm $0x1  }
0x91: {  	s17 =	sld [smem:$0x3FFB];
	_ =	sdelay $0x3  }
0x92: {  	_ =	strace s17  }
0x93: {  	s2 =	sld [smem:$0x3FFC];
	_ =	sdelay $0x3  }
0x94: {  	_ =	strace s2  }
0x95: {  	s2 =	sld [smem:$0x3FFD];
	_ =	sdelay $0x3  }
0x96: {  	_ =	strace s2  }
0x97: {  	_ =	strace $0x8FFFFFFF  }
0x98: {  	s18 =	sld [smem:$0x3FDB];
	_ =	sdelay $0x1  }
0x99: {  	s19 =	simm.s32 $_scs_section_size  }
0x9a: {  	s4 =	simm.s32 $_size__tile_overlayer_lowered;
	s5 =	simm.s32 $_tile_overlayer_lowered  }
0x9b: {  	s22 =	simm.s32 $0x1BFF;
	s21 =	sshll.u32 s5, $0x1;
	s2 =	sadd.s32 s19, s18  }
0x9c: {  	s6 =	simm.s32 $0x0;
	s20 =	sshll.u32 s4, $0x1;
	s4 =	sadd.s32 s21, s2  }
0x9d: {  	[timem:s6], [sflag:s22] =	dma.local [hbm:s4], s20  }
0x9e: {  	_ =	swait.ge [sflag:s22], s20  }
0x9f: {  	s3 =	ssub.s32 $0x0, s20;
	[sflag:s22] =	ssyncset.done $0x0  }
0xa0: {  	[sflag:s22] =	ssyncadd.s32 s3;
	_ =	sdelay $0x1  }
0xa1: {  	s23 =	simm.s32 $0x1B8B  }
0xa2: {  	_ =	swait.ge [sflag:s23], $0x1  }
0xa3: {  	[sflag:s23] =	ssyncset.done $0x0  }
0xa4: {  	s25 =	simm.s32 $0x1B8E;
	s24 =	sld [smem:$0x3FFE];
	[sflag:s23] =	ssyncadd.s32 $0xFFFFFFFF  }
0xa5: {  	s26 =	simm.s32 $execute0_lowered;
	[smem:$0x3FD2] =	sst s25  }
0xa6: {  	s4 =	sshll.u32 s26, $0x1;
	_ =	strace $0x80000046;
	[dreg:$0x1] =	wrdreg $0xFFFFFFFF  }
0xa7: {  	s28 =	simm.s32 $_size_execute0_lowered;
	s2 =	sadd.s32 s2, s4;
	[dreg:$0x0] =	wrdreg $0x0  }
0xa8: {  	s4 =	sshll.u32 s28, $0x1;
	[dreg:$0x2] =	wrdreg s2  }
0xa9: {  	[dreg:$0x3] =	wrdreg s4  }
0xaa: {  	[dreg:$0x4] =	wrdreg $0xC0  }
0xab: {  	_ =	task [dreg:s6], $0x5FFFF  }
0xac: {  	[dreg:$0x1] =	wrdreg $0xFFFFFFFF  }
0xad: {  	[dreg:$0x0] =	wrdreg $0x60  }
0xae: {  	[dreg:$0x2] =	wrdreg s24  }
0xaf: {  	[dreg:$0x3] =	wrdreg $0x9  }
0xb0: {  	_ =	task.clear_ibuf [dreg:s6], $0x4FFFF;
	_ =	strace $0x90000046  }
0xb1: {  	s29 =	simm.s32 $0x9;
	_ =	strace $0x80000048  }
0xb2: {  	_ =	swait.ge [sflag:s29], $0x1  }
0xb3: {  	[sflag:s29] =	ssyncadd.s32 $0xFFFFFFFF  }
0xb4: {  	_ =	strace $0x90000048  }
0xb5: {  	_ =	sfence  }
0xb6: {  	s30 =	sld [smem:$0x0];
	_ =	sdelay $0x2  }
0xb7: {  	s31 =	sshll.u32 s1, $0xD;
	s1 =	sshrl.u32 s1, $0x2  }
0xb8: {  	s3 =	sand.u32 $0x4000, s31;
	s1 =	sadd.s32 s1, s30  }
0xb9: {  	s0 =	sor.u32 s3, s0;
	s1 =	sshll.u32 s1, $0x11  }
0xba: {  	s0 =	sor.u32 s1, s0  }
0xbb: {  	s0 =	sadd.s32 $0x8F2B, s0  }
0xbc: {  	[sflag:s0] =	ssyncadd.remote.s32 $0x1  }
0xbd: {  	_ =	sfence.sel $0xFFFF  }
0xbe: {  	[dreg:$0x0] =	wrdreg $0xFFFFFFFF;
	(pc) =	sbr.abs _section_cstart, $3  }
0xbf: {  	[dreg:$0x1] =	wrdreg $0xFFFFFFFF  }
0xc0: {  	_ =	task.clear_ibuf [dreg:s6], $0x2FFFF;
	_ =	strace $0x9FFFFFFF  }
0xc1: {  	(tm) =	ssettm $0x7FFFFFFF  }
tec
execute0_lowered:
.L_overlay_start_1:
0x0: {  	(tag) =	ssettag $0x1  }
0x1: {  	s1 =	srdreg.scid  }
0x2: {  	s0 =	stileid.u32;
	s3 =	rddreg [dreg:$0x0]  }
0x3: {  	s2 =	simm.s32 $0x0;
	s4 =	sand.u32 $0x1, s1;
	s5 =	sshll.u32 s0, $0x1  }
0x4: {  	s10 =	simm.s32 $0x7780;
	s11 =	simm.s32 $0x2800;
	s5 =	sor.u32 s4, s5  }
0x5: {  	s12 =	simm.s32 $0x0;
	s1 =	rddreg [dreg:$0x1];
	s6 =	smul.u32 $0x4EC, s5  }
0x6: {  	[smem:$0x7FF] =	sst s2;
	s31 =	ssub.s32 $0x2, s4;
	s7 =	smul.u32 $0x2800, s5  }
0x7: {  	s8 =	sadd.s32 $0x17C00, s3;
	s4 =	sshrl.u32 s31, $0x1;
	s5 =	smul.u32 $0x500, s5  }
0x8: {  	_ =	strace $0x80000047;
	s9 =	ssub.s32 s31, s4;
	s6 =	sadd.s32 s6, s3  }
0x9: {  	s7 =	sshrl.u32 s7, $0x3;
	s5 =	sadd.s32 s8, s5;
	s3 =	sadd.s32 $0xDE00, s6  }
0xa: {  	s7 =	sadd.s32 s8, s7;
	s4 =	sadd.s32 $0x4000, s6;
	s8 =	simm.s32 $0x5000  }
0xb: {  	v0 =	vimm.f32 $0.0e+00;
	v1 =	vimm.f32 $1.000000000e+00;
	s6 =	sadd.s32 $0xA000, s7;
	s7 =	smax.u32 s9, $0x1;
	s9 =	simm.s32 $0x1  }
.LBB2_1:
0xc: {  	s13 =	simm.s32 $0x40;
	s14 =	simm.s32 $0x0  }
.LBB2_2:
0xd: {  	p0 =	sne.s32 s13, $0x9FC0;
	[tilespmem:s14+$0x0] =	vst v0;
	s15 =	smov.u32 s13;
	s13 =	sadd.s32 $0x40, s13  }
.Ltmp0:
0xe: {  	[tilespmem:s14+$0x2800] =	vst v0;
	(pc) =	sbr.rel @p0 .LBB2_2-.Ltmp0, $2  }
0xf: {  	_ =	sdelay $0x2  }
0x10: {  	s14 =	sshra.s32 s15, $0x2  }
0x11: {  	[tilespmem:s14+$0x0] =	vst v0  }
0x12: {  	[tilespmem:s14+$0x2800] =	vst v0;
	s13 =	simm.s32 $0x0  }
0x13: {  	[tilespmem:s8], [sflag:$0x1] =	stream.linear.gather [hbm4b:s3+s13], $0x2760, $0x38;
	[tilespmem:$0x9F00] =	vst v63  }
0x14: {  	_ =	swait.ge [sflag:s9], $0x2760  }
0x15: {  	[sflag:s9] =	ssyncset.done $0x0  }
0x16: {  	[sflag:s9] =	ssyncadd.s32 $0xFFFFD8A0  }
0x17: {  	[tilespmem:s10], [sflag:$0x1] =	stream.linear.gather [hbm4b:s4+s13], $0x2760, $0x38;
	[tilespmem:$0x9F00] =	vst v63  }
0x18: {  	_ =	swait.ge [sflag:s9], $0x2760  }
0x19: {  	[sflag:s9] =	ssyncset.done $0x0  }
0x1a: {  	s14 =	simm.s32 $0x0;
	s13 =	simm.s32 $0x40;
	[sflag:s9] =	ssyncadd.s32 $0xFFFFD8A0  }
.LBB2_4:
0x1b: {  	p0 =	sne.s32 s13, $0x9D40;
	v2 =	vld [tilespmem:s14+$0x5000];
	_ =	sdelay $0x7  }
0x1c: {  	[tilespmem:v2+s2+$0x0] =	vst.idx.add.f32.msk $0xffff, v1  }
0x1d: {  	v2 =	vld [tilespmem:s14+$0x7780];
	_ =	sdelay $0x3  }
.Ltmp1:
0x1e: {  	(pc) =	sbr.rel @p0 .LBB2_4-.Ltmp1, $2  }
0x1f: {  	_ =	sdelay $0x2  }
0x20: {  	s14 =	sshra.s32 s13, $0x2;
	s13 =	sadd.s32 $0x40, s13;
	[tilespmem:v2+s11+$0x0] =	vst.idx.add.f32.msk $0xffff, v1  }
0x21: {  	v2 =	vld [tilespmem:s14+$0x5000];
	_ =	sdelay $0x7  }
0x22: {  	[tilespmem:v2+s2+$0x0] =	vst.idx.add.f32.msk $0xffff, v1  }
0x23: {  	v2 =	vld [tilespmem:s14+$0x7780];
	_ =	sdelay $0x7  }
0x24: {  	[tilespmem:v2+s11+$0x0] =	vst.idx.add.f32.msk $0xffff, v1  }
0x25: {  	[hbm4b:s5+s2] =	stream.linear.scatter [tilespmem:s2], [sflag:$0x1], $0x2800, $0x38;
	[tilespmem:$0x9F00] =	vst v63  }
0x26: {  	s12 =	sadd.s32 $0x1, s12;
	_ =	swait.ge [sflag:s9], $0x2800  }
0x27: {  	p0 =	sne.s32 s12, s7;
	[sflag:s9] =	ssyncset.done $0x0  }
.Ltmp2:
0x28: {  	[sflag:s9] =	ssyncadd.s32 $0xFFFFD800;
	(pc) =	sbr.rel @p0 .LBB2_1-.Ltmp2, $4  }
0x29: {  	[hbm4b:s6+s2] =	stream.linear.scatter [tilespmem:s11], [sflag:$0x1], $0x2800, $0x38;
	[tilespmem:$0x9F00] =	vst v63  }
0x2a: {  	_ =	swait.ge [sflag:s9], $0x2800  }
0x2b: {  	[sflag:s9] =	ssyncset.done $0x0  }
0x2c: {  	[sflag:s9] =	ssyncadd.s32 $0xFFFFD800  }
0x2d: {  	_ =	sfence.sel $0x180000  }
0x2e: {  	[bflag:$0x0] =	sbarrier.arrive $0xFFFF  }
0x2f: {  	p0 =	sne.s32 s0, $0x0;
	_ =	strace $0x90000047  }
0x30: {  	s0 =	sadd.s32 @!p0 $0x100000, s1;
	[bflag:$0x2] =	sbarrier.arrive $0xFFFF  }
0x31: {  	[sflag:s0] =	ssyncadd.tile.s32 @!p0 $0x1;
	_ =	shalt  }
.Lfunc_end2:
_tile_overlayer_lowered:
.L_overlay_start_2:
0x32: {  	(tag) =	ssettag $0x2  }
0x33: {  	s0 =	rddreg [dreg:$0x0];
	s2 =	stileid.u32  }
0x34: {  	s1 =	rddreg [dreg:$0x1];
	p0 =	sne.s32 s2, $0x0  }
0x35: {  	s3 =	rddreg [dreg:$0x2];
	[bflag:$0x3] =	sbarrier.arrive $0xFFFF;
	s2 =	simm.s32 @!p0 $0x1C01  }
0x36: {  	[timem:s3], [sflag:s2] =	dma.local @!p0 [hbm:s0], s1  }
0x37: {  	s0 =	simm.s32 @!p0 $0x1  }
0x38: {  	_ =	swait.ge @!p0 [sflag:s0], s1  }
0x39: {  	s1 =	ssub.s32 @!p0 $0x0, s1;
	[sflag:s0] =	ssyncset.done @!p0 $0x0  }
0x3a: {  	[sflag:s0] =	ssyncadd.s32 @!p0 s1  }
0x3b: {  	[bflag:$0x3] =	sbarrier.arrive $0xFFFF  }
0x3c: {  	_ =	shalt  }

</sc_bundles>
